<compile_context>
chip_gen: v7x
topology: tpu7x:2x2x1
jax: 0.10.2.dev20260603
libtpu: 0.0.44.dev20260713+nightly
codegen_flags: <defaults>
</compile_context>

<pallas_src>
import functools
import math

import jax
import jax.numpy as jnp
import numpy as np
from jax import lax
from jax.experimental import pallas as pl
from jax.experimental.pallas import tpu as pltpu
from jax.experimental.pallas import tpu_sc as plsc

D_MODEL = 1024
MAX_LEN = 5000
PE_DIM = D_MODEL // 4


def _pe_table() -> np.ndarray:
    position = np.arange(MAX_LEN, dtype=np.float32)[:, None]
    div_term = np.exp(
        np.arange(0, PE_DIM, 2).astype(np.float32) * (-math.log(10000.0) / PE_DIM)
    )
    pe = np.zeros((MAX_LEN, PE_DIM), dtype=np.float32)
    pe[:, 0::2] = np.sin(position * div_term)
    pe[:, 1::2] = np.cos(position * div_term)
    return pe


_PE = _pe_table()

_OCHUNK = 64


def _sc_gather(pe, idx, n_out):
    info = plsc.get_sparse_core_info()
    nw = info.num_cores * info.num_subcores
    n_j = n_out // _OCHUNK
    assert n_j * _OCHUNK == n_out
    n_chunks = 4 * n_j

    mesh = plsc.VectorSubcoreMesh(core_axis_name="c", subcore_axis_name="s")

    nbuf = 4

    @functools.partial(
        pl.kernel,
        mesh=mesh,
        out_type=jax.ShapeDtypeStruct((n_out, D_MODEL), jnp.float32),
        scratch_types=(
            [pltpu.VMEM((_OCHUNK,), jnp.int32)] * nbuf
            + [pltpu.VMEM((_OCHUNK, PE_DIM), jnp.float32)] * nbuf
            + [pltpu.SemaphoreType.DMA] * (2 * nbuf)
        ),
    )
    def k(pe_hbm, idx_hbm, out_hbm, *scr):
        idx_vs = scr[:nbuf]
        rows_vs = scr[nbuf : 2 * nbuf]
        gsem = scr[2 * nbuf : 3 * nbuf]
        wsem = scr[3 * nbuf : 4 * nbuf]
        wid = lax.axis_index("s") * info.num_cores + lax.axis_index("c")
        n_mine = (n_chunks - wid + nw - 1) // nw

        def out_slice(u):
            chunk = wid + u * nw
            kk = chunk // n_j
            j = chunk % n_j
            return out_hbm.at[
                pl.ds(j * _OCHUNK, _OCHUNK), pl.ds(kk * PE_DIM, PE_DIM)
            ]

        def start(b, u):
            @pl.when(u < n_mine)
            def _():
                chunk = wid + u * nw
                kk = chunk // n_j
                j = chunk % n_j
                pltpu.sync_copy(
                    idx_hbm.at[pl.ds(kk * n_out + j * _OCHUNK, _OCHUNK)], idx_vs[b]
                )
                pltpu.async_copy(pe_hbm.at[idx_vs[b]], rows_vs[b], gsem[b])

        def flush(b, u):
            @pl.when(u < n_mine)
            def _():
                pltpu.make_async_copy(
                    pe_hbm.at[idx_vs[b]], rows_vs[b], gsem[b]
                ).wait()
                pltpu.async_copy(rows_vs[b], out_slice(u), wsem[b])

        def wdrain(b, u):
            @pl.when(u < n_mine)
            def _():
                pltpu.make_async_copy(rows_vs[b], out_slice(u), wsem[b]).wait()

        for b in range(nbuf):
            start(b, b)

        def body(t, carry):
            u0 = nbuf * t
            for b in range(nbuf):
                flush(b, u0 + b)
            for b in range(nbuf):
                wdrain(b, u0 + b)
                start(b, u0 + nbuf + b)
            return carry

        n_rounds = ((n_chunks + nw - 1) // nw + nbuf - 1) // nbuf
        lax.fori_loop(0, n_rounds, body, 0)

    return k(pe, idx)


def _tc_add_group(seq_t, emb3_g, c0, accs):
    s, b, d = seq_t.shape
    sg = emb3_g.shape[0]
    acc_spec = pl.BlockSpec((1, b, d), lambda c: (c + c0, 0, 0))
    emb_spec = pl.BlockSpec((1, b, d), lambda c: (c, 0, 0))
    any_spec = pl.BlockSpec(memory_space=pl.ANY)

    def body(seq_ref, emb_ref, *rest):
        out_ref, embout_ref = rest[-2:]
        e = emb_ref[...]
        out_ref[...] = seq_ref[...] + e
        embout_ref[...] = e

    operands = [seq_t, emb3_g]
    in_specs = [acc_spec, emb_spec]
    aliases = {}
    if accs is not None:
        operands += list(accs)
        in_specs += [any_spec, any_spec]
        aliases = {2: 0, 3: 1}

    return pl.pallas_call(
        body,
        grid=(sg,),
        in_specs=in_specs,
        out_specs=[acc_spec, acc_spec],
        out_shape=[
            jax.ShapeDtypeStruct((s, b, d), jnp.float32),
            jax.ShapeDtypeStruct((s, b, d), jnp.float32),
        ],
        input_output_aliases=aliases,
    )(*operands)


_BOUNDS = (0, 144, 257)


def kernel(seq, coords, seq_id):
    b, s, d = seq.shape

    ii = jnp.concatenate(
        [coords.astype(jnp.int32), seq_id[..., None].astype(jnp.int32)], axis=-1
    )
    ii = jnp.clip(ii, 0, MAX_LEN - 1)
    ii = jnp.pad(ii, ((0, 0), (1, 0), (0, 0)))
    ii_t = jnp.transpose(ii, (2, 1, 0))

    pe = jnp.asarray(_PE)
    seq_t = jnp.transpose(seq, (1, 0, 2))

    accs = None
    for g in range(len(_BOUNDS) - 1):
        c0, c1 = _BOUNDS[g], _BOUNDS[g + 1]
        sg = c1 - c0
        idx_g = ii_t[:, c0:c1, :].reshape(4 * sg * b)
        emb_g = _sc_gather(pe, idx_g, sg * b)
        accs = _tc_add_group(seq_t, emb_g.reshape(sg, b, d), c0, accs)

    out = jnp.transpose(accs[0], (1, 0, 2))
    emb = jnp.transpose(accs[1], (1, 0, 2))
    return (out, emb)

# --- scband reference (transcript-rebuilt; emitter-appended) ---
"""Pipeline reference for scband-multi-subj-brain-positional-encoding-89240830476809 (READ-ONLY COPY).

The authoritative reference and input builder live on the scoring server;
editing this copy changes nothing except your own understanding.
"""

import jax, jax.numpy as jnp
import numpy as np
import math

D_MODEL = 1024
MAX_LEN = 5000
B = 64
C = 256  # num electrode channels (coords); seq has C+1 incl. CLS


def _make_pe():
    pe_dim = D_MODEL // 4
    position = np.arange(MAX_LEN, dtype=np.float32)[:, None]
    div_term = np.exp(np.arange(0, pe_dim, 2).astype(np.float32) * (-math.log(10000.0) / pe_dim))
    pe = np.zeros((MAX_LEN, pe_dim), dtype=np.float32)
    pe[:, 0::2] = np.sin(position * div_term)
    pe[:, 1::2] = np.cos(position * div_term)
    return jnp.asarray(pe)


def setup_inputs(seed: int = 0) -> dict:
    key = jax.random.key(seed)
    k1, k2, k3 = jax.random.split(key, 3)
    seq = jax.random.normal(k1, (B, C + 1, D_MODEL), dtype=jnp.float32)
    coords = jax.random.randint(k2, (B, C, 3), 0, MAX_LEN).astype(jnp.int64)
    seq_id = jax.random.randint(k3, (B, C), 0, MAX_LEN).astype(jnp.int64)
    return {"seq": seq, "coords": coords, "seq_id": seq_id}


def reference(seq, coords, seq_id):
    pe = _make_pe()  # [MAX_LEN, pe_dim]
    coords = jnp.clip(coords, 0, MAX_LEN - 1)
    seq_id = jnp.clip(seq_id, 0, MAX_LEN - 1)
    # gather per-axis positional encodings: [B, C, 3, pe_dim]
    p_embed = jnp.take(pe, coords, axis=0)
    b, c, a, d = p_embed.shape
    p_embed = p_embed.reshape(b, c, a * d)  # [B, C, 3*pe_dim]
    seq_id_pe = jnp.take(pe, seq_id, axis=0)  # [B, C, pe_dim]
    channel_pe = jnp.concatenate([p_embed, seq_id_pe], axis=-1)  # [B, C, d_model]
    cls_pe = jnp.tile(pe[0], (4,))  # [d_model]
    cls_pe = jnp.broadcast_to(cls_pe[None, None, :], (b, 1, D_MODEL))
    input_embeddings = jnp.concatenate([cls_pe, channel_pe], axis=1)  # [B, C+1, d_model]
    out = seq + input_embeddings
    # dropout p=0.0 / eval mode -> identity
    return (out, input_embeddings)

if __name__ == "__main__":
    import jax
    _d = setup_inputs()
    print(jax.jit(kernel)(*tuple(_d.values())))

</pallas_src>

<mosaic_0001>
#map = affine_map<(d0, d1) -> (0, 0)>
#map1 = affine_map<(d0, d1) -> (0)>
module attributes {stable_mosaic.version = 14 : i64} {
  func.func @k(%arg0: i32, %arg1: i32, %arg2: memref<5000x256xf32, #tpu.memory_space<hbm>>, %arg3: memref<28928xi32, #tpu.memory_space<hbm>>, %arg4: memref<7232x1024xf32, #tpu.memory_space<hbm>>, %arg5: memref<64xi32, #tpu.memory_space<vmem>>, %arg6: memref<64xi32, #tpu.memory_space<vmem>>, %arg7: memref<64xi32, #tpu.memory_space<vmem>>, %arg8: memref<64xi32, #tpu.memory_space<vmem>>, %arg9: memref<64x256xf32, #tpu.memory_space<vmem>>, %arg10: memref<64x256xf32, #tpu.memory_space<vmem>>, %arg11: memref<64x256xf32, #tpu.memory_space<vmem>>, %arg12: memref<64x256xf32, #tpu.memory_space<vmem>>, %arg13: memref<!tpu.dma_semaphore, #tpu.memory_space<semaphore_mem>>, %arg14: memref<!tpu.dma_semaphore, #tpu.memory_space<semaphore_mem>>, %arg15: memref<!tpu.dma_semaphore, #tpu.memory_space<semaphore_mem>>, %arg16: memref<!tpu.dma_semaphore, #tpu.memory_space<semaphore_mem>>, %arg17: memref<!tpu.dma_semaphore, #tpu.memory_space<semaphore_mem>>, %arg18: memref<!tpu.dma_semaphore, #tpu.memory_space<semaphore_mem>>, %arg19: memref<!tpu.dma_semaphore, #tpu.memory_space<semaphore_mem>>, %arg20: memref<!tpu.dma_semaphore, #tpu.memory_space<semaphore_mem>>) attributes {dimension_semantics = [#tpu.dimension_semantics<core_parallel>, #tpu.dimension_semantics<subcore_parallel>], iteration_bounds = array<i64: 2, 16>, scalar_prefetch = 0 : i64, scratch_operands = 16 : i64, tpu.core_type = #tpu.core_type<sc_vector_subcore>, window_params = [{transform_indices = #map}, {transform_indices = #map1}, {transform_indices = #map}]} {
    %mul3A = arith.constant 2 : i32
    %mul3A_0 = arith.muli %arg1, %mul3A : i32
    %add3A = arith.addi %mul3A_0, %arg0 : i32
    %sub3A = arith.constant 452 : i32
    %sub3A_1 = arith.subi %sub3A, %add3A : i32
    %add3A_2 = arith.constant 32 : i32
    %add3A_3 = arith.addi %sub3A_1, %add3A_2 : i32
    %sub3A_4 = arith.constant 1 : i32
    %sub3A_5 = arith.subi %add3A_3, %sub3A_4 : i32
    %jit3A = arith.constant 32 : i32
    %div3A = arith.divsi %sub3A_5, %jit3A : i32
    %sign3A = arith.constant 0 : i32
    %sign3A_6 = arith.cmpi sgt, %sub3A_5, %sign3A : i32
    %sign3A_7 = arith.extui %sign3A_6 : i1 to i32
    %sign3A_8 = arith.constant 0 : i32
    %sign3A_9 = arith.cmpi slt, %sub3A_5, %sign3A_8 : i32
    %sign3A_10 = arith.extui %sign3A_9 : i1 to i32
    %sign3A_11 = arith.subi %sign3A_7, %sign3A_10 : i32
    %sign3A_12 = arith.constant 0 : i32
    %sign3A_13 = arith.cmpi sgt, %jit3A, %sign3A_12 : i32
    %sign3A_14 = arith.extui %sign3A_13 : i1 to i32
    %sign3A_15 = arith.constant 0 : i32
    %sign3A_16 = arith.cmpi slt, %jit3A, %sign3A_15 : i32
    %sign3A_17 = arith.extui %sign3A_16 : i1 to i32
    %sign3A_18 = arith.subi %sign3A_14, %sign3A_17 : i32
    %ne3A = arith.cmpi ne, %sign3A_11, %sign3A_18 : i32
    %rem3A = arith.remsi %sub3A_5, %jit3A : i32
    %ne3A_19 = arith.constant 0 : i32
    %ne3A_20 = arith.cmpi ne, %rem3A, %ne3A_19 : i32
    %and3A = arith.andi %ne3A, %ne3A_20 : i1
    %sub3A_21 = arith.constant 1 : i32
    %sub3A_22 = arith.subi %div3A, %sub3A_21 : i32
    %select_n3A = arith.select %and3A, %sub3A_22, %div3A : i32
    %gt3A = arith.constant 0 : i32
    %gt3A_23 = arith.cmpi sgt, %select_n3A, %gt3A : i32
    %convert_element_type3A = arith.extui %gt3A_23 : i1 to i32
    %cond3A = arith.constant 0 : i32
    %cond3A_24 = arith.cmpi ne, %convert_element_type3A, %cond3A : i32
    scf.if %cond3A_24 {
      %add3A_45 = arith.constant 0 : i32
      %add3A_46 = arith.addi %add3A, %add3A_45 : i32
      %jit3A_47 = arith.constant 113 : i32
      %div3A_48 = arith.divsi %add3A_46, %jit3A_47 : i32
      %sign3A_49 = arith.constant 0 : i32
      %sign3A_50 = arith.cmpi sgt, %add3A_46, %sign3A_49 : i32
      %sign3A_51 = arith.extui %sign3A_50 : i1 to i32
      %sign3A_52 = arith.constant 0 : i32
      %sign3A_53 = arith.cmpi slt, %add3A_46, %sign3A_52 : i32
      %sign3A_54 = arith.extui %sign3A_53 : i1 to i32
      %sign3A_55 = arith.subi %sign3A_51, %sign3A_54 : i32
      %sign3A_56 = arith.constant 0 : i32
      %sign3A_57 = arith.cmpi sgt, %jit3A_47, %sign3A_56 : i32
      %sign3A_58 = arith.extui %sign3A_57 : i1 to i32
      %sign3A_59 = arith.constant 0 : i32
      %sign3A_60 = arith.cmpi slt, %jit3A_47, %sign3A_59 : i32
      %sign3A_61 = arith.extui %sign3A_60 : i1 to i32
      %sign3A_62 = arith.subi %sign3A_58, %sign3A_61 : i32
      %ne3A_63 = arith.cmpi ne, %sign3A_55, %sign3A_62 : i32
      %rem3A_64 = arith.remsi %add3A_46, %jit3A_47 : i32
      %ne3A_65 = arith.constant 0 : i32
      %ne3A_66 = arith.cmpi ne, %rem3A_64, %ne3A_65 : i32
      %and3A_67 = arith.andi %ne3A_63, %ne3A_66 : i1
      %sub3A_68 = arith.constant 1 : i32
      %sub3A_69 = arith.subi %div3A_48, %sub3A_68 : i32
      %select_n3A_70 = arith.select %and3A_67, %sub3A_69, %div3A_48 : i32
      %jit3A_71 = arith.constant 113 : i32
      %eq3A = arith.constant 0 : i32
      %eq3A_72 = arith.cmpi eq, %jit3A_71, %eq3A : i32
      %jit3A_73 = arith.constant 1 : i32
      %select_n3A_74 = arith.select %eq3A_72, %jit3A_73, %jit3A_71 : i32
      %rem3A_75 = arith.remsi %add3A_46, %select_n3A_74 : i32
      %ne3A_76 = arith.constant 0 : i32
      %ne3A_77 = arith.cmpi ne, %rem3A_75, %ne3A_76 : i32
      %lt3A = arith.constant 0 : i32
      %lt3A_78 = arith.cmpi slt, %rem3A_75, %lt3A : i32
      %lt3A_79 = arith.constant 0 : i32
      %lt3A_80 = arith.cmpi slt, %select_n3A_74, %lt3A_79 : i32
      %ne3A_81 = arith.xori %lt3A_78, %lt3A_80 : i1
      %and3A_82 = arith.andi %ne3A_81, %ne3A_77 : i1
      %add3A_83 = arith.addi %rem3A_75, %select_n3A_74 : i32
      %select_n3A_84 = arith.select %and3A_82, %add3A_83, %rem3A_75 : i32
      %mul3A_85 = arith.constant 7232 : i32
      %mul3A_86 = arith.muli %select_n3A_70, %mul3A_85 : i32
      %mul3A_87 = arith.constant 64 : i32
      %mul3A_88 = arith.muli %select_n3A_84, %mul3A_87 : i32
      %add3A_89 = arith.addi %mul3A_86, %mul3A_88 : i32
      "tpu.region"() ({
        %run_scoped3A = tpu.sem_alloc : memref<!tpu.dma_semaphore, #tpu.memory_space<semaphore_mem>>
        %dma_start3A_92 = tpu.memref_slice %arg3[%add3A_89] : memref<28928xi32, #tpu.memory_space<hbm>> -> memref<64xi32, #tpu.memory_space<hbm>>
        %dma_start3A_93 = tpu.memref_slice %arg3[%add3A_89] : memref<28928xi32, #tpu.memory_space<hbm>> -> memref<64xi32, #tpu.memory_space<hbm>>
        tpu.enqueue_dma source(%dma_start3A_93 : memref<64xi32, #tpu.memory_space<hbm>>) target(%arg5 : memref<64xi32, #tpu.memory_space<vmem>>) target_semaphore(%run_scoped3A : memref<!tpu.dma_semaphore, #tpu.memory_space<semaphore_mem>>)
        %dma_wait3A = tpu.memref_slice %arg3[%add3A_89] : memref<28928xi32, #tpu.memory_space<hbm>> -> memref<64xi32, #tpu.memory_space<hbm>>
        %dma_wait3A_94 = tpu.memref_slice %arg3[%add3A_89] : memref<28928xi32, #tpu.memory_space<hbm>> -> memref<64xi32, #tpu.memory_space<hbm>>
        tpu.wait_dma2 semaphore(%run_scoped3A : memref<!tpu.dma_semaphore, #tpu.memory_space<semaphore_mem>>) src(%dma_wait3A_94 : memref<64xi32, #tpu.memory_space<hbm>>) dst(%arg5 : memref<64xi32, #tpu.memory_space<vmem>>)
        tpu.yield
      }) : () -> ()
      %dma_start3A = arith.constant 0 : i32
      %dma_start3A_90 = arith.constant 0 : i32
      %dma_start3A_91 = tpu.memref_slice %arg2[%dma_start3A, %dma_start3A_90] : memref<5000x256xf32, #tpu.memory_space<hbm>> -> memref<5000x256xf32, #tpu.memory_space<hbm>>
      tpu.enqueue_indirect_dma source(%dma_start3A_91 : memref<5000x256xf32, #tpu.memory_space<hbm>>) target(%arg9 : memref<64x256xf32, #tpu.memory_space<vmem>>) offsets(%arg5 : memref<64xi32, #tpu.memory_space<vmem>>) semaphore(%arg13 : memref<!tpu.dma_semaphore, #tpu.memory_space<semaphore_mem>>)
    } else {
    }
    %gt3A_25 = arith.constant 1 : i32
    %gt3A_26 = arith.cmpi sgt, %select_n3A, %gt3A_25 : i32
    %convert_element_type3A_27 = arith.extui %gt3A_26 : i1 to i32
    %cond3A_28 = arith.constant 0 : i32
    %cond3A_29 = arith.cmpi ne, %convert_element_type3A_27, %cond3A_28 : i32
    scf.if %cond3A_29 {
      %add3A_45 = arith.constant 32 : i32
      %add3A_46 = arith.addi %add3A, %add3A_45 : i32
      %jit3A_47 = arith.constant 113 : i32
      %div3A_48 = arith.divsi %add3A_46, %jit3A_47 : i32
      %sign3A_49 = arith.constant 0 : i32
      %sign3A_50 = arith.cmpi sgt, %add3A_46, %sign3A_49 : i32
      %sign3A_51 = arith.extui %sign3A_50 : i1 to i32
      %sign3A_52 = arith.constant 0 : i32
      %sign3A_53 = arith.cmpi slt, %add3A_46, %sign3A_52 : i32
      %sign3A_54 = arith.extui %sign3A_53 : i1 to i32
      %sign3A_55 = arith.subi %sign3A_51, %sign3A_54 : i32
      %sign3A_56 = arith.constant 0 : i32
      %sign3A_57 = arith.cmpi sgt, %jit3A_47, %sign3A_56 : i32
      %sign3A_58 = arith.extui %sign3A_57 : i1 to i32
      %sign3A_59 = arith.constant 0 : i32
      %sign3A_60 = arith.cmpi slt, %jit3A_47, %sign3A_59 : i32
      %sign3A_61 = arith.extui %sign3A_60 : i1 to i32
      %sign3A_62 = arith.subi %sign3A_58, %sign3A_61 : i32
      %ne3A_63 = arith.cmpi ne, %sign3A_55, %sign3A_62 : i32
      %rem3A_64 = arith.remsi %add3A_46, %jit3A_47 : i32
      %ne3A_65 = arith.constant 0 : i32
      %ne3A_66 = arith.cmpi ne, %rem3A_64, %ne3A_65 : i32
      %and3A_67 = arith.andi %ne3A_63, %ne3A_66 : i1
      %sub3A_68 = arith.constant 1 : i32
      %sub3A_69 = arith.subi %div3A_48, %sub3A_68 : i32
      %select_n3A_70 = arith.select %and3A_67, %sub3A_69, %div3A_48 : i32
      %jit3A_71 = arith.constant 113 : i32
      %eq3A = arith.constant 0 : i32
      %eq3A_72 = arith.cmpi eq, %jit3A_71, %eq3A : i32
      %jit3A_73 = arith.constant 1 : i32
      %select_n3A_74 = arith.select %eq3A_72, %jit3A_73, %jit3A_71 : i32
      %rem3A_75 = arith.remsi %add3A_46, %select_n3A_74 : i32
      %ne3A_76 = arith.constant 0 : i32
      %ne3A_77 = arith.cmpi ne, %rem3A_75, %ne3A_76 : i32
      %lt3A = arith.constant 0 : i32
      %lt3A_78 = arith.cmpi slt, %rem3A_75, %lt3A : i32
      %lt3A_79 = arith.constant 0 : i32
      %lt3A_80 = arith.cmpi slt, %select_n3A_74, %lt3A_79 : i32
      %ne3A_81 = arith.xori %lt3A_78, %lt3A_80 : i1
      %and3A_82 = arith.andi %ne3A_81, %ne3A_77 : i1
      %add3A_83 = arith.addi %rem3A_75, %select_n3A_74 : i32
      %select_n3A_84 = arith.select %and3A_82, %add3A_83, %rem3A_75 : i32
      %mul3A_85 = arith.constant 7232 : i32
      %mul3A_86 = arith.muli %select_n3A_70, %mul3A_85 : i32
      %mul3A_87 = arith.constant 64 : i32
      %mul3A_88 = arith.muli %select_n3A_84, %mul3A_87 : i32
      %add3A_89 = arith.addi %mul3A_86, %mul3A_88 : i32
      "tpu.region"() ({
        %run_scoped3A = tpu.sem_alloc : memref<!tpu.dma_semaphore, #tpu.memory_space<semaphore_mem>>
        %dma_start3A_92 = tpu.memref_slice %arg3[%add3A_89] : memref<28928xi32, #tpu.memory_space<hbm>> -> memref<64xi32, #tpu.memory_space<hbm>>
        %dma_start3A_93 = tpu.memref_slice %arg3[%add3A_89] : memref<28928xi32, #tpu.memory_space<hbm>> -> memref<64xi32, #tpu.memory_space<hbm>>
        tpu.enqueue_dma source(%dma_start3A_93 : memref<64xi32, #tpu.memory_space<hbm>>) target(%arg6 : memref<64xi32, #tpu.memory_space<vmem>>) target_semaphore(%run_scoped3A : memref<!tpu.dma_semaphore, #tpu.memory_space<semaphore_mem>>)
        %dma_wait3A = tpu.memref_slice %arg3[%add3A_89] : memref<28928xi32, #tpu.memory_space<hbm>> -> memref<64xi32, #tpu.memory_space<hbm>>
        %dma_wait3A_94 = tpu.memref_slice %arg3[%add3A_89] : memref<28928xi32, #tpu.memory_space<hbm>> -> memref<64xi32, #tpu.memory_space<hbm>>
        tpu.wait_dma2 semaphore(%run_scoped3A : memref<!tpu.dma_semaphore, #tpu.memory_space<semaphore_mem>>) src(%dma_wait3A_94 : memref<64xi32, #tpu.memory_space<hbm>>) dst(%arg6 : memref<64xi32, #tpu.memory_space<vmem>>)
        tpu.yield
      }) : () -> ()
      %dma_start3A = arith.constant 0 : i32
      %dma_start3A_90 = arith.constant 0 : i32
      %dma_start3A_91 = tpu.memref_slice %arg2[%dma_start3A, %dma_start3A_90] : memref<5000x256xf32, #tpu.memory_space<hbm>> -> memref<5000x256xf32, #tpu.memory_space<hbm>>
      tpu.enqueue_indirect_dma source(%dma_start3A_91 : memref<5000x256xf32, #tpu.memory_space<hbm>>) target(%arg10 : memref<64x256xf32, #tpu.memory_space<vmem>>) offsets(%arg6 : memref<64xi32, #tpu.memory_space<vmem>>) semaphore(%arg14 : memref<!tpu.dma_semaphore, #tpu.memory_space<semaphore_mem>>)
    } else {
    }
    %gt3A_30 = arith.constant 2 : i32
    %gt3A_31 = arith.cmpi sgt, %select_n3A, %gt3A_30 : i32
    %convert_element_type3A_32 = arith.extui %gt3A_31 : i1 to i32
    %cond3A_33 = arith.constant 0 : i32
    %cond3A_34 = arith.cmpi ne, %convert_element_type3A_32, %cond3A_33 : i32
    scf.if %cond3A_34 {
      %add3A_45 = arith.constant 64 : i32
      %add3A_46 = arith.addi %add3A, %add3A_45 : i32
      %jit3A_47 = arith.constant 113 : i32
      %div3A_48 = arith.divsi %add3A_46, %jit3A_47 : i32
      %sign3A_49 = arith.constant 0 : i32
      %sign3A_50 = arith.cmpi sgt, %add3A_46, %sign3A_49 : i32
      %sign3A_51 = arith.extui %sign3A_50 : i1 to i32
      %sign3A_52 = arith.constant 0 : i32
      %sign3A_53 = arith.cmpi slt, %add3A_46, %sign3A_52 : i32
      %sign3A_54 = arith.extui %sign3A_53 : i1 to i32
      %sign3A_55 = arith.subi %sign3A_51, %sign3A_54 : i32
      %sign3A_56 = arith.constant 0 : i32
      %sign3A_57 = arith.cmpi sgt, %jit3A_47, %sign3A_56 : i32
      %sign3A_58 = arith.extui %sign3A_57 : i1 to i32
      %sign3A_59 = arith.constant 0 : i32
      %sign3A_60 = arith.cmpi slt, %jit3A_47, %sign3A_59 : i32
      %sign3A_61 = arith.extui %sign3A_60 : i1 to i32
      %sign3A_62 = arith.subi %sign3A_58, %sign3A_61 : i32
      %ne3A_63 = arith.cmpi ne, %sign3A_55, %sign3A_62 : i32
      %rem3A_64 = arith.remsi %add3A_46, %jit3A_47 : i32
      %ne3A_65 = arith.constant 0 : i32
      %ne3A_66 = arith.cmpi ne, %rem3A_64, %ne3A_65 : i32
      %and3A_67 = arith.andi %ne3A_63, %ne3A_66 : i1
      %sub3A_68 = arith.constant 1 : i32
      %sub3A_69 = arith.subi %div3A_48, %sub3A_68 : i32
      %select_n3A_70 = arith.select %and3A_67, %sub3A_69, %div3A_48 : i32
      %jit3A_71 = arith.constant 113 : i32
      %eq3A = arith.constant 0 : i32
      %eq3A_72 = arith.cmpi eq, %jit3A_71, %eq3A : i32
      %jit3A_73 = arith.constant 1 : i32
      %select_n3A_74 = arith.select %eq3A_72, %jit3A_73, %jit3A_71 : i32
      %rem3A_75 = arith.remsi %add3A_46, %select_n3A_74 : i32
      %ne3A_76 = arith.constant 0 : i32
      %ne3A_77 = arith.cmpi ne, %rem3A_75, %ne3A_76 : i32
      %lt3A = arith.constant 0 : i32
      %lt3A_78 = arith.cmpi slt, %rem3A_75, %lt3A : i32
      %lt3A_79 = arith.constant 0 : i32
      %lt3A_80 = arith.cmpi slt, %select_n3A_74, %lt3A_79 : i32
      %ne3A_81 = arith.xori %lt3A_78, %lt3A_80 : i1
      %and3A_82 = arith.andi %ne3A_81, %ne3A_77 : i1
      %add3A_83 = arith.addi %rem3A_75, %select_n3A_74 : i32
      %select_n3A_84 = arith.select %and3A_82, %add3A_83, %rem3A_75 : i32
      %mul3A_85 = arith.constant 7232 : i32
      %mul3A_86 = arith.muli %select_n3A_70, %mul3A_85 : i32
      %mul3A_87 = arith.constant 64 : i32
      %mul3A_88 = arith.muli %select_n3A_84, %mul3A_87 : i32
      %add3A_89 = arith.addi %mul3A_86, %mul3A_88 : i32
      "tpu.region"() ({
        %run_scoped3A = tpu.sem_alloc : memref<!tpu.dma_semaphore, #tpu.memory_space<semaphore_mem>>
        %dma_start3A_92 = tpu.memref_slice %arg3[%add3A_89] : memref<28928xi32, #tpu.memory_space<hbm>> -> memref<64xi32, #tpu.memory_space<hbm>>
        %dma_start3A_93 = tpu.memref_slice %arg3[%add3A_89] : memref<28928xi32, #tpu.memory_space<hbm>> -> memref<64xi32, #tpu.memory_space<hbm>>
        tpu.enqueue_dma source(%dma_start3A_93 : memref<64xi32, #tpu.memory_space<hbm>>) target(%arg7 : memref<64xi32, #tpu.memory_space<vmem>>) target_semaphore(%run_scoped3A : memref<!tpu.dma_semaphore, #tpu.memory_space<semaphore_mem>>)
        %dma_wait3A = tpu.memref_slice %arg3[%add3A_89] : memref<28928xi32, #tpu.memory_space<hbm>> -> memref<64xi32, #tpu.memory_space<hbm>>
        %dma_wait3A_94 = tpu.memref_slice %arg3[%add3A_89] : memref<28928xi32, #tpu.memory_space<hbm>> -> memref<64xi32, #tpu.memory_space<hbm>>
        tpu.wait_dma2 semaphore(%run_scoped3A : memref<!tpu.dma_semaphore, #tpu.memory_space<semaphore_mem>>) src(%dma_wait3A_94 : memref<64xi32, #tpu.memory_space<hbm>>) dst(%arg7 : memref<64xi32, #tpu.memory_space<vmem>>)
        tpu.yield
      }) : () -> ()
      %dma_start3A = arith.constant 0 : i32
      %dma_start3A_90 = arith.constant 0 : i32
      %dma_start3A_91 = tpu.memref_slice %arg2[%dma_start3A, %dma_start3A_90] : memref<5000x256xf32, #tpu.memory_space<hbm>> -> memref<5000x256xf32, #tpu.memory_space<hbm>>
      tpu.enqueue_indirect_dma source(%dma_start3A_91 : memref<5000x256xf32, #tpu.memory_space<hbm>>) target(%arg11 : memref<64x256xf32, #tpu.memory_space<vmem>>) offsets(%arg7 : memref<64xi32, #tpu.memory_space<vmem>>) semaphore(%arg15 : memref<!tpu.dma_semaphore, #tpu.memory_space<semaphore_mem>>)
    } else {
    }
    %gt3A_35 = arith.constant 3 : i32
    %gt3A_36 = arith.cmpi sgt, %select_n3A, %gt3A_35 : i32
    %convert_element_type3A_37 = arith.extui %gt3A_36 : i1 to i32
    %cond3A_38 = arith.constant 0 : i32
    %cond3A_39 = arith.cmpi ne, %convert_element_type3A_37, %cond3A_38 : i32
    scf.if %cond3A_39 {
      %add3A_45 = arith.constant 96 : i32
      %add3A_46 = arith.addi %add3A, %add3A_45 : i32
      %jit3A_47 = arith.constant 113 : i32
      %div3A_48 = arith.divsi %add3A_46, %jit3A_47 : i32
      %sign3A_49 = arith.constant 0 : i32
      %sign3A_50 = arith.cmpi sgt, %add3A_46, %sign3A_49 : i32
      %sign3A_51 = arith.extui %sign3A_50 : i1 to i32
      %sign3A_52 = arith.constant 0 : i32
      %sign3A_53 = arith.cmpi slt, %add3A_46, %sign3A_52 : i32
      %sign3A_54 = arith.extui %sign3A_53 : i1 to i32
      %sign3A_55 = arith.subi %sign3A_51, %sign3A_54 : i32
      %sign3A_56 = arith.constant 0 : i32
      %sign3A_57 = arith.cmpi sgt, %jit3A_47, %sign3A_56 : i32
      %sign3A_58 = arith.extui %sign3A_57 : i1 to i32
      %sign3A_59 = arith.constant 0 : i32
      %sign3A_60 = arith.cmpi slt, %jit3A_47, %sign3A_59 : i32
      %sign3A_61 = arith.extui %sign3A_60 : i1 to i32
      %sign3A_62 = arith.subi %sign3A_58, %sign3A_61 : i32
      %ne3A_63 = arith.cmpi ne, %sign3A_55, %sign3A_62 : i32
      %rem3A_64 = arith.remsi %add3A_46, %jit3A_47 : i32
      %ne3A_65 = arith.constant 0 : i32
      %ne3A_66 = arith.cmpi ne, %rem3A_64, %ne3A_65 : i32
      %and3A_67 = arith.andi %ne3A_63, %ne3A_66 : i1
      %sub3A_68 = arith.constant 1 : i32
      %sub3A_69 = arith.subi %div3A_48, %sub3A_68 : i32
      %select_n3A_70 = arith.select %and3A_67, %sub3A_69, %div3A_48 : i32
      %jit3A_71 = arith.constant 113 : i32
      %eq3A = arith.constant 0 : i32
      %eq3A_72 = arith.cmpi eq, %jit3A_71, %eq3A : i32
      %jit3A_73 = arith.constant 1 : i32
      %select_n3A_74 = arith.select %eq3A_72, %jit3A_73, %jit3A_71 : i32
      %rem3A_75 = arith.remsi %add3A_46, %select_n3A_74 : i32
      %ne3A_76 = arith.constant 0 : i32
      %ne3A_77 = arith.cmpi ne, %rem3A_75, %ne3A_76 : i32
      %lt3A = arith.constant 0 : i32
      %lt3A_78 = arith.cmpi slt, %rem3A_75, %lt3A : i32
      %lt3A_79 = arith.constant 0 : i32
      %lt3A_80 = arith.cmpi slt, %select_n3A_74, %lt3A_79 : i32
      %ne3A_81 = arith.xori %lt3A_78, %lt3A_80 : i1
      %and3A_82 = arith.andi %ne3A_81, %ne3A_77 : i1
      %add3A_83 = arith.addi %rem3A_75, %select_n3A_74 : i32
      %select_n3A_84 = arith.select %and3A_82, %add3A_83, %rem3A_75 : i32
      %mul3A_85 = arith.constant 7232 : i32
      %mul3A_86 = arith.muli %select_n3A_70, %mul3A_85 : i32
      %mul3A_87 = arith.constant 64 : i32
      %mul3A_88 = arith.muli %select_n3A_84, %mul3A_87 : i32
      %add3A_89 = arith.addi %mul3A_86, %mul3A_88 : i32
      "tpu.region"() ({
        %run_scoped3A = tpu.sem_alloc : memref<!tpu.dma_semaphore, #tpu.memory_space<semaphore_mem>>
        %dma_start3A_92 = tpu.memref_slice %arg3[%add3A_89] : memref<28928xi32, #tpu.memory_space<hbm>> -> memref<64xi32, #tpu.memory_space<hbm>>
        %dma_start3A_93 = tpu.memref_slice %arg3[%add3A_89] : memref<28928xi32, #tpu.memory_space<hbm>> -> memref<64xi32, #tpu.memory_space<hbm>>
        tpu.enqueue_dma source(%dma_start3A_93 : memref<64xi32, #tpu.memory_space<hbm>>) target(%arg8 : memref<64xi32, #tpu.memory_space<vmem>>) target_semaphore(%run_scoped3A : memref<!tpu.dma_semaphore, #tpu.memory_space<semaphore_mem>>)
        %dma_wait3A = tpu.memref_slice %arg3[%add3A_89] : memref<28928xi32, #tpu.memory_space<hbm>> -> memref<64xi32, #tpu.memory_space<hbm>>
        %dma_wait3A_94 = tpu.memref_slice %arg3[%add3A_89] : memref<28928xi32, #tpu.memory_space<hbm>> -> memref<64xi32, #tpu.memory_space<hbm>>
        tpu.wait_dma2 semaphore(%run_scoped3A : memref<!tpu.dma_semaphore, #tpu.memory_space<semaphore_mem>>) src(%dma_wait3A_94 : memref<64xi32, #tpu.memory_space<hbm>>) dst(%arg8 : memref<64xi32, #tpu.memory_space<vmem>>)
        tpu.yield
      }) : () -> ()
      %dma_start3A = arith.constant 0 : i32
      %dma_start3A_90 = arith.constant 0 : i32
      %dma_start3A_91 = tpu.memref_slice %arg2[%dma_start3A, %dma_start3A_90] : memref<5000x256xf32, #tpu.memory_space<hbm>> -> memref<5000x256xf32, #tpu.memory_space<hbm>>
      tpu.enqueue_indirect_dma source(%dma_start3A_91 : memref<5000x256xf32, #tpu.memory_space<hbm>>) target(%arg12 : memref<64x256xf32, #tpu.memory_space<vmem>>) offsets(%arg8 : memref<64xi32, #tpu.memory_space<vmem>>) semaphore(%arg16 : memref<!tpu.dma_semaphore, #tpu.memory_space<semaphore_mem>>)
    } else {
    }
    %scan3A = arith.constant 0 : i32
    %scan3A_40 = arith.constant 0 : i32
    %scan3A_41 = arith.constant 4 : i32
    %scan3A_42 = arith.addi %scan3A_40, %scan3A_41 : i32
    %scan3A_43 = arith.constant 1 : i32
    scf.for %scan3A_45 = %scan3A_40 to %scan3A_42 step %scan3A_43  : i32 {
      %mul3A_46 = arith.constant 4 : i32
      %mul3A_47 = arith.muli %mul3A_46, %scan3A_45 : i32
      %add3A_48 = arith.constant 0 : i32
      %add3A_49 = arith.addi %mul3A_47, %add3A_48 : i32
      %lt3A = arith.cmpi slt, %add3A_49, %select_n3A : i32
      %convert_element_type3A_50 = arith.extui %lt3A : i1 to i32
      %cond3A_51 = arith.constant 0 : i32
      %cond3A_52 = arith.cmpi ne, %convert_element_type3A_50, %cond3A_51 : i32
      scf.if %cond3A_52 {
        %dma_wait3A = arith.constant 0 : i32
        %dma_wait3A_127 = arith.constant 0 : i32
        %dma_wait3A_128 = tpu.memref_slice %arg2[%dma_wait3A, %dma_wait3A_127] : memref<5000x256xf32, #tpu.memory_space<hbm>> -> memref<5000x256xf32, #tpu.memory_space<hbm>>
        tpu.wait_indirect_dma semaphore(%arg13 : memref<!tpu.dma_semaphore, #tpu.memory_space<semaphore_mem>>) src(%dma_wait3A_128 : memref<5000x256xf32, #tpu.memory_space<hbm>>) dst(%arg9 : memref<64x256xf32, #tpu.memory_space<vmem>>)
        %mul3A_129 = arith.constant 32 : i32
        %mul3A_130 = arith.muli %add3A_49, %mul3A_129 : i32
        %add3A_131 = arith.addi %add3A, %mul3A_130 : i32
        %jit3A_132 = arith.constant 113 : i32
        %div3A_133 = arith.divsi %add3A_131, %jit3A_132 : i32
        %sign3A_134 = arith.constant 0 : i32
        %sign3A_135 = arith.cmpi sgt, %add3A_131, %sign3A_134 : i32
        %sign3A_136 = arith.extui %sign3A_135 : i1 to i32
        %sign3A_137 = arith.constant 0 : i32
        %sign3A_138 = arith.cmpi slt, %add3A_131, %sign3A_137 : i32
        %sign3A_139 = arith.extui %sign3A_138 : i1 to i32
        %sign3A_140 = arith.subi %sign3A_136, %sign3A_139 : i32
        %sign3A_141 = arith.constant 0 : i32
        %sign3A_142 = arith.cmpi sgt, %jit3A_132, %sign3A_141 : i32
        %sign3A_143 = arith.extui %sign3A_142 : i1 to i32
        %sign3A_144 = arith.constant 0 : i32
        %sign3A_145 = arith.cmpi slt, %jit3A_132, %sign3A_144 : i32
        %sign3A_146 = arith.extui %sign3A_145 : i1 to i32
        %sign3A_147 = arith.subi %sign3A_143, %sign3A_146 : i32
        %ne3A_148 = arith.cmpi ne, %sign3A_140, %sign3A_147 : i32
        %rem3A_149 = arith.remsi %add3A_131, %jit3A_132 : i32
        %ne3A_150 = arith.constant 0 : i32
        %ne3A_151 = arith.cmpi ne, %rem3A_149, %ne3A_150 : i32
        %and3A_152 = arith.andi %ne3A_148, %ne3A_151 : i1
        %sub3A_153 = arith.constant 1 : i32
        %sub3A_154 = arith.subi %div3A_133, %sub3A_153 : i32
        %select_n3A_155 = arith.select %and3A_152, %sub3A_154, %div3A_133 : i32
        %jit3A_156 = arith.constant 113 : i32
        %eq3A = arith.constant 0 : i32
        %eq3A_157 = arith.cmpi eq, %jit3A_156, %eq3A : i32
        %jit3A_158 = arith.constant 1 : i32
        %select_n3A_159 = arith.select %eq3A_157, %jit3A_158, %jit3A_156 : i32
        %rem3A_160 = arith.remsi %add3A_131, %select_n3A_159 : i32
        %ne3A_161 = arith.constant 0 : i32
        %ne3A_162 = arith.cmpi ne, %rem3A_160, %ne3A_161 : i32
        %lt3A_163 = arith.constant 0 : i32
        %lt3A_164 = arith.cmpi slt, %rem3A_160, %lt3A_163 : i32
        %lt3A_165 = arith.constant 0 : i32
        %lt3A_166 = arith.cmpi slt, %select_n3A_159, %lt3A_165 : i32
        %ne3A_167 = arith.xori %lt3A_164, %lt3A_166 : i1
        %and3A_168 = arith.andi %ne3A_167, %ne3A_162 : i1
        %add3A_169 = arith.addi %rem3A_160, %select_n3A_159 : i32
        %select_n3A_170 = arith.select %and3A_168, %add3A_169, %rem3A_160 : i32
        %mul3A_171 = arith.constant 64 : i32
        %mul3A_172 = arith.muli %select_n3A_170, %mul3A_171 : i32
        %mul3A_173 = arith.constant 256 : i32
        %mul3A_174 = arith.muli %select_n3A_155, %mul3A_173 : i32
        %dma_start3A = tpu.memref_slice %arg4[%mul3A_172, %mul3A_174] : memref<7232x1024xf32, #tpu.memory_space<hbm>> -> memref<64x256xf32, #tpu.memory_space<hbm>>
        %dma_start3A_175 = tpu.memref_slice %arg4[%mul3A_172, %mul3A_174] : memref<7232x1024xf32, #tpu.memory_space<hbm>> -> memref<64x256xf32, #tpu.memory_space<hbm>>
        tpu.enqueue_dma source(%arg9 : memref<64x256xf32, #tpu.memory_space<vmem>>) target(%dma_start3A_175 : memref<64x256xf32, #tpu.memory_space<hbm>>) target_semaphore(%arg17 : memref<!tpu.dma_semaphore, #tpu.memory_space<semaphore_mem>>)
      } else {
      }
      %add3A_53 = arith.constant 1 : i32
      %add3A_54 = arith.addi %mul3A_47, %add3A_53 : i32
      %lt3A_55 = arith.cmpi slt, %add3A_54, %select_n3A : i32
      %convert_element_type3A_56 = arith.extui %lt3A_55 : i1 to i32
      %cond3A_57 = arith.constant 0 : i32
      %cond3A_58 = arith.cmpi ne, %convert_element_type3A_56, %cond3A_57 : i32
      scf.if %cond3A_58 {
        %dma_wait3A = arith.constant 0 : i32
        %dma_wait3A_127 = arith.constant 0 : i32
        %dma_wait3A_128 = tpu.memref_slice %arg2[%dma_wait3A, %dma_wait3A_127] : memref<5000x256xf32, #tpu.memory_space<hbm>> -> memref<5000x256xf32, #tpu.memory_space<hbm>>
        tpu.wait_indirect_dma semaphore(%arg14 : memref<!tpu.dma_semaphore, #tpu.memory_space<semaphore_mem>>) src(%dma_wait3A_128 : memref<5000x256xf32, #tpu.memory_space<hbm>>) dst(%arg10 : memref<64x256xf32, #tpu.memory_space<vmem>>)
        %mul3A_129 = arith.constant 32 : i32
        %mul3A_130 = arith.muli %add3A_54, %mul3A_129 : i32
        %add3A_131 = arith.addi %add3A, %mul3A_130 : i32
        %jit3A_132 = arith.constant 113 : i32
        %div3A_133 = arith.divsi %add3A_131, %jit3A_132 : i32
        %sign3A_134 = arith.constant 0 : i32
        %sign3A_135 = arith.cmpi sgt, %add3A_131, %sign3A_134 : i32
        %sign3A_136 = arith.extui %sign3A_135 : i1 to i32
        %sign3A_137 = arith.constant 0 : i32
        %sign3A_138 = arith.cmpi slt, %add3A_131, %sign3A_137 : i32
        %sign3A_139 = arith.extui %sign3A_138 : i1 to i32
        %sign3A_140 = arith.subi %sign3A_136, %sign3A_139 : i32
        %sign3A_141 = arith.constant 0 : i32
        %sign3A_142 = arith.cmpi sgt, %jit3A_132, %sign3A_141 : i32
        %sign3A_143 = arith.extui %sign3A_142 : i1 to i32
        %sign3A_144 = arith.constant 0 : i32
        %sign3A_145 = arith.cmpi slt, %jit3A_132, %sign3A_144 : i32
        %sign3A_146 = arith.extui %sign3A_145 : i1 to i32
        %sign3A_147 = arith.subi %sign3A_143, %sign3A_146 : i32
        %ne3A_148 = arith.cmpi ne, %sign3A_140, %sign3A_147 : i32
        %rem3A_149 = arith.remsi %add3A_131, %jit3A_132 : i32
        %ne3A_150 = arith.constant 0 : i32
        %ne3A_151 = arith.cmpi ne, %rem3A_149, %ne3A_150 : i32
        %and3A_152 = arith.andi %ne3A_148, %ne3A_151 : i1
        %sub3A_153 = arith.constant 1 : i32
        %sub3A_154 = arith.subi %div3A_133, %sub3A_153 : i32
        %select_n3A_155 = arith.select %and3A_152, %sub3A_154, %div3A_133 : i32
        %jit3A_156 = arith.constant 113 : i32
        %eq3A = arith.constant 0 : i32
        %eq3A_157 = arith.cmpi eq, %jit3A_156, %eq3A : i32
        %jit3A_158 = arith.constant 1 : i32
        %select_n3A_159 = arith.select %eq3A_157, %jit3A_158, %jit3A_156 : i32
        %rem3A_160 = arith.remsi %add3A_131, %select_n3A_159 : i32
        %ne3A_161 = arith.constant 0 : i32
        %ne3A_162 = arith.cmpi ne, %rem3A_160, %ne3A_161 : i32
        %lt3A_163 = arith.constant 0 : i32
        %lt3A_164 = arith.cmpi slt, %rem3A_160, %lt3A_163 : i32
        %lt3A_165 = arith.constant 0 : i32
        %lt3A_166 = arith.cmpi slt, %select_n3A_159, %lt3A_165 : i32
        %ne3A_167 = arith.xori %lt3A_164, %lt3A_166 : i1
        %and3A_168 = arith.andi %ne3A_167, %ne3A_162 : i1
        %add3A_169 = arith.addi %rem3A_160, %select_n3A_159 : i32
        %select_n3A_170 = arith.select %and3A_168, %add3A_169, %rem3A_160 : i32
        %mul3A_171 = arith.constant 64 : i32
        %mul3A_172 = arith.muli %select_n3A_170, %mul3A_171 : i32
        %mul3A_173 = arith.constant 256 : i32
        %mul3A_174 = arith.muli %select_n3A_155, %mul3A_173 : i32
        %dma_start3A = tpu.memref_slice %arg4[%mul3A_172, %mul3A_174] : memref<7232x1024xf32, #tpu.memory_space<hbm>> -> memref<64x256xf32, #tpu.memory_space<hbm>>
        %dma_start3A_175 = tpu.memref_slice %arg4[%mul3A_172, %mul3A_174] : memref<7232x1024xf32, #tpu.memory_space<hbm>> -> memref<64x256xf32, #tpu.memory_space<hbm>>
        tpu.enqueue_dma source(%arg10 : memref<64x256xf32, #tpu.memory_space<vmem>>) target(%dma_start3A_175 : memref<64x256xf32, #tpu.memory_space<hbm>>) target_semaphore(%arg18 : memref<!tpu.dma_semaphore, #tpu.memory_space<semaphore_mem>>)
      } else {
      }
      %add3A_59 = arith.constant 2 : i32
      %add3A_60 = arith.addi %mul3A_47, %add3A_59 : i32
      %lt3A_61 = arith.cmpi slt, %add3A_60, %select_n3A : i32
      %convert_element_type3A_62 = arith.extui %lt3A_61 : i1 to i32
      %cond3A_63 = arith.constant 0 : i32
      %cond3A_64 = arith.cmpi ne, %convert_element_type3A_62, %cond3A_63 : i32
      scf.if %cond3A_64 {
        %dma_wait3A = arith.constant 0 : i32
        %dma_wait3A_127 = arith.constant 0 : i32
        %dma_wait3A_128 = tpu.memref_slice %arg2[%dma_wait3A, %dma_wait3A_127] : memref<5000x256xf32, #tpu.memory_space<hbm>> -> memref<5000x256xf32, #tpu.memory_space<hbm>>
        tpu.wait_indirect_dma semaphore(%arg15 : memref<!tpu.dma_semaphore, #tpu.memory_space<semaphore_mem>>) src(%dma_wait3A_128 : memref<5000x256xf32, #tpu.memory_space<hbm>>) dst(%arg11 : memref<64x256xf32, #tpu.memory_space<vmem>>)
        %mul3A_129 = arith.constant 32 : i32
        %mul3A_130 = arith.muli %add3A_60, %mul3A_129 : i32
        %add3A_131 = arith.addi %add3A, %mul3A_130 : i32
        %jit3A_132 = arith.constant 113 : i32
        %div3A_133 = arith.divsi %add3A_131, %jit3A_132 : i32
        %sign3A_134 = arith.constant 0 : i32
        %sign3A_135 = arith.cmpi sgt, %add3A_131, %sign3A_134 : i32
        %sign3A_136 = arith.extui %sign3A_135 : i1 to i32
        %sign3A_137 = arith.constant 0 : i32
        %sign3A_138 = arith.cmpi slt, %add3A_131, %sign3A_137 : i32
        %sign3A_139 = arith.extui %sign3A_138 : i1 to i32
        %sign3A_140 = arith.subi %sign3A_136, %sign3A_139 : i32
        %sign3A_141 = arith.constant 0 : i32
        %sign3A_142 = arith.cmpi sgt, %jit3A_132, %sign3A_141 : i32
        %sign3A_143 = arith.extui %sign3A_142 : i1 to i32
        %sign3A_144 = arith.constant 0 : i32
        %sign3A_145 = arith.cmpi slt, %jit3A_132, %sign3A_144 : i32
        %sign3A_146 = arith.extui %sign3A_145 : i1 to i32
        %sign3A_147 = arith.subi %sign3A_143, %sign3A_146 : i32
        %ne3A_148 = arith.cmpi ne, %sign3A_140, %sign3A_147 : i32
        %rem3A_149 = arith.remsi %add3A_131, %jit3A_132 : i32
        %ne3A_150 = arith.constant 0 : i32
        %ne3A_151 = arith.cmpi ne, %rem3A_149, %ne3A_150 : i32
        %and3A_152 = arith.andi %ne3A_148, %ne3A_151 : i1
        %sub3A_153 = arith.constant 1 : i32
        %sub3A_154 = arith.subi %div3A_133, %sub3A_153 : i32
        %select_n3A_155 = arith.select %and3A_152, %sub3A_154, %div3A_133 : i32
        %jit3A_156 = arith.constant 113 : i32
        %eq3A = arith.constant 0 : i32
        %eq3A_157 = arith.cmpi eq, %jit3A_156, %eq3A : i32
        %jit3A_158 = arith.constant 1 : i32
        %select_n3A_159 = arith.select %eq3A_157, %jit3A_158, %jit3A_156 : i32
        %rem3A_160 = arith.remsi %add3A_131, %select_n3A_159 : i32
        %ne3A_161 = arith.constant 0 : i32
        %ne3A_162 = arith.cmpi ne, %rem3A_160, %ne3A_161 : i32
        %lt3A_163 = arith.constant 0 : i32
        %lt3A_164 = arith.cmpi slt, %rem3A_160, %lt3A_163 : i32
        %lt3A_165 = arith.constant 0 : i32
        %lt3A_166 = arith.cmpi slt, %select_n3A_159, %lt3A_165 : i32
        %ne3A_167 = arith.xori %lt3A_164, %lt3A_166 : i1
        %and3A_168 = arith.andi %ne3A_167, %ne3A_162 : i1
        %add3A_169 = arith.addi %rem3A_160, %select_n3A_159 : i32
        %select_n3A_170 = arith.select %and3A_168, %add3A_169, %rem3A_160 : i32
        %mul3A_171 = arith.constant 64 : i32
        %mul3A_172 = arith.muli %select_n3A_170, %mul3A_171 : i32
        %mul3A_173 = arith.constant 256 : i32
        %mul3A_174 = arith.muli %select_n3A_155, %mul3A_173 : i32
        %dma_start3A = tpu.memref_slice %arg4[%mul3A_172, %mul3A_174] : memref<7232x1024xf32, #tpu.memory_space<hbm>> -> memref<64x256xf32, #tpu.memory_space<hbm>>
        %dma_start3A_175 = tpu.memref_slice %arg4[%mul3A_172, %mul3A_174] : memref<7232x1024xf32, #tpu.memory_space<hbm>> -> memref<64x256xf32, #tpu.memory_space<hbm>>
        tpu.enqueue_dma source(%arg11 : memref<64x256xf32, #tpu.memory_space<vmem>>) target(%dma_start3A_175 : memref<64x256xf32, #tpu.memory_space<hbm>>) target_semaphore(%arg19 : memref<!tpu.dma_semaphore, #tpu.memory_space<semaphore_mem>>)
      } else {
      }
      %add3A_65 = arith.constant 3 : i32
      %add3A_66 = arith.addi %mul3A_47, %add3A_65 : i32
      %lt3A_67 = arith.cmpi slt, %add3A_66, %select_n3A : i32
      %convert_element_type3A_68 = arith.extui %lt3A_67 : i1 to i32
      %cond3A_69 = arith.constant 0 : i32
      %cond3A_70 = arith.cmpi ne, %convert_element_type3A_68, %cond3A_69 : i32
      scf.if %cond3A_70 {
        %dma_wait3A = arith.constant 0 : i32
        %dma_wait3A_127 = arith.constant 0 : i32
        %dma_wait3A_128 = tpu.memref_slice %arg2[%dma_wait3A, %dma_wait3A_127] : memref<5000x256xf32, #tpu.memory_space<hbm>> -> memref<5000x256xf32, #tpu.memory_space<hbm>>
        tpu.wait_indirect_dma semaphore(%arg16 : memref<!tpu.dma_semaphore, #tpu.memory_space<semaphore_mem>>) src(%dma_wait3A_128 : memref<5000x256xf32, #tpu.memory_space<hbm>>) dst(%arg12 : memref<64x256xf32, #tpu.memory_space<vmem>>)
        %mul3A_129 = arith.constant 32 : i32
        %mul3A_130 = arith.muli %add3A_66, %mul3A_129 : i32
        %add3A_131 = arith.addi %add3A, %mul3A_130 : i32
        %jit3A_132 = arith.constant 113 : i32
        %div3A_133 = arith.divsi %add3A_131, %jit3A_132 : i32
        %sign3A_134 = arith.constant 0 : i32
        %sign3A_135 = arith.cmpi sgt, %add3A_131, %sign3A_134 : i32
        %sign3A_136 = arith.extui %sign3A_135 : i1 to i32
        %sign3A_137 = arith.constant 0 : i32
        %sign3A_138 = arith.cmpi slt, %add3A_131, %sign3A_137 : i32
        %sign3A_139 = arith.extui %sign3A_138 : i1 to i32
        %sign3A_140 = arith.subi %sign3A_136, %sign3A_139 : i32
        %sign3A_141 = arith.constant 0 : i32
        %sign3A_142 = arith.cmpi sgt, %jit3A_132, %sign3A_141 : i32
        %sign3A_143 = arith.extui %sign3A_142 : i1 to i32
        %sign3A_144 = arith.constant 0 : i32
        %sign3A_145 = arith.cmpi slt, %jit3A_132, %sign3A_144 : i32
        %sign3A_146 = arith.extui %sign3A_145 : i1 to i32
        %sign3A_147 = arith.subi %sign3A_143, %sign3A_146 : i32
        %ne3A_148 = arith.cmpi ne, %sign3A_140, %sign3A_147 : i32
        %rem3A_149 = arith.remsi %add3A_131, %jit3A_132 : i32
        %ne3A_150 = arith.constant 0 : i32
        %ne3A_151 = arith.cmpi ne, %rem3A_149, %ne3A_150 : i32
        %and3A_152 = arith.andi %ne3A_148, %ne3A_151 : i1
        %sub3A_153 = arith.constant 1 : i32
        %sub3A_154 = arith.subi %div3A_133, %sub3A_153 : i32
        %select_n3A_155 = arith.select %and3A_152, %sub3A_154, %div3A_133 : i32
        %jit3A_156 = arith.constant 113 : i32
        %eq3A = arith.constant 0 : i32
        %eq3A_157 = arith.cmpi eq, %jit3A_156, %eq3A : i32
        %jit3A_158 = arith.constant 1 : i32
        %select_n3A_159 = arith.select %eq3A_157, %jit3A_158, %jit3A_156 : i32
        %rem3A_160 = arith.remsi %add3A_131, %select_n3A_159 : i32
        %ne3A_161 = arith.constant 0 : i32
        %ne3A_162 = arith.cmpi ne, %rem3A_160, %ne3A_161 : i32
        %lt3A_163 = arith.constant 0 : i32
        %lt3A_164 = arith.cmpi slt, %rem3A_160, %lt3A_163 : i32
        %lt3A_165 = arith.constant 0 : i32
        %lt3A_166 = arith.cmpi slt, %select_n3A_159, %lt3A_165 : i32
        %ne3A_167 = arith.xori %lt3A_164, %lt3A_166 : i1
        %and3A_168 = arith.andi %ne3A_167, %ne3A_162 : i1
        %add3A_169 = arith.addi %rem3A_160, %select_n3A_159 : i32
        %select_n3A_170 = arith.select %and3A_168, %add3A_169, %rem3A_160 : i32
        %mul3A_171 = arith.constant 64 : i32
        %mul3A_172 = arith.muli %select_n3A_170, %mul3A_171 : i32
        %mul3A_173 = arith.constant 256 : i32
        %mul3A_174 = arith.muli %select_n3A_155, %mul3A_173 : i32
        %dma_start3A = tpu.memref_slice %arg4[%mul3A_172, %mul3A_174] : memref<7232x1024xf32, #tpu.memory_space<hbm>> -> memref<64x256xf32, #tpu.memory_space<hbm>>
        %dma_start3A_175 = tpu.memref_slice %arg4[%mul3A_172, %mul3A_174] : memref<7232x1024xf32, #tpu.memory_space<hbm>> -> memref<64x256xf32, #tpu.memory_space<hbm>>
        tpu.enqueue_dma source(%arg12 : memref<64x256xf32, #tpu.memory_space<vmem>>) target(%dma_start3A_175 : memref<64x256xf32, #tpu.memory_space<hbm>>) target_semaphore(%arg20 : memref<!tpu.dma_semaphore, #tpu.memory_space<semaphore_mem>>)
      } else {
      }
      %add3A_71 = arith.constant 0 : i32
      %add3A_72 = arith.addi %mul3A_47, %add3A_71 : i32
      %lt3A_73 = arith.cmpi slt, %add3A_72, %select_n3A : i32
      %convert_element_type3A_74 = arith.extui %lt3A_73 : i1 to i32
      %cond3A_75 = arith.constant 0 : i32
      %cond3A_76 = arith.cmpi ne, %convert_element_type3A_74, %cond3A_75 : i32
      scf.if %cond3A_76 {
        %mul3A_127 = arith.constant 32 : i32
        %mul3A_128 = arith.muli %add3A_72, %mul3A_127 : i32
        %add3A_129 = arith.addi %add3A, %mul3A_128 : i32
        %jit3A_130 = arith.constant 113 : i32
        %div3A_131 = arith.divsi %add3A_129, %jit3A_130 : i32
        %sign3A_132 = arith.constant 0 : i32
        %sign3A_133 = arith.cmpi sgt, %add3A_129, %sign3A_132 : i32
        %sign3A_134 = arith.extui %sign3A_133 : i1 to i32
        %sign3A_135 = arith.constant 0 : i32
        %sign3A_136 = arith.cmpi slt, %add3A_129, %sign3A_135 : i32
        %sign3A_137 = arith.extui %sign3A_136 : i1 to i32
        %sign3A_138 = arith.subi %sign3A_134, %sign3A_137 : i32
        %sign3A_139 = arith.constant 0 : i32
        %sign3A_140 = arith.cmpi sgt, %jit3A_130, %sign3A_139 : i32
        %sign3A_141 = arith.extui %sign3A_140 : i1 to i32
        %sign3A_142 = arith.constant 0 : i32
        %sign3A_143 = arith.cmpi slt, %jit3A_130, %sign3A_142 : i32
        %sign3A_144 = arith.extui %sign3A_143 : i1 to i32
        %sign3A_145 = arith.subi %sign3A_141, %sign3A_144 : i32
        %ne3A_146 = arith.cmpi ne, %sign3A_138, %sign3A_145 : i32
        %rem3A_147 = arith.remsi %add3A_129, %jit3A_130 : i32
        %ne3A_148 = arith.constant 0 : i32
        %ne3A_149 = arith.cmpi ne, %rem3A_147, %ne3A_148 : i32
        %and3A_150 = arith.andi %ne3A_146, %ne3A_149 : i1
        %sub3A_151 = arith.constant 1 : i32
        %sub3A_152 = arith.subi %div3A_131, %sub3A_151 : i32
        %select_n3A_153 = arith.select %and3A_150, %sub3A_152, %div3A_131 : i32
        %jit3A_154 = arith.constant 113 : i32
        %eq3A = arith.constant 0 : i32
        %eq3A_155 = arith.cmpi eq, %jit3A_154, %eq3A : i32
        %jit3A_156 = arith.constant 1 : i32
        %select_n3A_157 = arith.select %eq3A_155, %jit3A_156, %jit3A_154 : i32
        %rem3A_158 = arith.remsi %add3A_129, %select_n3A_157 : i32
        %ne3A_159 = arith.constant 0 : i32
        %ne3A_160 = arith.cmpi ne, %rem3A_158, %ne3A_159 : i32
        %lt3A_161 = arith.constant 0 : i32
        %lt3A_162 = arith.cmpi slt, %rem3A_158, %lt3A_161 : i32
        %lt3A_163 = arith.constant 0 : i32
        %lt3A_164 = arith.cmpi slt, %select_n3A_157, %lt3A_163 : i32
        %ne3A_165 = arith.xori %lt3A_162, %lt3A_164 : i1
        %and3A_166 = arith.andi %ne3A_165, %ne3A_160 : i1
        %add3A_167 = arith.addi %rem3A_158, %select_n3A_157 : i32
        %select_n3A_168 = arith.select %and3A_166, %add3A_167, %rem3A_158 : i32
        %mul3A_169 = arith.constant 64 : i32
        %mul3A_170 = arith.muli %select_n3A_168, %mul3A_169 : i32
        %mul3A_171 = arith.constant 256 : i32
        %mul3A_172 = arith.muli %select_n3A_153, %mul3A_171 : i32
        %dma_wait3A = tpu.memref_slice %arg4[%mul3A_170, %mul3A_172] : memref<7232x1024xf32, #tpu.memory_space<hbm>> -> memref<64x256xf32, #tpu.memory_space<hbm>>
        %dma_wait3A_173 = tpu.memref_slice %arg4[%mul3A_170, %mul3A_172] : memref<7232x1024xf32, #tpu.memory_space<hbm>> -> memref<64x256xf32, #tpu.memory_space<hbm>>
        tpu.wait_dma2 semaphore(%arg17 : memref<!tpu.dma_semaphore, #tpu.memory_space<semaphore_mem>>) src(%arg9 : memref<64x256xf32, #tpu.memory_space<vmem>>) dst(%dma_wait3A_173 : memref<64x256xf32, #tpu.memory_space<hbm>>)
      } else {
      }
      %add3A_77 = arith.constant 4 : i32
      %add3A_78 = arith.addi %mul3A_47, %add3A_77 : i32
      %add3A_79 = arith.constant 0 : i32
      %add3A_80 = arith.addi %add3A_78, %add3A_79 : i32
      %lt3A_81 = arith.cmpi slt, %add3A_80, %select_n3A : i32
      %convert_element_type3A_82 = arith.extui %lt3A_81 : i1 to i32
      %cond3A_83 = arith.constant 0 : i32
      %cond3A_84 = arith.cmpi ne, %convert_element_type3A_82, %cond3A_83 : i32
      scf.if %cond3A_84 {
        %mul3A_127 = arith.constant 32 : i32
        %mul3A_128 = arith.muli %add3A_80, %mul3A_127 : i32
        %add3A_129 = arith.addi %add3A, %mul3A_128 : i32
        %jit3A_130 = arith.constant 113 : i32
        %div3A_131 = arith.divsi %add3A_129, %jit3A_130 : i32
        %sign3A_132 = arith.constant 0 : i32
        %sign3A_133 = arith.cmpi sgt, %add3A_129, %sign3A_132 : i32
        %sign3A_134 = arith.extui %sign3A_133 : i1 to i32
        %sign3A_135 = arith.constant 0 : i32
        %sign3A_136 = arith.cmpi slt, %add3A_129, %sign3A_135 : i32
        %sign3A_137 = arith.extui %sign3A_136 : i1 to i32
        %sign3A_138 = arith.subi %sign3A_134, %sign3A_137 : i32
        %sign3A_139 = arith.constant 0 : i32
        %sign3A_140 = arith.cmpi sgt, %jit3A_130, %sign3A_139 : i32
        %sign3A_141 = arith.extui %sign3A_140 : i1 to i32
        %sign3A_142 = arith.constant 0 : i32
        %sign3A_143 = arith.cmpi slt, %jit3A_130, %sign3A_142 : i32
        %sign3A_144 = arith.extui %sign3A_143 : i1 to i32
        %sign3A_145 = arith.subi %sign3A_141, %sign3A_144 : i32
        %ne3A_146 = arith.cmpi ne, %sign3A_138, %sign3A_145 : i32
        %rem3A_147 = arith.remsi %add3A_129, %jit3A_130 : i32
        %ne3A_148 = arith.constant 0 : i32
        %ne3A_149 = arith.cmpi ne, %rem3A_147, %ne3A_148 : i32
        %and3A_150 = arith.andi %ne3A_146, %ne3A_149 : i1
        %sub3A_151 = arith.constant 1 : i32
        %sub3A_152 = arith.subi %div3A_131, %sub3A_151 : i32
        %select_n3A_153 = arith.select %and3A_150, %sub3A_152, %div3A_131 : i32
        %jit3A_154 = arith.constant 113 : i32
        %eq3A = arith.constant 0 : i32
        %eq3A_155 = arith.cmpi eq, %jit3A_154, %eq3A : i32
        %jit3A_156 = arith.constant 1 : i32
        %select_n3A_157 = arith.select %eq3A_155, %jit3A_156, %jit3A_154 : i32
        %rem3A_158 = arith.remsi %add3A_129, %select_n3A_157 : i32
        %ne3A_159 = arith.constant 0 : i32
        %ne3A_160 = arith.cmpi ne, %rem3A_158, %ne3A_159 : i32
        %lt3A_161 = arith.constant 0 : i32
        %lt3A_162 = arith.cmpi slt, %rem3A_158, %lt3A_161 : i32
        %lt3A_163 = arith.constant 0 : i32
        %lt3A_164 = arith.cmpi slt, %select_n3A_157, %lt3A_163 : i32
        %ne3A_165 = arith.xori %lt3A_162, %lt3A_164 : i1
        %and3A_166 = arith.andi %ne3A_165, %ne3A_160 : i1
        %add3A_167 = arith.addi %rem3A_158, %select_n3A_157 : i32
        %select_n3A_168 = arith.select %and3A_166, %add3A_167, %rem3A_158 : i32
        %mul3A_169 = arith.constant 7232 : i32
        %mul3A_170 = arith.muli %select_n3A_153, %mul3A_169 : i32
        %mul3A_171 = arith.constant 64 : i32
        %mul3A_172 = arith.muli %select_n3A_168, %mul3A_171 : i32
        %add3A_173 = arith.addi %mul3A_170, %mul3A_172 : i32
        "tpu.region"() ({
          %run_scoped3A = tpu.sem_alloc : memref<!tpu.dma_semaphore, #tpu.memory_space<semaphore_mem>>
          %dma_start3A_176 = tpu.memref_slice %arg3[%add3A_173] : memref<28928xi32, #tpu.memory_space<hbm>> -> memref<64xi32, #tpu.memory_space<hbm>>
          %dma_start3A_177 = tpu.memref_slice %arg3[%add3A_173] : memref<28928xi32, #tpu.memory_space<hbm>> -> memref<64xi32, #tpu.memory_space<hbm>>
          tpu.enqueue_dma source(%dma_start3A_177 : memref<64xi32, #tpu.memory_space<hbm>>) target(%arg5 : memref<64xi32, #tpu.memory_space<vmem>>) target_semaphore(%run_scoped3A : memref<!tpu.dma_semaphore, #tpu.memory_space<semaphore_mem>>)
          %dma_wait3A = tpu.memref_slice %arg3[%add3A_173] : memref<28928xi32, #tpu.memory_space<hbm>> -> memref<64xi32, #tpu.memory_space<hbm>>
          %dma_wait3A_178 = tpu.memref_slice %arg3[%add3A_173] : memref<28928xi32, #tpu.memory_space<hbm>> -> memref<64xi32, #tpu.memory_space<hbm>>
          tpu.wait_dma2 semaphore(%run_scoped3A : memref<!tpu.dma_semaphore, #tpu.memory_space<semaphore_mem>>) src(%dma_wait3A_178 : memref<64xi32, #tpu.memory_space<hbm>>) dst(%arg5 : memref<64xi32, #tpu.memory_space<vmem>>)
          tpu.yield
        }) : () -> ()
        %dma_start3A = arith.constant 0 : i32
        %dma_start3A_174 = arith.constant 0 : i32
        %dma_start3A_175 = tpu.memref_slice %arg2[%dma_start3A, %dma_start3A_174] : memref<5000x256xf32, #tpu.memory_space<hbm>> -> memref<5000x256xf32, #tpu.memory_space<hbm>>
        tpu.enqueue_indirect_dma source(%dma_start3A_175 : memref<5000x256xf32, #tpu.memory_space<hbm>>) target(%arg9 : memref<64x256xf32, #tpu.memory_space<vmem>>) offsets(%arg5 : memref<64xi32, #tpu.memory_space<vmem>>) semaphore(%arg13 : memref<!tpu.dma_semaphore, #tpu.memory_space<semaphore_mem>>)
      } else {
      }
      %add3A_85 = arith.constant 1 : i32
      %add3A_86 = arith.addi %mul3A_47, %add3A_85 : i32
      %lt3A_87 = arith.cmpi slt, %add3A_86, %select_n3A : i32
      %convert_element_type3A_88 = arith.extui %lt3A_87 : i1 to i32
      %cond3A_89 = arith.constant 0 : i32
      %cond3A_90 = arith.cmpi ne, %convert_element_type3A_88, %cond3A_89 : i32
      scf.if %cond3A_90 {
        %mul3A_127 = arith.constant 32 : i32
        %mul3A_128 = arith.muli %add3A_86, %mul3A_127 : i32
        %add3A_129 = arith.addi %add3A, %mul3A_128 : i32
        %jit3A_130 = arith.constant 113 : i32
        %div3A_131 = arith.divsi %add3A_129, %jit3A_130 : i32
        %sign3A_132 = arith.constant 0 : i32
        %sign3A_133 = arith.cmpi sgt, %add3A_129, %sign3A_132 : i32
        %sign3A_134 = arith.extui %sign3A_133 : i1 to i32
        %sign3A_135 = arith.constant 0 : i32
        %sign3A_136 = arith.cmpi slt, %add3A_129, %sign3A_135 : i32
        %sign3A_137 = arith.extui %sign3A_136 : i1 to i32
        %sign3A_138 = arith.subi %sign3A_134, %sign3A_137 : i32
        %sign3A_139 = arith.constant 0 : i32
        %sign3A_140 = arith.cmpi sgt, %jit3A_130, %sign3A_139 : i32
        %sign3A_141 = arith.extui %sign3A_140 : i1 to i32
        %sign3A_142 = arith.constant 0 : i32
        %sign3A_143 = arith.cmpi slt, %jit3A_130, %sign3A_142 : i32
        %sign3A_144 = arith.extui %sign3A_143 : i1 to i32
        %sign3A_145 = arith.subi %sign3A_141, %sign3A_144 : i32
        %ne3A_146 = arith.cmpi ne, %sign3A_138, %sign3A_145 : i32
        %rem3A_147 = arith.remsi %add3A_129, %jit3A_130 : i32
        %ne3A_148 = arith.constant 0 : i32
        %ne3A_149 = arith.cmpi ne, %rem3A_147, %ne3A_148 : i32
        %and3A_150 = arith.andi %ne3A_146, %ne3A_149 : i1
        %sub3A_151 = arith.constant 1 : i32
        %sub3A_152 = arith.subi %div3A_131, %sub3A_151 : i32
        %select_n3A_153 = arith.select %and3A_150, %sub3A_152, %div3A_131 : i32
        %jit3A_154 = arith.constant 113 : i32
        %eq3A = arith.constant 0 : i32
        %eq3A_155 = arith.cmpi eq, %jit3A_154, %eq3A : i32
        %jit3A_156 = arith.constant 1 : i32
        %select_n3A_157 = arith.select %eq3A_155, %jit3A_156, %jit3A_154 : i32
        %rem3A_158 = arith.remsi %add3A_129, %select_n3A_157 : i32
        %ne3A_159 = arith.constant 0 : i32
        %ne3A_160 = arith.cmpi ne, %rem3A_158, %ne3A_159 : i32
        %lt3A_161 = arith.constant 0 : i32
        %lt3A_162 = arith.cmpi slt, %rem3A_158, %lt3A_161 : i32
        %lt3A_163 = arith.constant 0 : i32
        %lt3A_164 = arith.cmpi slt, %select_n3A_157, %lt3A_163 : i32
        %ne3A_165 = arith.xori %lt3A_162, %lt3A_164 : i1
        %and3A_166 = arith.andi %ne3A_165, %ne3A_160 : i1
        %add3A_167 = arith.addi %rem3A_158, %select_n3A_157 : i32
        %select_n3A_168 = arith.select %and3A_166, %add3A_167, %rem3A_158 : i32
        %mul3A_169 = arith.constant 64 : i32
        %mul3A_170 = arith.muli %select_n3A_168, %mul3A_169 : i32
        %mul3A_171 = arith.constant 256 : i32
        %mul3A_172 = arith.muli %select_n3A_153, %mul3A_171 : i32
        %dma_wait3A = tpu.memref_slice %arg4[%mul3A_170, %mul3A_172] : memref<7232x1024xf32, #tpu.memory_space<hbm>> -> memref<64x256xf32, #tpu.memory_space<hbm>>
        %dma_wait3A_173 = tpu.memref_slice %arg4[%mul3A_170, %mul3A_172] : memref<7232x1024xf32, #tpu.memory_space<hbm>> -> memref<64x256xf32, #tpu.memory_space<hbm>>
        tpu.wait_dma2 semaphore(%arg18 : memref<!tpu.dma_semaphore, #tpu.memory_space<semaphore_mem>>) src(%arg10 : memref<64x256xf32, #tpu.memory_space<vmem>>) dst(%dma_wait3A_173 : memref<64x256xf32, #tpu.memory_space<hbm>>)
      } else {
      }
      %add3A_91 = arith.constant 4 : i32
      %add3A_92 = arith.addi %mul3A_47, %add3A_91 : i32
      %add3A_93 = arith.constant 1 : i32
      %add3A_94 = arith.addi %add3A_92, %add3A_93 : i32
      %lt3A_95 = arith.cmpi slt, %add3A_94, %select_n3A : i32
      %convert_element_type3A_96 = arith.extui %lt3A_95 : i1 to i32
      %cond3A_97 = arith.constant 0 : i32
      %cond3A_98 = arith.cmpi ne, %convert_element_type3A_96, %cond3A_97 : i32
      scf.if %cond3A_98 {
        %mul3A_127 = arith.constant 32 : i32
        %mul3A_128 = arith.muli %add3A_94, %mul3A_127 : i32
        %add3A_129 = arith.addi %add3A, %mul3A_128 : i32
        %jit3A_130 = arith.constant 113 : i32
        %div3A_131 = arith.divsi %add3A_129, %jit3A_130 : i32
        %sign3A_132 = arith.constant 0 : i32
        %sign3A_133 = arith.cmpi sgt, %add3A_129, %sign3A_132 : i32
        %sign3A_134 = arith.extui %sign3A_133 : i1 to i32
        %sign3A_135 = arith.constant 0 : i32
        %sign3A_136 = arith.cmpi slt, %add3A_129, %sign3A_135 : i32
        %sign3A_137 = arith.extui %sign3A_136 : i1 to i32
        %sign3A_138 = arith.subi %sign3A_134, %sign3A_137 : i32
        %sign3A_139 = arith.constant 0 : i32
        %sign3A_140 = arith.cmpi sgt, %jit3A_130, %sign3A_139 : i32
        %sign3A_141 = arith.extui %sign3A_140 : i1 to i32
        %sign3A_142 = arith.constant 0 : i32
        %sign3A_143 = arith.cmpi slt, %jit3A_130, %sign3A_142 : i32
        %sign3A_144 = arith.extui %sign3A_143 : i1 to i32
        %sign3A_145 = arith.subi %sign3A_141, %sign3A_144 : i32
        %ne3A_146 = arith.cmpi ne, %sign3A_138, %sign3A_145 : i32
        %rem3A_147 = arith.remsi %add3A_129, %jit3A_130 : i32
        %ne3A_148 = arith.constant 0 : i32
        %ne3A_149 = arith.cmpi ne, %rem3A_147, %ne3A_148 : i32
        %and3A_150 = arith.andi %ne3A_146, %ne3A_149 : i1
        %sub3A_151 = arith.constant 1 : i32
        %sub3A_152 = arith.subi %div3A_131, %sub3A_151 : i32
        %select_n3A_153 = arith.select %and3A_150, %sub3A_152, %div3A_131 : i32
        %jit3A_154 = arith.constant 113 : i32
        %eq3A = arith.constant 0 : i32
        %eq3A_155 = arith.cmpi eq, %jit3A_154, %eq3A : i32
        %jit3A_156 = arith.constant 1 : i32
        %select_n3A_157 = arith.select %eq3A_155, %jit3A_156, %jit3A_154 : i32
        %rem3A_158 = arith.remsi %add3A_129, %select_n3A_157 : i32
        %ne3A_159 = arith.constant 0 : i32
        %ne3A_160 = arith.cmpi ne, %rem3A_158, %ne3A_159 : i32
        %lt3A_161 = arith.constant 0 : i32
        %lt3A_162 = arith.cmpi slt, %rem3A_158, %lt3A_161 : i32
        %lt3A_163 = arith.constant 0 : i32
        %lt3A_164 = arith.cmpi slt, %select_n3A_157, %lt3A_163 : i32
        %ne3A_165 = arith.xori %lt3A_162, %lt3A_164 : i1
        %and3A_166 = arith.andi %ne3A_165, %ne3A_160 : i1
        %add3A_167 = arith.addi %rem3A_158, %select_n3A_157 : i32
        %select_n3A_168 = arith.select %and3A_166, %add3A_167, %rem3A_158 : i32
        %mul3A_169 = arith.constant 7232 : i32
        %mul3A_170 = arith.muli %select_n3A_153, %mul3A_169 : i32
        %mul3A_171 = arith.constant 64 : i32
        %mul3A_172 = arith.muli %select_n3A_168, %mul3A_171 : i32
        %add3A_173 = arith.addi %mul3A_170, %mul3A_172 : i32
        "tpu.region"() ({
          %run_scoped3A = tpu.sem_alloc : memref<!tpu.dma_semaphore, #tpu.memory_space<semaphore_mem>>
          %dma_start3A_176 = tpu.memref_slice %arg3[%add3A_173] : memref<28928xi32, #tpu.memory_space<hbm>> -> memref<64xi32, #tpu.memory_space<hbm>>
          %dma_start3A_177 = tpu.memref_slice %arg3[%add3A_173] : memref<28928xi32, #tpu.memory_space<hbm>> -> memref<64xi32, #tpu.memory_space<hbm>>
          tpu.enqueue_dma source(%dma_start3A_177 : memref<64xi32, #tpu.memory_space<hbm>>) target(%arg6 : memref<64xi32, #tpu.memory_space<vmem>>) target_semaphore(%run_scoped3A : memref<!tpu.dma_semaphore, #tpu.memory_space<semaphore_mem>>)
          %dma_wait3A = tpu.memref_slice %arg3[%add3A_173] : memref<28928xi32, #tpu.memory_space<hbm>> -> memref<64xi32, #tpu.memory_space<hbm>>
          %dma_wait3A_178 = tpu.memref_slice %arg3[%add3A_173] : memref<28928xi32, #tpu.memory_space<hbm>> -> memref<64xi32, #tpu.memory_space<hbm>>
          tpu.wait_dma2 semaphore(%run_scoped3A : memref<!tpu.dma_semaphore, #tpu.memory_space<semaphore_mem>>) src(%dma_wait3A_178 : memref<64xi32, #tpu.memory_space<hbm>>) dst(%arg6 : memref<64xi32, #tpu.memory_space<vmem>>)
          tpu.yield
        }) : () -> ()
        %dma_start3A = arith.constant 0 : i32
        %dma_start3A_174 = arith.constant 0 : i32
        %dma_start3A_175 = tpu.memref_slice %arg2[%dma_start3A, %dma_start3A_174] : memref<5000x256xf32, #tpu.memory_space<hbm>> -> memref<5000x256xf32, #tpu.memory_space<hbm>>
        tpu.enqueue_indirect_dma source(%dma_start3A_175 : memref<5000x256xf32, #tpu.memory_space<hbm>>) target(%arg10 : memref<64x256xf32, #tpu.memory_space<vmem>>) offsets(%arg6 : memref<64xi32, #tpu.memory_space<vmem>>) semaphore(%arg14 : memref<!tpu.dma_semaphore, #tpu.memory_space<semaphore_mem>>)
      } else {
      }
      %add3A_99 = arith.constant 2 : i32
      %add3A_100 = arith.addi %mul3A_47, %add3A_99 : i32
      %lt3A_101 = arith.cmpi slt, %add3A_100, %select_n3A : i32
      %convert_element_type3A_102 = arith.extui %lt3A_101 : i1 to i32
      %cond3A_103 = arith.constant 0 : i32
      %cond3A_104 = arith.cmpi ne, %convert_element_type3A_102, %cond3A_103 : i32
      scf.if %cond3A_104 {
        %mul3A_127 = arith.constant 32 : i32
        %mul3A_128 = arith.muli %add3A_100, %mul3A_127 : i32
        %add3A_129 = arith.addi %add3A, %mul3A_128 : i32
        %jit3A_130 = arith.constant 113 : i32
        %div3A_131 = arith.divsi %add3A_129, %jit3A_130 : i32
        %sign3A_132 = arith.constant 0 : i32
        %sign3A_133 = arith.cmpi sgt, %add3A_129, %sign3A_132 : i32
        %sign3A_134 = arith.extui %sign3A_133 : i1 to i32
        %sign3A_135 = arith.constant 0 : i32
        %sign3A_136 = arith.cmpi slt, %add3A_129, %sign3A_135 : i32
        %sign3A_137 = arith.extui %sign3A_136 : i1 to i32
        %sign3A_138 = arith.subi %sign3A_134, %sign3A_137 : i32
        %sign3A_139 = arith.constant 0 : i32
        %sign3A_140 = arith.cmpi sgt, %jit3A_130, %sign3A_139 : i32
        %sign3A_141 = arith.extui %sign3A_140 : i1 to i32
        %sign3A_142 = arith.constant 0 : i32
        %sign3A_143 = arith.cmpi slt, %jit3A_130, %sign3A_142 : i32
        %sign3A_144 = arith.extui %sign3A_143 : i1 to i32
        %sign3A_145 = arith.subi %sign3A_141, %sign3A_144 : i32
        %ne3A_146 = arith.cmpi ne, %sign3A_138, %sign3A_145 : i32
        %rem3A_147 = arith.remsi %add3A_129, %jit3A_130 : i32
        %ne3A_148 = arith.constant 0 : i32
        %ne3A_149 = arith.cmpi ne, %rem3A_147, %ne3A_148 : i32
        %and3A_150 = arith.andi %ne3A_146, %ne3A_149 : i1
        %sub3A_151 = arith.constant 1 : i32
        %sub3A_152 = arith.subi %div3A_131, %sub3A_151 : i32
        %select_n3A_153 = arith.select %and3A_150, %sub3A_152, %div3A_131 : i32
        %jit3A_154 = arith.constant 113 : i32
        %eq3A = arith.constant 0 : i32
        %eq3A_155 = arith.cmpi eq, %jit3A_154, %eq3A : i32
        %jit3A_156 = arith.constant 1 : i32
        %select_n3A_157 = arith.select %eq3A_155, %jit3A_156, %jit3A_154 : i32
        %rem3A_158 = arith.remsi %add3A_129, %select_n3A_157 : i32
        %ne3A_159 = arith.constant 0 : i32
        %ne3A_160 = arith.cmpi ne, %rem3A_158, %ne3A_159 : i32
        %lt3A_161 = arith.constant 0 : i32
        %lt3A_162 = arith.cmpi slt, %rem3A_158, %lt3A_161 : i32
        %lt3A_163 = arith.constant 0 : i32
        %lt3A_164 = arith.cmpi slt, %select_n3A_157, %lt3A_163 : i32
        %ne3A_165 = arith.xori %lt3A_162, %lt3A_164 : i1
        %and3A_166 = arith.andi %ne3A_165, %ne3A_160 : i1
        %add3A_167 = arith.addi %rem3A_158, %select_n3A_157 : i32
        %select_n3A_168 = arith.select %and3A_166, %add3A_167, %rem3A_158 : i32
        %mul3A_169 = arith.constant 64 : i32
        %mul3A_170 = arith.muli %select_n3A_168, %mul3A_169 : i32
        %mul3A_171 = arith.constant 256 : i32
        %mul3A_172 = arith.muli %select_n3A_153, %mul3A_171 : i32
        %dma_wait3A = tpu.memref_slice %arg4[%mul3A_170, %mul3A_172] : memref<7232x1024xf32, #tpu.memory_space<hbm>> -> memref<64x256xf32, #tpu.memory_space<hbm>>
        %dma_wait3A_173 = tpu.memref_slice %arg4[%mul3A_170, %mul3A_172] : memref<7232x1024xf32, #tpu.memory_space<hbm>> -> memref<64x256xf32, #tpu.memory_space<hbm>>
        tpu.wait_dma2 semaphore(%arg19 : memref<!tpu.dma_semaphore, #tpu.memory_space<semaphore_mem>>) src(%arg11 : memref<64x256xf32, #tpu.memory_space<vmem>>) dst(%dma_wait3A_173 : memref<64x256xf32, #tpu.memory_space<hbm>>)
      } else {
      }
      %add3A_105 = arith.constant 4 : i32
      %add3A_106 = arith.addi %mul3A_47, %add3A_105 : i32
      %add3A_107 = arith.constant 2 : i32
      %add3A_108 = arith.addi %add3A_106, %add3A_107 : i32
      %lt3A_109 = arith.cmpi slt, %add3A_108, %select_n3A : i32
      %convert_element_type3A_110 = arith.extui %lt3A_109 : i1 to i32
      %cond3A_111 = arith.constant 0 : i32
      %cond3A_112 = arith.cmpi ne, %convert_element_type3A_110, %cond3A_111 : i32
      scf.if %cond3A_112 {
        %mul3A_127 = arith.constant 32 : i32
        %mul3A_128 = arith.muli %add3A_108, %mul3A_127 : i32
        %add3A_129 = arith.addi %add3A, %mul3A_128 : i32
        %jit3A_130 = arith.constant 113 : i32
        %div3A_131 = arith.divsi %add3A_129, %jit3A_130 : i32
        %sign3A_132 = arith.constant 0 : i32
        %sign3A_133 = arith.cmpi sgt, %add3A_129, %sign3A_132 : i32
        %sign3A_134 = arith.extui %sign3A_133 : i1 to i32
        %sign3A_135 = arith.constant 0 : i32
        %sign3A_136 = arith.cmpi slt, %add3A_129, %sign3A_135 : i32
        %sign3A_137 = arith.extui %sign3A_136 : i1 to i32
        %sign3A_138 = arith.subi %sign3A_134, %sign3A_137 : i32
        %sign3A_139 = arith.constant 0 : i32
        %sign3A_140 = arith.cmpi sgt, %jit3A_130, %sign3A_139 : i32
        %sign3A_141 = arith.extui %sign3A_140 : i1 to i32
        %sign3A_142 = arith.constant 0 : i32
        %sign3A_143 = arith.cmpi slt, %jit3A_130, %sign3A_142 : i32
        %sign3A_144 = arith.extui %sign3A_143 : i1 to i32
        %sign3A_145 = arith.subi %sign3A_141, %sign3A_144 : i32
        %ne3A_146 = arith.cmpi ne, %sign3A_138, %sign3A_145 : i32
        %rem3A_147 = arith.remsi %add3A_129, %jit3A_130 : i32
        %ne3A_148 = arith.constant 0 : i32
        %ne3A_149 = arith.cmpi ne, %rem3A_147, %ne3A_148 : i32
        %and3A_150 = arith.andi %ne3A_146, %ne3A_149 : i1
        %sub3A_151 = arith.constant 1 : i32
        %sub3A_152 = arith.subi %div3A_131, %sub3A_151 : i32
        %select_n3A_153 = arith.select %and3A_150, %sub3A_152, %div3A_131 : i32
        %jit3A_154 = arith.constant 113 : i32
        %eq3A = arith.constant 0 : i32
        %eq3A_155 = arith.cmpi eq, %jit3A_154, %eq3A : i32
        %jit3A_156 = arith.constant 1 : i32
        %select_n3A_157 = arith.select %eq3A_155, %jit3A_156, %jit3A_154 : i32
        %rem3A_158 = arith.remsi %add3A_129, %select_n3A_157 : i32
        %ne3A_159 = arith.constant 0 : i32
        %ne3A_160 = arith.cmpi ne, %rem3A_158, %ne3A_159 : i32
        %lt3A_161 = arith.constant 0 : i32
        %lt3A_162 = arith.cmpi slt, %rem3A_158, %lt3A_161 : i32
        %lt3A_163 = arith.constant 0 : i32
        %lt3A_164 = arith.cmpi slt, %select_n3A_157, %lt3A_163 : i32
        %ne3A_165 = arith.xori %lt3A_162, %lt3A_164 : i1
        %and3A_166 = arith.andi %ne3A_165, %ne3A_160 : i1
        %add3A_167 = arith.addi %rem3A_158, %select_n3A_157 : i32
        %select_n3A_168 = arith.select %and3A_166, %add3A_167, %rem3A_158 : i32
        %mul3A_169 = arith.constant 7232 : i32
        %mul3A_170 = arith.muli %select_n3A_153, %mul3A_169 : i32
        %mul3A_171 = arith.constant 64 : i32
        %mul3A_172 = arith.muli %select_n3A_168, %mul3A_171 : i32
        %add3A_173 = arith.addi %mul3A_170, %mul3A_172 : i32
        "tpu.region"() ({
          %run_scoped3A = tpu.sem_alloc : memref<!tpu.dma_semaphore, #tpu.memory_space<semaphore_mem>>
          %dma_start3A_176 = tpu.memref_slice %arg3[%add3A_173] : memref<28928xi32, #tpu.memory_space<hbm>> -> memref<64xi32, #tpu.memory_space<hbm>>
          %dma_start3A_177 = tpu.memref_slice %arg3[%add3A_173] : memref<28928xi32, #tpu.memory_space<hbm>> -> memref<64xi32, #tpu.memory_space<hbm>>
          tpu.enqueue_dma source(%dma_start3A_177 : memref<64xi32, #tpu.memory_space<hbm>>) target(%arg7 : memref<64xi32, #tpu.memory_space<vmem>>) target_semaphore(%run_scoped3A : memref<!tpu.dma_semaphore, #tpu.memory_space<semaphore_mem>>)
          %dma_wait3A = tpu.memref_slice %arg3[%add3A_173] : memref<28928xi32, #tpu.memory_space<hbm>> -> memref<64xi32, #tpu.memory_space<hbm>>
          %dma_wait3A_178 = tpu.memref_slice %arg3[%add3A_173] : memref<28928xi32, #tpu.memory_space<hbm>> -> memref<64xi32, #tpu.memory_space<hbm>>
          tpu.wait_dma2 semaphore(%run_scoped3A : memref<!tpu.dma_semaphore, #tpu.memory_space<semaphore_mem>>) src(%dma_wait3A_178 : memref<64xi32, #tpu.memory_space<hbm>>) dst(%arg7 : memref<64xi32, #tpu.memory_space<vmem>>)
          tpu.yield
        }) : () -> ()
        %dma_start3A = arith.constant 0 : i32
        %dma_start3A_174 = arith.constant 0 : i32
        %dma_start3A_175 = tpu.memref_slice %arg2[%dma_start3A, %dma_start3A_174] : memref<5000x256xf32, #tpu.memory_space<hbm>> -> memref<5000x256xf32, #tpu.memory_space<hbm>>
        tpu.enqueue_indirect_dma source(%dma_start3A_175 : memref<5000x256xf32, #tpu.memory_space<hbm>>) target(%arg11 : memref<64x256xf32, #tpu.memory_space<vmem>>) offsets(%arg7 : memref<64xi32, #tpu.memory_space<vmem>>) semaphore(%arg15 : memref<!tpu.dma_semaphore, #tpu.memory_space<semaphore_mem>>)
      } else {
      }
      %add3A_113 = arith.constant 3 : i32
      %add3A_114 = arith.addi %mul3A_47, %add3A_113 : i32
      %lt3A_115 = arith.cmpi slt, %add3A_114, %select_n3A : i32
      %convert_element_type3A_116 = arith.extui %lt3A_115 : i1 to i32
      %cond3A_117 = arith.constant 0 : i32
      %cond3A_118 = arith.cmpi ne, %convert_element_type3A_116, %cond3A_117 : i32
      scf.if %cond3A_118 {
        %mul3A_127 = arith.constant 32 : i32
        %mul3A_128 = arith.muli %add3A_114, %mul3A_127 : i32
        %add3A_129 = arith.addi %add3A, %mul3A_128 : i32
        %jit3A_130 = arith.constant 113 : i32
        %div3A_131 = arith.divsi %add3A_129, %jit3A_130 : i32
        %sign3A_132 = arith.constant 0 : i32
        %sign3A_133 = arith.cmpi sgt, %add3A_129, %sign3A_132 : i32
        %sign3A_134 = arith.extui %sign3A_133 : i1 to i32
        %sign3A_135 = arith.constant 0 : i32
        %sign3A_136 = arith.cmpi slt, %add3A_129, %sign3A_135 : i32
        %sign3A_137 = arith.extui %sign3A_136 : i1 to i32
        %sign3A_138 = arith.subi %sign3A_134, %sign3A_137 : i32
        %sign3A_139 = arith.constant 0 : i32
        %sign3A_140 = arith.cmpi sgt, %jit3A_130, %sign3A_139 : i32
        %sign3A_141 = arith.extui %sign3A_140 : i1 to i32
        %sign3A_142 = arith.constant 0 : i32
        %sign3A_143 = arith.cmpi slt, %jit3A_130, %sign3A_142 : i32
        %sign3A_144 = arith.extui %sign3A_143 : i1 to i32
        %sign3A_145 = arith.subi %sign3A_141, %sign3A_144 : i32
        %ne3A_146 = arith.cmpi ne, %sign3A_138, %sign3A_145 : i32
        %rem3A_147 = arith.remsi %add3A_129, %jit3A_130 : i32
        %ne3A_148 = arith.constant 0 : i32
        %ne3A_149 = arith.cmpi ne, %rem3A_147, %ne3A_148 : i32
        %and3A_150 = arith.andi %ne3A_146, %ne3A_149 : i1
        %sub3A_151 = arith.constant 1 : i32
        %sub3A_152 = arith.subi %div3A_131, %sub3A_151 : i32
        %select_n3A_153 = arith.select %and3A_150, %sub3A_152, %div3A_131 : i32
        %jit3A_154 = arith.constant 113 : i32
        %eq3A = arith.constant 0 : i32
        %eq3A_155 = arith.cmpi eq, %jit3A_154, %eq3A : i32
        %jit3A_156 = arith.constant 1 : i32
        %select_n3A_157 = arith.select %eq3A_155, %jit3A_156, %jit3A_154 : i32
        %rem3A_158 = arith.remsi %add3A_129, %select_n3A_157 : i32
        %ne3A_159 = arith.constant 0 : i32
        %ne3A_160 = arith.cmpi ne, %rem3A_158, %ne3A_159 : i32
        %lt3A_161 = arith.constant 0 : i32
        %lt3A_162 = arith.cmpi slt, %rem3A_158, %lt3A_161 : i32
        %lt3A_163 = arith.constant 0 : i32
        %lt3A_164 = arith.cmpi slt, %select_n3A_157, %lt3A_163 : i32
        %ne3A_165 = arith.xori %lt3A_162, %lt3A_164 : i1
        %and3A_166 = arith.andi %ne3A_165, %ne3A_160 : i1
        %add3A_167 = arith.addi %rem3A_158, %select_n3A_157 : i32
        %select_n3A_168 = arith.select %and3A_166, %add3A_167, %rem3A_158 : i32
        %mul3A_169 = arith.constant 64 : i32
        %mul3A_170 = arith.muli %select_n3A_168, %mul3A_169 : i32
        %mul3A_171 = arith.constant 256 : i32
        %mul3A_172 = arith.muli %select_n3A_153, %mul3A_171 : i32
        %dma_wait3A = tpu.memref_slice %arg4[%mul3A_170, %mul3A_172] : memref<7232x1024xf32, #tpu.memory_space<hbm>> -> memref<64x256xf32, #tpu.memory_space<hbm>>
        %dma_wait3A_173 = tpu.memref_slice %arg4[%mul3A_170, %mul3A_172] : memref<7232x1024xf32, #tpu.memory_space<hbm>> -> memref<64x256xf32, #tpu.memory_space<hbm>>
        tpu.wait_dma2 semaphore(%arg20 : memref<!tpu.dma_semaphore, #tpu.memory_space<semaphore_mem>>) src(%arg12 : memref<64x256xf32, #tpu.memory_space<vmem>>) dst(%dma_wait3A_173 : memref<64x256xf32, #tpu.memory_space<hbm>>)
      } else {
      }
      %add3A_119 = arith.constant 4 : i32
      %add3A_120 = arith.addi %mul3A_47, %add3A_119 : i32
      %add3A_121 = arith.constant 3 : i32
      %add3A_122 = arith.addi %add3A_120, %add3A_121 : i32
      %lt3A_123 = arith.cmpi slt, %add3A_122, %select_n3A : i32
      %convert_element_type3A_124 = arith.extui %lt3A_123 : i1 to i32
      %cond3A_125 = arith.constant 0 : i32
      %cond3A_126 = arith.cmpi ne, %convert_element_type3A_124, %cond3A_125 : i32
      scf.if %cond3A_126 {
        %mul3A_127 = arith.constant 32 : i32
        %mul3A_128 = arith.muli %add3A_122, %mul3A_127 : i32
        %add3A_129 = arith.addi %add3A, %mul3A_128 : i32
        %jit3A_130 = arith.constant 113 : i32
        %div3A_131 = arith.divsi %add3A_129, %jit3A_130 : i32
        %sign3A_132 = arith.constant 0 : i32
        %sign3A_133 = arith.cmpi sgt, %add3A_129, %sign3A_132 : i32
        %sign3A_134 = arith.extui %sign3A_133 : i1 to i32
        %sign3A_135 = arith.constant 0 : i32
        %sign3A_136 = arith.cmpi slt, %add3A_129, %sign3A_135 : i32
        %sign3A_137 = arith.extui %sign3A_136 : i1 to i32
        %sign3A_138 = arith.subi %sign3A_134, %sign3A_137 : i32
        %sign3A_139 = arith.constant 0 : i32
        %sign3A_140 = arith.cmpi sgt, %jit3A_130, %sign3A_139 : i32
        %sign3A_141 = arith.extui %sign3A_140 : i1 to i32
        %sign3A_142 = arith.constant 0 : i32
        %sign3A_143 = arith.cmpi slt, %jit3A_130, %sign3A_142 : i32
        %sign3A_144 = arith.extui %sign3A_143 : i1 to i32
        %sign3A_145 = arith.subi %sign3A_141, %sign3A_144 : i32
        %ne3A_146 = arith.cmpi ne, %sign3A_138, %sign3A_145 : i32
        %rem3A_147 = arith.remsi %add3A_129, %jit3A_130 : i32
        %ne3A_148 = arith.constant 0 : i32
        %ne3A_149 = arith.cmpi ne, %rem3A_147, %ne3A_148 : i32
        %and3A_150 = arith.andi %ne3A_146, %ne3A_149 : i1
        %sub3A_151 = arith.constant 1 : i32
        %sub3A_152 = arith.subi %div3A_131, %sub3A_151 : i32
        %select_n3A_153 = arith.select %and3A_150, %sub3A_152, %div3A_131 : i32
        %jit3A_154 = arith.constant 113 : i32
        %eq3A = arith.constant 0 : i32
        %eq3A_155 = arith.cmpi eq, %jit3A_154, %eq3A : i32
        %jit3A_156 = arith.constant 1 : i32
        %select_n3A_157 = arith.select %eq3A_155, %jit3A_156, %jit3A_154 : i32
        %rem3A_158 = arith.remsi %add3A_129, %select_n3A_157 : i32
        %ne3A_159 = arith.constant 0 : i32
        %ne3A_160 = arith.cmpi ne, %rem3A_158, %ne3A_159 : i32
        %lt3A_161 = arith.constant 0 : i32
        %lt3A_162 = arith.cmpi slt, %rem3A_158, %lt3A_161 : i32
        %lt3A_163 = arith.constant 0 : i32
        %lt3A_164 = arith.cmpi slt, %select_n3A_157, %lt3A_163 : i32
        %ne3A_165 = arith.xori %lt3A_162, %lt3A_164 : i1
        %and3A_166 = arith.andi %ne3A_165, %ne3A_160 : i1
        %add3A_167 = arith.addi %rem3A_158, %select_n3A_157 : i32
        %select_n3A_168 = arith.select %and3A_166, %add3A_167, %rem3A_158 : i32
        %mul3A_169 = arith.constant 7232 : i32
        %mul3A_170 = arith.muli %select_n3A_153, %mul3A_169 : i32
        %mul3A_171 = arith.constant 64 : i32
        %mul3A_172 = arith.muli %select_n3A_168, %mul3A_171 : i32
        %add3A_173 = arith.addi %mul3A_170, %mul3A_172 : i32
        "tpu.region"() ({
          %run_scoped3A = tpu.sem_alloc : memref<!tpu.dma_semaphore, #tpu.memory_space<semaphore_mem>>
          %dma_start3A_176 = tpu.memref_slice %arg3[%add3A_173] : memref<28928xi32, #tpu.memory_space<hbm>> -> memref<64xi32, #tpu.memory_space<hbm>>
          %dma_start3A_177 = tpu.memref_slice %arg3[%add3A_173] : memref<28928xi32, #tpu.memory_space<hbm>> -> memref<64xi32, #tpu.memory_space<hbm>>
          tpu.enqueue_dma source(%dma_start3A_177 : memref<64xi32, #tpu.memory_space<hbm>>) target(%arg8 : memref<64xi32, #tpu.memory_space<vmem>>) target_semaphore(%run_scoped3A : memref<!tpu.dma_semaphore, #tpu.memory_space<semaphore_mem>>)
          %dma_wait3A = tpu.memref_slice %arg3[%add3A_173] : memref<28928xi32, #tpu.memory_space<hbm>> -> memref<64xi32, #tpu.memory_space<hbm>>
          %dma_wait3A_178 = tpu.memref_slice %arg3[%add3A_173] : memref<28928xi32, #tpu.memory_space<hbm>> -> memref<64xi32, #tpu.memory_space<hbm>>
          tpu.wait_dma2 semaphore(%run_scoped3A : memref<!tpu.dma_semaphore, #tpu.memory_space<semaphore_mem>>) src(%dma_wait3A_178 : memref<64xi32, #tpu.memory_space<hbm>>) dst(%arg8 : memref<64xi32, #tpu.memory_space<vmem>>)
          tpu.yield
        }) : () -> ()
        %dma_start3A = arith.constant 0 : i32
        %dma_start3A_174 = arith.constant 0 : i32
        %dma_start3A_175 = tpu.memref_slice %arg2[%dma_start3A, %dma_start3A_174] : memref<5000x256xf32, #tpu.memory_space<hbm>> -> memref<5000x256xf32, #tpu.memory_space<hbm>>
        tpu.enqueue_indirect_dma source(%dma_start3A_175 : memref<5000x256xf32, #tpu.memory_space<hbm>>) target(%arg12 : memref<64x256xf32, #tpu.memory_space<vmem>>) offsets(%arg8 : memref<64xi32, #tpu.memory_space<vmem>>) semaphore(%arg16 : memref<!tpu.dma_semaphore, #tpu.memory_space<semaphore_mem>>)
      } else {
      }
    }
    %scan3A_44 = arith.constant 4 : i32
    return
  }
}

#map = affine_map<(d0, d1) -> (0, 0)>
#map1 = affine_map<(d0, d1) -> (0)>
module attributes {stable_mosaic.version = 14 : i64} {
  func.func @k(%arg0: i32, %arg1: i32, %arg2: memref<5000x256xf32, #tpu.memory_space<hbm>>, %arg3: memref<36864xi32, #tpu.memory_space<hbm>>, %arg4: memref<9216x1024xf32, #tpu.memory_space<hbm>>, %arg5: memref<64xi32, #tpu.memory_space<vmem>>, %arg6: memref<64xi32, #tpu.memory_space<vmem>>, %arg7: memref<64xi32, #tpu.memory_space<vmem>>, %arg8: memref<64xi32, #tpu.memory_space<vmem>>, %arg9: memref<64x256xf32, #tpu.memory_space<vmem>>, %arg10: memref<64x256xf32, #tpu.memory_space<vmem>>, %arg11: memref<64x256xf32, #tpu.memory_space<vmem>>, %arg12: memref<64x256xf32, #tpu.memory_space<vmem>>, %arg13: memref<!tpu.dma_semaphore, #tpu.memory_space<semaphore_mem>>, %arg14: memref<!tpu.dma_semaphore, #tpu.memory_space<semaphore_mem>>, %arg15: memref<!tpu.dma_semaphore, #tpu.memory_space<semaphore_mem>>, %arg16: memref<!tpu.dma_semaphore, #tpu.memory_space<semaphore_mem>>, %arg17: memref<!tpu.dma_semaphore, #tpu.memory_space<semaphore_mem>>, %arg18: memref<!tpu.dma_semaphore, #tpu.memory_space<semaphore_mem>>, %arg19: memref<!tpu.dma_semaphore, #tpu.memory_space<semaphore_mem>>, %arg20: memref<!tpu.dma_semaphore, #tpu.memory_space<semaphore_mem>>) attributes {dimension_semantics = [#tpu.dimension_semantics<core_parallel>, #tpu.dimension_semantics<subcore_parallel>], iteration_bounds = array<i64: 2, 16>, scalar_prefetch = 0 : i64, scratch_operands = 16 : i64, tpu.core_type = #tpu.core_type<sc_vector_subcore>, window_params = [{transform_indices = #map}, {transform_indices = #map1}, {transform_indices = #map}]} {
    %mul3A = arith.constant 2 : i32
    %mul3A_0 = arith.muli %arg1, %mul3A : i32
    %add3A = arith.addi %mul3A_0, %arg0 : i32
    %sub3A = arith.constant 576 : i32
    %sub3A_1 = arith.subi %sub3A, %add3A : i32
    %add3A_2 = arith.constant 32 : i32
    %add3A_3 = arith.addi %sub3A_1, %add3A_2 : i32
    %sub3A_4 = arith.constant 1 : i32
    %sub3A_5 = arith.subi %add3A_3, %sub3A_4 : i32
    %jit3A = arith.constant 32 : i32
    %div3A = arith.divsi %sub3A_5, %jit3A : i32
    %sign3A = arith.constant 0 : i32
    %sign3A_6 = arith.cmpi sgt, %sub3A_5, %sign3A : i32
    %sign3A_7 = arith.extui %sign3A_6 : i1 to i32
    %sign3A_8 = arith.constant 0 : i32
    %sign3A_9 = arith.cmpi slt, %sub3A_5, %sign3A_8 : i32
    %sign3A_10 = arith.extui %sign3A_9 : i1 to i32
    %sign3A_11 = arith.subi %sign3A_7, %sign3A_10 : i32
    %sign3A_12 = arith.constant 0 : i32
    %sign3A_13 = arith.cmpi sgt, %jit3A, %sign3A_12 : i32
    %sign3A_14 = arith.extui %sign3A_13 : i1 to i32
    %sign3A_15 = arith.constant 0 : i32
    %sign3A_16 = arith.cmpi slt, %jit3A, %sign3A_15 : i32
    %sign3A_17 = arith.extui %sign3A_16 : i1 to i32
    %sign3A_18 = arith.subi %sign3A_14, %sign3A_17 : i32
    %ne3A = arith.cmpi ne, %sign3A_11, %sign3A_18 : i32
    %rem3A = arith.remsi %sub3A_5, %jit3A : i32
    %ne3A_19 = arith.constant 0 : i32
    %ne3A_20 = arith.cmpi ne, %rem3A, %ne3A_19 : i32
    %and3A = arith.andi %ne3A, %ne3A_20 : i1
    %sub3A_21 = arith.constant 1 : i32
    %sub3A_22 = arith.subi %div3A, %sub3A_21 : i32
    %select_n3A = arith.select %and3A, %sub3A_22, %div3A : i32
    %gt3A = arith.constant 0 : i32
    %gt3A_23 = arith.cmpi sgt, %select_n3A, %gt3A : i32
    %convert_element_type3A = arith.extui %gt3A_23 : i1 to i32
    %cond3A = arith.constant 0 : i32
    %cond3A_24 = arith.cmpi ne, %convert_element_type3A, %cond3A : i32
    scf.if %cond3A_24 {
      %add3A_45 = arith.constant 0 : i32
      %add3A_46 = arith.addi %add3A, %add3A_45 : i32
      %jit3A_47 = arith.constant 144 : i32
      %div3A_48 = arith.divsi %add3A_46, %jit3A_47 : i32
      %sign3A_49 = arith.constant 0 : i32
      %sign3A_50 = arith.cmpi sgt, %add3A_46, %sign3A_49 : i32
      %sign3A_51 = arith.extui %sign3A_50 : i1 to i32
      %sign3A_52 = arith.constant 0 : i32
      %sign3A_53 = arith.cmpi slt, %add3A_46, %sign3A_52 : i32
      %sign3A_54 = arith.extui %sign3A_53 : i1 to i32
      %sign3A_55 = arith.subi %sign3A_51, %sign3A_54 : i32
      %sign3A_56 = arith.constant 0 : i32
      %sign3A_57 = arith.cmpi sgt, %jit3A_47, %sign3A_56 : i32
      %sign3A_58 = arith.extui %sign3A_57 : i1 to i32
      %sign3A_59 = arith.constant 0 : i32
      %sign3A_60 = arith.cmpi slt, %jit3A_47, %sign3A_59 : i32
      %sign3A_61 = arith.extui %sign3A_60 : i1 to i32
      %sign3A_62 = arith.subi %sign3A_58, %sign3A_61 : i32
      %ne3A_63 = arith.cmpi ne, %sign3A_55, %sign3A_62 : i32
      %rem3A_64 = arith.remsi %add3A_46, %jit3A_47 : i32
      %ne3A_65 = arith.constant 0 : i32
      %ne3A_66 = arith.cmpi ne, %rem3A_64, %ne3A_65 : i32
      %and3A_67 = arith.andi %ne3A_63, %ne3A_66 : i1
      %sub3A_68 = arith.constant 1 : i32
      %sub3A_69 = arith.subi %div3A_48, %sub3A_68 : i32
      %select_n3A_70 = arith.select %and3A_67, %sub3A_69, %div3A_48 : i32
      %jit3A_71 = arith.constant 144 : i32
      %eq3A = arith.constant 0 : i32
      %eq3A_72 = arith.cmpi eq, %jit3A_71, %eq3A : i32
      %jit3A_73 = arith.constant 1 : i32
      %select_n3A_74 = arith.select %eq3A_72, %jit3A_73, %jit3A_71 : i32
      %rem3A_75 = arith.remsi %add3A_46, %select_n3A_74 : i32
      %ne3A_76 = arith.constant 0 : i32
      %ne3A_77 = arith.cmpi ne, %rem3A_75, %ne3A_76 : i32
      %lt3A = arith.constant 0 : i32
      %lt3A_78 = arith.cmpi slt, %rem3A_75, %lt3A : i32
      %lt3A_79 = arith.constant 0 : i32
      %lt3A_80 = arith.cmpi slt, %select_n3A_74, %lt3A_79 : i32
      %ne3A_81 = arith.xori %lt3A_78, %lt3A_80 : i1
      %and3A_82 = arith.andi %ne3A_81, %ne3A_77 : i1
      %add3A_83 = arith.addi %rem3A_75, %select_n3A_74 : i32
      %select_n3A_84 = arith.select %and3A_82, %add3A_83, %rem3A_75 : i32
      %mul3A_85 = arith.constant 9216 : i32
      %mul3A_86 = arith.muli %select_n3A_70, %mul3A_85 : i32
      %mul3A_87 = arith.constant 64 : i32
      %mul3A_88 = arith.muli %select_n3A_84, %mul3A_87 : i32
      %add3A_89 = arith.addi %mul3A_86, %mul3A_88 : i32
      "tpu.region"() ({
        %run_scoped3A = tpu.sem_alloc : memref<!tpu.dma_semaphore, #tpu.memory_space<semaphore_mem>>
        %dma_start3A_92 = tpu.memref_slice %arg3[%add3A_89] : memref<36864xi32, #tpu.memory_space<hbm>> -> memref<64xi32, #tpu.memory_space<hbm>>
        %dma_start3A_93 = tpu.memref_slice %arg3[%add3A_89] : memref<36864xi32, #tpu.memory_space<hbm>> -> memref<64xi32, #tpu.memory_space<hbm>>
        tpu.enqueue_dma source(%dma_start3A_93 : memref<64xi32, #tpu.memory_space<hbm>>) target(%arg5 : memref<64xi32, #tpu.memory_space<vmem>>) target_semaphore(%run_scoped3A : memref<!tpu.dma_semaphore, #tpu.memory_space<semaphore_mem>>)
        %dma_wait3A = tpu.memref_slice %arg3[%add3A_89] : memref<36864xi32, #tpu.memory_space<hbm>> -> memref<64xi32, #tpu.memory_space<hbm>>
        %dma_wait3A_94 = tpu.memref_slice %arg3[%add3A_89] : memref<36864xi32, #tpu.memory_space<hbm>> -> memref<64xi32, #tpu.memory_space<hbm>>
        tpu.wait_dma2 semaphore(%run_scoped3A : memref<!tpu.dma_semaphore, #tpu.memory_space<semaphore_mem>>) src(%dma_wait3A_94 : memref<64xi32, #tpu.memory_space<hbm>>) dst(%arg5 : memref<64xi32, #tpu.memory_space<vmem>>)
        tpu.yield
      }) : () -> ()
      %dma_start3A = arith.constant 0 : i32
      %dma_start3A_90 = arith.constant 0 : i32
      %dma_start3A_91 = tpu.memref_slice %arg2[%dma_start3A, %dma_start3A_90] : memref<5000x256xf32, #tpu.memory_space<hbm>> -> memref<5000x256xf32, #tpu.memory_space<hbm>>
      tpu.enqueue_indirect_dma source(%dma_start3A_91 : memref<5000x256xf32, #tpu.memory_space<hbm>>) target(%arg9 : memref<64x256xf32, #tpu.memory_space<vmem>>) offsets(%arg5 : memref<64xi32, #tpu.memory_space<vmem>>) semaphore(%arg13 : memref<!tpu.dma_semaphore, #tpu.memory_space<semaphore_mem>>)
    } else {
    }
    %gt3A_25 = arith.constant 1 : i32
    %gt3A_26 = arith.cmpi sgt, %select_n3A, %gt3A_25 : i32
    %convert_element_type3A_27 = arith.extui %gt3A_26 : i1 to i32
    %cond3A_28 = arith.constant 0 : i32
    %cond3A_29 = arith.cmpi ne, %convert_element_type3A_27, %cond3A_28 : i32
    scf.if %cond3A_29 {
      %add3A_45 = arith.constant 32 : i32
      %add3A_46 = arith.addi %add3A, %add3A_45 : i32
      %jit3A_47 = arith.constant 144 : i32
      %div3A_48 = arith.divsi %add3A_46, %jit3A_47 : i32
      %sign3A_49 = arith.constant 0 : i32
      %sign3A_50 = arith.cmpi sgt, %add3A_46, %sign3A_49 : i32
      %sign3A_51 = arith.extui %sign3A_50 : i1 to i32
      %sign3A_52 = arith.constant 0 : i32
      %sign3A_53 = arith.cmpi slt, %add3A_46, %sign3A_52 : i32
      %sign3A_54 = arith.extui %sign3A_53 : i1 to i32
      %sign3A_55 = arith.subi %sign3A_51, %sign3A_54 : i32
      %sign3A_56 = arith.constant 0 : i32
      %sign3A_57 = arith.cmpi sgt, %jit3A_47, %sign3A_56 : i32
      %sign3A_58 = arith.extui %sign3A_57 : i1 to i32
      %sign3A_59 = arith.constant 0 : i32
      %sign3A_60 = arith.cmpi slt, %jit3A_47, %sign3A_59 : i32
      %sign3A_61 = arith.extui %sign3A_60 : i1 to i32
      %sign3A_62 = arith.subi %sign3A_58, %sign3A_61 : i32
      %ne3A_63 = arith.cmpi ne, %sign3A_55, %sign3A_62 : i32
      %rem3A_64 = arith.remsi %add3A_46, %jit3A_47 : i32
      %ne3A_65 = arith.constant 0 : i32
      %ne3A_66 = arith.cmpi ne, %rem3A_64, %ne3A_65 : i32
      %and3A_67 = arith.andi %ne3A_63, %ne3A_66 : i1
      %sub3A_68 = arith.constant 1 : i32
      %sub3A_69 = arith.subi %div3A_48, %sub3A_68 : i32
      %select_n3A_70 = arith.select %and3A_67, %sub3A_69, %div3A_48 : i32
      %jit3A_71 = arith.constant 144 : i32
      %eq3A = arith.constant 0 : i32
      %eq3A_72 = arith.cmpi eq, %jit3A_71, %eq3A : i32
      %jit3A_73 = arith.constant 1 : i32
      %select_n3A_74 = arith.select %eq3A_72, %jit3A_73, %jit3A_71 : i32
      %rem3A_75 = arith.remsi %add3A_46, %select_n3A_74 : i32
      %ne3A_76 = arith.constant 0 : i32
      %ne3A_77 = arith.cmpi ne, %rem3A_75, %ne3A_76 : i32
      %lt3A = arith.constant 0 : i32
      %lt3A_78 = arith.cmpi slt, %rem3A_75, %lt3A : i32
      %lt3A_79 = arith.constant 0 : i32
      %lt3A_80 = arith.cmpi slt, %select_n3A_74, %lt3A_79 : i32
      %ne3A_81 = arith.xori %lt3A_78, %lt3A_80 : i1
      %and3A_82 = arith.andi %ne3A_81, %ne3A_77 : i1
      %add3A_83 = arith.addi %rem3A_75, %select_n3A_74 : i32
      %select_n3A_84 = arith.select %and3A_82, %add3A_83, %rem3A_75 : i32
      %mul3A_85 = arith.constant 9216 : i32
      %mul3A_86 = arith.muli %select_n3A_70, %mul3A_85 : i32
      %mul3A_87 = arith.constant 64 : i32
      %mul3A_88 = arith.muli %select_n3A_84, %mul3A_87 : i32
      %add3A_89 = arith.addi %mul3A_86, %mul3A_88 : i32
      "tpu.region"() ({
        %run_scoped3A = tpu.sem_alloc : memref<!tpu.dma_semaphore, #tpu.memory_space<semaphore_mem>>
        %dma_start3A_92 = tpu.memref_slice %arg3[%add3A_89] : memref<36864xi32, #tpu.memory_space<hbm>> -> memref<64xi32, #tpu.memory_space<hbm>>
        %dma_start3A_93 = tpu.memref_slice %arg3[%add3A_89] : memref<36864xi32, #tpu.memory_space<hbm>> -> memref<64xi32, #tpu.memory_space<hbm>>
        tpu.enqueue_dma source(%dma_start3A_93 : memref<64xi32, #tpu.memory_space<hbm>>) target(%arg6 : memref<64xi32, #tpu.memory_space<vmem>>) target_semaphore(%run_scoped3A : memref<!tpu.dma_semaphore, #tpu.memory_space<semaphore_mem>>)
        %dma_wait3A = tpu.memref_slice %arg3[%add3A_89] : memref<36864xi32, #tpu.memory_space<hbm>> -> memref<64xi32, #tpu.memory_space<hbm>>
        %dma_wait3A_94 = tpu.memref_slice %arg3[%add3A_89] : memref<36864xi32, #tpu.memory_space<hbm>> -> memref<64xi32, #tpu.memory_space<hbm>>
        tpu.wait_dma2 semaphore(%run_scoped3A : memref<!tpu.dma_semaphore, #tpu.memory_space<semaphore_mem>>) src(%dma_wait3A_94 : memref<64xi32, #tpu.memory_space<hbm>>) dst(%arg6 : memref<64xi32, #tpu.memory_space<vmem>>)
        tpu.yield
      }) : () -> ()
      %dma_start3A = arith.constant 0 : i32
      %dma_start3A_90 = arith.constant 0 : i32
      %dma_start3A_91 = tpu.memref_slice %arg2[%dma_start3A, %dma_start3A_90] : memref<5000x256xf32, #tpu.memory_space<hbm>> -> memref<5000x256xf32, #tpu.memory_space<hbm>>
      tpu.enqueue_indirect_dma source(%dma_start3A_91 : memref<5000x256xf32, #tpu.memory_space<hbm>>) target(%arg10 : memref<64x256xf32, #tpu.memory_space<vmem>>) offsets(%arg6 : memref<64xi32, #tpu.memory_space<vmem>>) semaphore(%arg14 : memref<!tpu.dma_semaphore, #tpu.memory_space<semaphore_mem>>)
    } else {
    }
    %gt3A_30 = arith.constant 2 : i32
    %gt3A_31 = arith.cmpi sgt, %select_n3A, %gt3A_30 : i32
    %convert_element_type3A_32 = arith.extui %gt3A_31 : i1 to i32
    %cond3A_33 = arith.constant 0 : i32
    %cond3A_34 = arith.cmpi ne, %convert_element_type3A_32, %cond3A_33 : i32
    scf.if %cond3A_34 {
      %add3A_45 = arith.constant 64 : i32
      %add3A_46 = arith.addi %add3A, %add3A_45 : i32
      %jit3A_47 = arith.constant 144 : i32
      %div3A_48 = arith.divsi %add3A_46, %jit3A_47 : i32
      %sign3A_49 = arith.constant 0 : i32
      %sign3A_50 = arith.cmpi sgt, %add3A_46, %sign3A_49 : i32
      %sign3A_51 = arith.extui %sign3A_50 : i1 to i32
      %sign3A_52 = arith.constant 0 : i32
      %sign3A_53 = arith.cmpi slt, %add3A_46, %sign3A_52 : i32
      %sign3A_54 = arith.extui %sign3A_53 : i1 to i32
      %sign3A_55 = arith.subi %sign3A_51, %sign3A_54 : i32
      %sign3A_56 = arith.constant 0 : i32
      %sign3A_57 = arith.cmpi sgt, %jit3A_47, %sign3A_56 : i32
      %sign3A_58 = arith.extui %sign3A_57 : i1 to i32
      %sign3A_59 = arith.constant 0 : i32
      %sign3A_60 = arith.cmpi slt, %jit3A_47, %sign3A_59 : i32
      %sign3A_61 = arith.extui %sign3A_60 : i1 to i32
      %sign3A_62 = arith.subi %sign3A_58, %sign3A_61 : i32
      %ne3A_63 = arith.cmpi ne, %sign3A_55, %sign3A_62 : i32
      %rem3A_64 = arith.remsi %add3A_46, %jit3A_47 : i32
      %ne3A_65 = arith.constant 0 : i32
      %ne3A_66 = arith.cmpi ne, %rem3A_64, %ne3A_65 : i32
      %and3A_67 = arith.andi %ne3A_63, %ne3A_66 : i1
      %sub3A_68 = arith.constant 1 : i32
      %sub3A_69 = arith.subi %div3A_48, %sub3A_68 : i32
      %select_n3A_70 = arith.select %and3A_67, %sub3A_69, %div3A_48 : i32
      %jit3A_71 = arith.constant 144 : i32
      %eq3A = arith.constant 0 : i32
      %eq3A_72 = arith.cmpi eq, %jit3A_71, %eq3A : i32
      %jit3A_73 = arith.constant 1 : i32
      %select_n3A_74 = arith.select %eq3A_72, %jit3A_73, %jit3A_71 : i32
      %rem3A_75 = arith.remsi %add3A_46, %select_n3A_74 : i32
      %ne3A_76 = arith.constant 0 : i32
      %ne3A_77 = arith.cmpi ne, %rem3A_75, %ne3A_76 : i32
      %lt3A = arith.constant 0 : i32
      %lt3A_78 = arith.cmpi slt, %rem3A_75, %lt3A : i32
      %lt3A_79 = arith.constant 0 : i32
      %lt3A_80 = arith.cmpi slt, %select_n3A_74, %lt3A_79 : i32
      %ne3A_81 = arith.xori %lt3A_78, %lt3A_80 : i1
      %and3A_82 = arith.andi %ne3A_81, %ne3A_77 : i1
      %add3A_83 = arith.addi %rem3A_75, %select_n3A_74 : i32
      %select_n3A_84 = arith.select %and3A_82, %add3A_83, %rem3A_75 : i32
      %mul3A_85 = arith.constant 9216 : i32
      %mul3A_86 = arith.muli %select_n3A_70, %mul3A_85 : i32
      %mul3A_87 = arith.constant 64 : i32
      %mul3A_88 = arith.muli %select_n3A_84, %mul3A_87 : i32
      %add3A_89 = arith.addi %mul3A_86, %mul3A_88 : i32
      "tpu.region"() ({
        %run_scoped3A = tpu.sem_alloc : memref<!tpu.dma_semaphore, #tpu.memory_space<semaphore_mem>>
        %dma_start3A_92 = tpu.memref_slice %arg3[%add3A_89] : memref<36864xi32, #tpu.memory_space<hbm>> -> memref<64xi32, #tpu.memory_space<hbm>>
        %dma_start3A_93 = tpu.memref_slice %arg3[%add3A_89] : memref<36864xi32, #tpu.memory_space<hbm>> -> memref<64xi32, #tpu.memory_space<hbm>>
        tpu.enqueue_dma source(%dma_start3A_93 : memref<64xi32, #tpu.memory_space<hbm>>) target(%arg7 : memref<64xi32, #tpu.memory_space<vmem>>) target_semaphore(%run_scoped3A : memref<!tpu.dma_semaphore, #tpu.memory_space<semaphore_mem>>)
        %dma_wait3A = tpu.memref_slice %arg3[%add3A_89] : memref<36864xi32, #tpu.memory_space<hbm>> -> memref<64xi32, #tpu.memory_space<hbm>>
        %dma_wait3A_94 = tpu.memref_slice %arg3[%add3A_89] : memref<36864xi32, #tpu.memory_space<hbm>> -> memref<64xi32, #tpu.memory_space<hbm>>
        tpu.wait_dma2 semaphore(%run_scoped3A : memref<!tpu.dma_semaphore, #tpu.memory_space<semaphore_mem>>) src(%dma_wait3A_94 : memref<64xi32, #tpu.memory_space<hbm>>) dst(%arg7 : memref<64xi32, #tpu.memory_space<vmem>>)
        tpu.yield
      }) : () -> ()
      %dma_start3A = arith.constant 0 : i32
      %dma_start3A_90 = arith.constant 0 : i32
      %dma_start3A_91 = tpu.memref_slice %arg2[%dma_start3A, %dma_start3A_90] : memref<5000x256xf32, #tpu.memory_space<hbm>> -> memref<5000x256xf32, #tpu.memory_space<hbm>>
      tpu.enqueue_indirect_dma source(%dma_start3A_91 : memref<5000x256xf32, #tpu.memory_space<hbm>>) target(%arg11 : memref<64x256xf32, #tpu.memory_space<vmem>>) offsets(%arg7 : memref<64xi32, #tpu.memory_space<vmem>>) semaphore(%arg15 : memref<!tpu.dma_semaphore, #tpu.memory_space<semaphore_mem>>)
    } else {
    }
    %gt3A_35 = arith.constant 3 : i32
    %gt3A_36 = arith.cmpi sgt, %select_n3A, %gt3A_35 : i32
    %convert_element_type3A_37 = arith.extui %gt3A_36 : i1 to i32
    %cond3A_38 = arith.constant 0 : i32
    %cond3A_39 = arith.cmpi ne, %convert_element_type3A_37, %cond3A_38 : i32
    scf.if %cond3A_39 {
      %add3A_45 = arith.constant 96 : i32
      %add3A_46 = arith.addi %add3A, %add3A_45 : i32
      %jit3A_47 = arith.constant 144 : i32
      %div3A_48 = arith.divsi %add3A_46, %jit3A_47 : i32
      %sign3A_49 = arith.constant 0 : i32
      %sign3A_50 = arith.cmpi sgt, %add3A_46, %sign3A_49 : i32
      %sign3A_51 = arith.extui %sign3A_50 : i1 to i32
      %sign3A_52 = arith.constant 0 : i32
      %sign3A_53 = arith.cmpi slt, %add3A_46, %sign3A_52 : i32
      %sign3A_54 = arith.extui %sign3A_53 : i1 to i32
      %sign3A_55 = arith.subi %sign3A_51, %sign3A_54 : i32
      %sign3A_56 = arith.constant 0 : i32
      %sign3A_57 = arith.cmpi sgt, %jit3A_47, %sign3A_56 : i32
      %sign3A_58 = arith.extui %sign3A_57 : i1 to i32
      %sign3A_59 = arith.constant 0 : i32
      %sign3A_60 = arith.cmpi slt, %jit3A_47, %sign3A_59 : i32
      %sign3A_61 = arith.extui %sign3A_60 : i1 to i32
      %sign3A_62 = arith.subi %sign3A_58, %sign3A_61 : i32
      %ne3A_63 = arith.cmpi ne, %sign3A_55, %sign3A_62 : i32
      %rem3A_64 = arith.remsi %add3A_46, %jit3A_47 : i32
      %ne3A_65 = arith.constant 0 : i32
      %ne3A_66 = arith.cmpi ne, %rem3A_64, %ne3A_65 : i32
      %and3A_67 = arith.andi %ne3A_63, %ne3A_66 : i1
      %sub3A_68 = arith.constant 1 : i32
      %sub3A_69 = arith.subi %div3A_48, %sub3A_68 : i32
      %select_n3A_70 = arith.select %and3A_67, %sub3A_69, %div3A_48 : i32
      %jit3A_71 = arith.constant 144 : i32
      %eq3A = arith.constant 0 : i32
      %eq3A_72 = arith.cmpi eq, %jit3A_71, %eq3A : i32
      %jit3A_73 = arith.constant 1 : i32
      %select_n3A_74 = arith.select %eq3A_72, %jit3A_73, %jit3A_71 : i32
      %rem3A_75 = arith.remsi %add3A_46, %select_n3A_74 : i32
      %ne3A_76 = arith.constant 0 : i32
      %ne3A_77 = arith.cmpi ne, %rem3A_75, %ne3A_76 : i32
      %lt3A = arith.constant 0 : i32
      %lt3A_78 = arith.cmpi slt, %rem3A_75, %lt3A : i32
      %lt3A_79 = arith.constant 0 : i32
      %lt3A_80 = arith.cmpi slt, %select_n3A_74, %lt3A_79 : i32
      %ne3A_81 = arith.xori %lt3A_78, %lt3A_80 : i1
      %and3A_82 = arith.andi %ne3A_81, %ne3A_77 : i1
      %add3A_83 = arith.addi %rem3A_75, %select_n3A_74 : i32
      %select_n3A_84 = arith.select %and3A_82, %add3A_83, %rem3A_75 : i32
      %mul3A_85 = arith.constant 9216 : i32
      %mul3A_86 = arith.muli %select_n3A_70, %mul3A_85 : i32
      %mul3A_87 = arith.constant 64 : i32
      %mul3A_88 = arith.muli %select_n3A_84, %mul3A_87 : i32
      %add3A_89 = arith.addi %mul3A_86, %mul3A_88 : i32
      "tpu.region"() ({
        %run_scoped3A = tpu.sem_alloc : memref<!tpu.dma_semaphore, #tpu.memory_space<semaphore_mem>>
        %dma_start3A_92 = tpu.memref_slice %arg3[%add3A_89] : memref<36864xi32, #tpu.memory_space<hbm>> -> memref<64xi32, #tpu.memory_space<hbm>>
        %dma_start3A_93 = tpu.memref_slice %arg3[%add3A_89] : memref<36864xi32, #tpu.memory_space<hbm>> -> memref<64xi32, #tpu.memory_space<hbm>>
        tpu.enqueue_dma source(%dma_start3A_93 : memref<64xi32, #tpu.memory_space<hbm>>) target(%arg8 : memref<64xi32, #tpu.memory_space<vmem>>) target_semaphore(%run_scoped3A : memref<!tpu.dma_semaphore, #tpu.memory_space<semaphore_mem>>)
        %dma_wait3A = tpu.memref_slice %arg3[%add3A_89] : memref<36864xi32, #tpu.memory_space<hbm>> -> memref<64xi32, #tpu.memory_space<hbm>>
        %dma_wait3A_94 = tpu.memref_slice %arg3[%add3A_89] : memref<36864xi32, #tpu.memory_space<hbm>> -> memref<64xi32, #tpu.memory_space<hbm>>
        tpu.wait_dma2 semaphore(%run_scoped3A : memref<!tpu.dma_semaphore, #tpu.memory_space<semaphore_mem>>) src(%dma_wait3A_94 : memref<64xi32, #tpu.memory_space<hbm>>) dst(%arg8 : memref<64xi32, #tpu.memory_space<vmem>>)
        tpu.yield
      }) : () -> ()
      %dma_start3A = arith.constant 0 : i32
      %dma_start3A_90 = arith.constant 0 : i32
      %dma_start3A_91 = tpu.memref_slice %arg2[%dma_start3A, %dma_start3A_90] : memref<5000x256xf32, #tpu.memory_space<hbm>> -> memref<5000x256xf32, #tpu.memory_space<hbm>>
      tpu.enqueue_indirect_dma source(%dma_start3A_91 : memref<5000x256xf32, #tpu.memory_space<hbm>>) target(%arg12 : memref<64x256xf32, #tpu.memory_space<vmem>>) offsets(%arg8 : memref<64xi32, #tpu.memory_space<vmem>>) semaphore(%arg16 : memref<!tpu.dma_semaphore, #tpu.memory_space<semaphore_mem>>)
    } else {
    }
    %scan3A = arith.constant 0 : i32
    %scan3A_40 = arith.constant 0 : i32
    %scan3A_41 = arith.constant 5 : i32
    %scan3A_42 = arith.addi %scan3A_40, %scan3A_41 : i32
    %scan3A_43 = arith.constant 1 : i32
    scf.for %scan3A_45 = %scan3A_40 to %scan3A_42 step %scan3A_43  : i32 {
      %mul3A_46 = arith.constant 4 : i32
      %mul3A_47 = arith.muli %mul3A_46, %scan3A_45 : i32
      %add3A_48 = arith.constant 0 : i32
      %add3A_49 = arith.addi %mul3A_47, %add3A_48 : i32
      %lt3A = arith.cmpi slt, %add3A_49, %select_n3A : i32
      %convert_element_type3A_50 = arith.extui %lt3A : i1 to i32
      %cond3A_51 = arith.constant 0 : i32
      %cond3A_52 = arith.cmpi ne, %convert_element_type3A_50, %cond3A_51 : i32
      scf.if %cond3A_52 {
        %dma_wait3A = arith.constant 0 : i32
        %dma_wait3A_127 = arith.constant 0 : i32
        %dma_wait3A_128 = tpu.memref_slice %arg2[%dma_wait3A, %dma_wait3A_127] : memref<5000x256xf32, #tpu.memory_space<hbm>> -> memref<5000x256xf32, #tpu.memory_space<hbm>>
        tpu.wait_indirect_dma semaphore(%arg13 : memref<!tpu.dma_semaphore, #tpu.memory_space<semaphore_mem>>) src(%dma_wait3A_128 : memref<5000x256xf32, #tpu.memory_space<hbm>>) dst(%arg9 : memref<64x256xf32, #tpu.memory_space<vmem>>)
        %mul3A_129 = arith.constant 32 : i32
        %mul3A_130 = arith.muli %add3A_49, %mul3A_129 : i32
        %add3A_131 = arith.addi %add3A, %mul3A_130 : i32
        %jit3A_132 = arith.constant 144 : i32
        %div3A_133 = arith.divsi %add3A_131, %jit3A_132 : i32
        %sign3A_134 = arith.constant 0 : i32
        %sign3A_135 = arith.cmpi sgt, %add3A_131, %sign3A_134 : i32
        %sign3A_136 = arith.extui %sign3A_135 : i1 to i32
        %sign3A_137 = arith.constant 0 : i32
        %sign3A_138 = arith.cmpi slt, %add3A_131, %sign3A_137 : i32
        %sign3A_139 = arith.extui %sign3A_138 : i1 to i32
        %sign3A_140 = arith.subi %sign3A_136, %sign3A_139 : i32
        %sign3A_141 = arith.constant 0 : i32
        %sign3A_142 = arith.cmpi sgt, %jit3A_132, %sign3A_141 : i32
        %sign3A_143 = arith.extui %sign3A_142 : i1 to i32
        %sign3A_144 = arith.constant 0 : i32
        %sign3A_145 = arith.cmpi slt, %jit3A_132, %sign3A_144 : i32
        %sign3A_146 = arith.extui %sign3A_145 : i1 to i32
        %sign3A_147 = arith.subi %sign3A_143, %sign3A_146 : i32
        %ne3A_148 = arith.cmpi ne, %sign3A_140, %sign3A_147 : i32
        %rem3A_149 = arith.remsi %add3A_131, %jit3A_132 : i32
        %ne3A_150 = arith.constant 0 : i32
        %ne3A_151 = arith.cmpi ne, %rem3A_149, %ne3A_150 : i32
        %and3A_152 = arith.andi %ne3A_148, %ne3A_151 : i1
        %sub3A_153 = arith.constant 1 : i32
        %sub3A_154 = arith.subi %div3A_133, %sub3A_153 : i32
        %select_n3A_155 = arith.select %and3A_152, %sub3A_154, %div3A_133 : i32
        %jit3A_156 = arith.constant 144 : i32
        %eq3A = arith.constant 0 : i32
        %eq3A_157 = arith.cmpi eq, %jit3A_156, %eq3A : i32
        %jit3A_158 = arith.constant 1 : i32
        %select_n3A_159 = arith.select %eq3A_157, %jit3A_158, %jit3A_156 : i32
        %rem3A_160 = arith.remsi %add3A_131, %select_n3A_159 : i32
        %ne3A_161 = arith.constant 0 : i32
        %ne3A_162 = arith.cmpi ne, %rem3A_160, %ne3A_161 : i32
        %lt3A_163 = arith.constant 0 : i32
        %lt3A_164 = arith.cmpi slt, %rem3A_160, %lt3A_163 : i32
        %lt3A_165 = arith.constant 0 : i32
        %lt3A_166 = arith.cmpi slt, %select_n3A_159, %lt3A_165 : i32
        %ne3A_167 = arith.xori %lt3A_164, %lt3A_166 : i1
        %and3A_168 = arith.andi %ne3A_167, %ne3A_162 : i1
        %add3A_169 = arith.addi %rem3A_160, %select_n3A_159 : i32
        %select_n3A_170 = arith.select %and3A_168, %add3A_169, %rem3A_160 : i32
        %mul3A_171 = arith.constant 64 : i32
        %mul3A_172 = arith.muli %select_n3A_170, %mul3A_171 : i32
        %mul3A_173 = arith.constant 256 : i32
        %mul3A_174 = arith.muli %select_n3A_155, %mul3A_173 : i32
        %dma_start3A = tpu.memref_slice %arg4[%mul3A_172, %mul3A_174] : memref<9216x1024xf32, #tpu.memory_space<hbm>> -> memref<64x256xf32, #tpu.memory_space<hbm>>
        %dma_start3A_175 = tpu.memref_slice %arg4[%mul3A_172, %mul3A_174] : memref<9216x1024xf32, #tpu.memory_space<hbm>> -> memref<64x256xf32, #tpu.memory_space<hbm>>
        tpu.enqueue_dma source(%arg9 : memref<64x256xf32, #tpu.memory_space<vmem>>) target(%dma_start3A_175 : memref<64x256xf32, #tpu.memory_space<hbm>>) target_semaphore(%arg17 : memref<!tpu.dma_semaphore, #tpu.memory_space<semaphore_mem>>)
      } else {
      }
      %add3A_53 = arith.constant 1 : i32
      %add3A_54 = arith.addi %mul3A_47, %add3A_53 : i32
      %lt3A_55 = arith.cmpi slt, %add3A_54, %select_n3A : i32
      %convert_element_type3A_56 = arith.extui %lt3A_55 : i1 to i32
      %cond3A_57 = arith.constant 0 : i32
      %cond3A_58 = arith.cmpi ne, %convert_element_type3A_56, %cond3A_57 : i32
      scf.if %cond3A_58 {
        %dma_wait3A = arith.constant 0 : i32
        %dma_wait3A_127 = arith.constant 0 : i32
        %dma_wait3A_128 = tpu.memref_slice %arg2[%dma_wait3A, %dma_wait3A_127] : memref<5000x256xf32, #tpu.memory_space<hbm>> -> memref<5000x256xf32, #tpu.memory_space<hbm>>
        tpu.wait_indirect_dma semaphore(%arg14 : memref<!tpu.dma_semaphore, #tpu.memory_space<semaphore_mem>>) src(%dma_wait3A_128 : memref<5000x256xf32, #tpu.memory_space<hbm>>) dst(%arg10 : memref<64x256xf32, #tpu.memory_space<vmem>>)
        %mul3A_129 = arith.constant 32 : i32
        %mul3A_130 = arith.muli %add3A_54, %mul3A_129 : i32
        %add3A_131 = arith.addi %add3A, %mul3A_130 : i32
        %jit3A_132 = arith.constant 144 : i32
        %div3A_133 = arith.divsi %add3A_131, %jit3A_132 : i32
        %sign3A_134 = arith.constant 0 : i32
        %sign3A_135 = arith.cmpi sgt, %add3A_131, %sign3A_134 : i32
        %sign3A_136 = arith.extui %sign3A_135 : i1 to i32
        %sign3A_137 = arith.constant 0 : i32
        %sign3A_138 = arith.cmpi slt, %add3A_131, %sign3A_137 : i32
        %sign3A_139 = arith.extui %sign3A_138 : i1 to i32
        %sign3A_140 = arith.subi %sign3A_136, %sign3A_139 : i32
        %sign3A_141 = arith.constant 0 : i32
        %sign3A_142 = arith.cmpi sgt, %jit3A_132, %sign3A_141 : i32
        %sign3A_143 = arith.extui %sign3A_142 : i1 to i32
        %sign3A_144 = arith.constant 0 : i32
        %sign3A_145 = arith.cmpi slt, %jit3A_132, %sign3A_144 : i32
        %sign3A_146 = arith.extui %sign3A_145 : i1 to i32
        %sign3A_147 = arith.subi %sign3A_143, %sign3A_146 : i32
        %ne3A_148 = arith.cmpi ne, %sign3A_140, %sign3A_147 : i32
        %rem3A_149 = arith.remsi %add3A_131, %jit3A_132 : i32
        %ne3A_150 = arith.constant 0 : i32
        %ne3A_151 = arith.cmpi ne, %rem3A_149, %ne3A_150 : i32
        %and3A_152 = arith.andi %ne3A_148, %ne3A_151 : i1
        %sub3A_153 = arith.constant 1 : i32
        %sub3A_154 = arith.subi %div3A_133, %sub3A_153 : i32
        %select_n3A_155 = arith.select %and3A_152, %sub3A_154, %div3A_133 : i32
        %jit3A_156 = arith.constant 144 : i32
        %eq3A = arith.constant 0 : i32
        %eq3A_157 = arith.cmpi eq, %jit3A_156, %eq3A : i32
        %jit3A_158 = arith.constant 1 : i32
        %select_n3A_159 = arith.select %eq3A_157, %jit3A_158, %jit3A_156 : i32
        %rem3A_160 = arith.remsi %add3A_131, %select_n3A_159 : i32
        %ne3A_161 = arith.constant 0 : i32
        %ne3A_162 = arith.cmpi ne, %rem3A_160, %ne3A_161 : i32
        %lt3A_163 = arith.constant 0 : i32
        %lt3A_164 = arith.cmpi slt, %rem3A_160, %lt3A_163 : i32
        %lt3A_165 = arith.constant 0 : i32
        %lt3A_166 = arith.cmpi slt, %select_n3A_159, %lt3A_165 : i32
        %ne3A_167 = arith.xori %lt3A_164, %lt3A_166 : i1
        %and3A_168 = arith.andi %ne3A_167, %ne3A_162 : i1
        %add3A_169 = arith.addi %rem3A_160, %select_n3A_159 : i32
        %select_n3A_170 = arith.select %and3A_168, %add3A_169, %rem3A_160 : i32
        %mul3A_171 = arith.constant 64 : i32
        %mul3A_172 = arith.muli %select_n3A_170, %mul3A_171 : i32
        %mul3A_173 = arith.constant 256 : i32
        %mul3A_174 = arith.muli %select_n3A_155, %mul3A_173 : i32
        %dma_start3A = tpu.memref_slice %arg4[%mul3A_172, %mul3A_174] : memref<9216x1024xf32, #tpu.memory_space<hbm>> -> memref<64x256xf32, #tpu.memory_space<hbm>>
        %dma_start3A_175 = tpu.memref_slice %arg4[%mul3A_172, %mul3A_174] : memref<9216x1024xf32, #tpu.memory_space<hbm>> -> memref<64x256xf32, #tpu.memory_space<hbm>>
        tpu.enqueue_dma source(%arg10 : memref<64x256xf32, #tpu.memory_space<vmem>>) target(%dma_start3A_175 : memref<64x256xf32, #tpu.memory_space<hbm>>) target_semaphore(%arg18 : memref<!tpu.dma_semaphore, #tpu.memory_space<semaphore_mem>>)
      } else {
      }
      %add3A_59 = arith.constant 2 : i32
      %add3A_60 = arith.addi %mul3A_47, %add3A_59 : i32
      %lt3A_61 = arith.cmpi slt, %add3A_60, %select_n3A : i32
      %convert_element_type3A_62 = arith.extui %lt3A_61 : i1 to i32
      %cond3A_63 = arith.constant 0 : i32
      %cond3A_64 = arith.cmpi ne, %convert_element_type3A_62, %cond3A_63 : i32
      scf.if %cond3A_64 {
        %dma_wait3A = arith.constant 0 : i32
        %dma_wait3A_127 = arith.constant 0 : i32
        %dma_wait3A_128 = tpu.memref_slice %arg2[%dma_wait3A, %dma_wait3A_127] : memref<5000x256xf32, #tpu.memory_space<hbm>> -> memref<5000x256xf32, #tpu.memory_space<hbm>>
        tpu.wait_indirect_dma semaphore(%arg15 : memref<!tpu.dma_semaphore, #tpu.memory_space<semaphore_mem>>) src(%dma_wait3A_128 : memref<5000x256xf32, #tpu.memory_space<hbm>>) dst(%arg11 : memref<64x256xf32, #tpu.memory_space<vmem>>)
        %mul3A_129 = arith.constant 32 : i32
        %mul3A_130 = arith.muli %add3A_60, %mul3A_129 : i32
        %add3A_131 = arith.addi %add3A, %mul3A_130 : i32
        %jit3A_132 = arith.constant 144 : i32
        %div3A_133 = arith.divsi %add3A_131, %jit3A_132 : i32
        %sign3A_134 = arith.constant 0 : i32
        %sign3A_135 = arith.cmpi sgt, %add3A_131, %sign3A_134 : i32
        %sign3A_136 = arith.extui %sign3A_135 : i1 to i32
        %sign3A_137 = arith.constant 0 : i32
        %sign3A_138 = arith.cmpi slt, %add3A_131, %sign3A_137 : i32
        %sign3A_139 = arith.extui %sign3A_138 : i1 to i32
        %sign3A_140 = arith.subi %sign3A_136, %sign3A_139 : i32
        %sign3A_141 = arith.constant 0 : i32
        %sign3A_142 = arith.cmpi sgt, %jit3A_132, %sign3A_141 : i32
        %sign3A_143 = arith.extui %sign3A_142 : i1 to i32
        %sign3A_144 = arith.constant 0 : i32
        %sign3A_145 = arith.cmpi slt, %jit3A_132, %sign3A_144 : i32
        %sign3A_146 = arith.extui %sign3A_145 : i1 to i32
        %sign3A_147 = arith.subi %sign3A_143, %sign3A_146 : i32
        %ne3A_148 = arith.cmpi ne, %sign3A_140, %sign3A_147 : i32
        %rem3A_149 = arith.remsi %add3A_131, %jit3A_132 : i32
        %ne3A_150 = arith.constant 0 : i32
        %ne3A_151 = arith.cmpi ne, %rem3A_149, %ne3A_150 : i32
        %and3A_152 = arith.andi %ne3A_148, %ne3A_151 : i1
        %sub3A_153 = arith.constant 1 : i32
        %sub3A_154 = arith.subi %div3A_133, %sub3A_153 : i32
        %select_n3A_155 = arith.select %and3A_152, %sub3A_154, %div3A_133 : i32
        %jit3A_156 = arith.constant 144 : i32
        %eq3A = arith.constant 0 : i32
        %eq3A_157 = arith.cmpi eq, %jit3A_156, %eq3A : i32
        %jit3A_158 = arith.constant 1 : i32
        %select_n3A_159 = arith.select %eq3A_157, %jit3A_158, %jit3A_156 : i32
        %rem3A_160 = arith.remsi %add3A_131, %select_n3A_159 : i32
        %ne3A_161 = arith.constant 0 : i32
        %ne3A_162 = arith.cmpi ne, %rem3A_160, %ne3A_161 : i32
        %lt3A_163 = arith.constant 0 : i32
        %lt3A_164 = arith.cmpi slt, %rem3A_160, %lt3A_163 : i32
        %lt3A_165 = arith.constant 0 : i32
        %lt3A_166 = arith.cmpi slt, %select_n3A_159, %lt3A_165 : i32
        %ne3A_167 = arith.xori %lt3A_164, %lt3A_166 : i1
        %and3A_168 = arith.andi %ne3A_167, %ne3A_162 : i1
        %add3A_169 = arith.addi %rem3A_160, %select_n3A_159 : i32
        %select_n3A_170 = arith.select %and3A_168, %add3A_169, %rem3A_160 : i32
        %mul3A_171 = arith.constant 64 : i32
        %mul3A_172 = arith.muli %select_n3A_170, %mul3A_171 : i32
        %mul3A_173 = arith.constant 256 : i32
        %mul3A_174 = arith.muli %select_n3A_155, %mul3A_173 : i32
        %dma_start3A = tpu.memref_slice %arg4[%mul3A_172, %mul3A_174] : memref<9216x1024xf32, #tpu.memory_space<hbm>> -> memref<64x256xf32, #tpu.memory_space<hbm>>
        %dma_start3A_175 = tpu.memref_slice %arg4[%mul3A_172, %mul3A_174] : memref<9216x1024xf32, #tpu.memory_space<hbm>> -> memref<64x256xf32, #tpu.memory_space<hbm>>
        tpu.enqueue_dma source(%arg11 : memref<64x256xf32, #tpu.memory_space<vmem>>) target(%dma_start3A_175 : memref<64x256xf32, #tpu.memory_space<hbm>>) target_semaphore(%arg19 : memref<!tpu.dma_semaphore, #tpu.memory_space<semaphore_mem>>)
      } else {
      }
      %add3A_65 = arith.constant 3 : i32
      %add3A_66 = arith.addi %mul3A_47, %add3A_65 : i32
      %lt3A_67 = arith.cmpi slt, %add3A_66, %select_n3A : i32
      %convert_element_type3A_68 = arith.extui %lt3A_67 : i1 to i32
      %cond3A_69 = arith.constant 0 : i32
      %cond3A_70 = arith.cmpi ne, %convert_element_type3A_68, %cond3A_69 : i32
      scf.if %cond3A_70 {
        %dma_wait3A = arith.constant 0 : i32
        %dma_wait3A_127 = arith.constant 0 : i32
        %dma_wait3A_128 = tpu.memref_slice %arg2[%dma_wait3A, %dma_wait3A_127] : memref<5000x256xf32, #tpu.memory_space<hbm>> -> memref<5000x256xf32, #tpu.memory_space<hbm>>
        tpu.wait_indirect_dma semaphore(%arg16 : memref<!tpu.dma_semaphore, #tpu.memory_space<semaphore_mem>>) src(%dma_wait3A_128 : memref<5000x256xf32, #tpu.memory_space<hbm>>) dst(%arg12 : memref<64x256xf32, #tpu.memory_space<vmem>>)
        %mul3A_129 = arith.constant 32 : i32
        %mul3A_130 = arith.muli %add3A_66, %mul3A_129 : i32
        %add3A_131 = arith.addi %add3A, %mul3A_130 : i32
        %jit3A_132 = arith.constant 144 : i32
        %div3A_133 = arith.divsi %add3A_131, %jit3A_132 : i32
        %sign3A_134 = arith.constant 0 : i32
        %sign3A_135 = arith.cmpi sgt, %add3A_131, %sign3A_134 : i32
        %sign3A_136 = arith.extui %sign3A_135 : i1 to i32
        %sign3A_137 = arith.constant 0 : i32
        %sign3A_138 = arith.cmpi slt, %add3A_131, %sign3A_137 : i32
        %sign3A_139 = arith.extui %sign3A_138 : i1 to i32
        %sign3A_140 = arith.subi %sign3A_136, %sign3A_139 : i32
        %sign3A_141 = arith.constant 0 : i32
        %sign3A_142 = arith.cmpi sgt, %jit3A_132, %sign3A_141 : i32
        %sign3A_143 = arith.extui %sign3A_142 : i1 to i32
        %sign3A_144 = arith.constant 0 : i32
        %sign3A_145 = arith.cmpi slt, %jit3A_132, %sign3A_144 : i32
        %sign3A_146 = arith.extui %sign3A_145 : i1 to i32
        %sign3A_147 = arith.subi %sign3A_143, %sign3A_146 : i32
        %ne3A_148 = arith.cmpi ne, %sign3A_140, %sign3A_147 : i32
        %rem3A_149 = arith.remsi %add3A_131, %jit3A_132 : i32
        %ne3A_150 = arith.constant 0 : i32
        %ne3A_151 = arith.cmpi ne, %rem3A_149, %ne3A_150 : i32
        %and3A_152 = arith.andi %ne3A_148, %ne3A_151 : i1
        %sub3A_153 = arith.constant 1 : i32
        %sub3A_154 = arith.subi %div3A_133, %sub3A_153 : i32
        %select_n3A_155 = arith.select %and3A_152, %sub3A_154, %div3A_133 : i32
        %jit3A_156 = arith.constant 144 : i32
        %eq3A = arith.constant 0 : i32
        %eq3A_157 = arith.cmpi eq, %jit3A_156, %eq3A : i32
        %jit3A_158 = arith.constant 1 : i32
        %select_n3A_159 = arith.select %eq3A_157, %jit3A_158, %jit3A_156 : i32
        %rem3A_160 = arith.remsi %add3A_131, %select_n3A_159 : i32
        %ne3A_161 = arith.constant 0 : i32
        %ne3A_162 = arith.cmpi ne, %rem3A_160, %ne3A_161 : i32
        %lt3A_163 = arith.constant 0 : i32
        %lt3A_164 = arith.cmpi slt, %rem3A_160, %lt3A_163 : i32
        %lt3A_165 = arith.constant 0 : i32
        %lt3A_166 = arith.cmpi slt, %select_n3A_159, %lt3A_165 : i32
        %ne3A_167 = arith.xori %lt3A_164, %lt3A_166 : i1
        %and3A_168 = arith.andi %ne3A_167, %ne3A_162 : i1
        %add3A_169 = arith.addi %rem3A_160, %select_n3A_159 : i32
        %select_n3A_170 = arith.select %and3A_168, %add3A_169, %rem3A_160 : i32
        %mul3A_171 = arith.constant 64 : i32
        %mul3A_172 = arith.muli %select_n3A_170, %mul3A_171 : i32
        %mul3A_173 = arith.constant 256 : i32
        %mul3A_174 = arith.muli %select_n3A_155, %mul3A_173 : i32
        %dma_start3A = tpu.memref_slice %arg4[%mul3A_172, %mul3A_174] : memref<9216x1024xf32, #tpu.memory_space<hbm>> -> memref<64x256xf32, #tpu.memory_space<hbm>>
        %dma_start3A_175 = tpu.memref_slice %arg4[%mul3A_172, %mul3A_174] : memref<9216x1024xf32, #tpu.memory_space<hbm>> -> memref<64x256xf32, #tpu.memory_space<hbm>>
        tpu.enqueue_dma source(%arg12 : memref<64x256xf32, #tpu.memory_space<vmem>>) target(%dma_start3A_175 : memref<64x256xf32, #tpu.memory_space<hbm>>) target_semaphore(%arg20 : memref<!tpu.dma_semaphore, #tpu.memory_space<semaphore_mem>>)
      } else {
      }
      %add3A_71 = arith.constant 0 : i32
      %add3A_72 = arith.addi %mul3A_47, %add3A_71 : i32
      %lt3A_73 = arith.cmpi slt, %add3A_72, %select_n3A : i32
      %convert_element_type3A_74 = arith.extui %lt3A_73 : i1 to i32
      %cond3A_75 = arith.constant 0 : i32
      %cond3A_76 = arith.cmpi ne, %convert_element_type3A_74, %cond3A_75 : i32
      scf.if %cond3A_76 {
        %mul3A_127 = arith.constant 32 : i32
        %mul3A_128 = arith.muli %add3A_72, %mul3A_127 : i32
        %add3A_129 = arith.addi %add3A, %mul3A_128 : i32
        %jit3A_130 = arith.constant 144 : i32
        %div3A_131 = arith.divsi %add3A_129, %jit3A_130 : i32
        %sign3A_132 = arith.constant 0 : i32
        %sign3A_133 = arith.cmpi sgt, %add3A_129, %sign3A_132 : i32
        %sign3A_134 = arith.extui %sign3A_133 : i1 to i32
        %sign3A_135 = arith.constant 0 : i32
        %sign3A_136 = arith.cmpi slt, %add3A_129, %sign3A_135 : i32
        %sign3A_137 = arith.extui %sign3A_136 : i1 to i32
        %sign3A_138 = arith.subi %sign3A_134, %sign3A_137 : i32
        %sign3A_139 = arith.constant 0 : i32
        %sign3A_140 = arith.cmpi sgt, %jit3A_130, %sign3A_139 : i32
        %sign3A_141 = arith.extui %sign3A_140 : i1 to i32
        %sign3A_142 = arith.constant 0 : i32
        %sign3A_143 = arith.cmpi slt, %jit3A_130, %sign3A_142 : i32
        %sign3A_144 = arith.extui %sign3A_143 : i1 to i32
        %sign3A_145 = arith.subi %sign3A_141, %sign3A_144 : i32
        %ne3A_146 = arith.cmpi ne, %sign3A_138, %sign3A_145 : i32
        %rem3A_147 = arith.remsi %add3A_129, %jit3A_130 : i32
        %ne3A_148 = arith.constant 0 : i32
        %ne3A_149 = arith.cmpi ne, %rem3A_147, %ne3A_148 : i32
        %and3A_150 = arith.andi %ne3A_146, %ne3A_149 : i1
        %sub3A_151 = arith.constant 1 : i32
        %sub3A_152 = arith.subi %div3A_131, %sub3A_151 : i32
        %select_n3A_153 = arith.select %and3A_150, %sub3A_152, %div3A_131 : i32
        %jit3A_154 = arith.constant 144 : i32
        %eq3A = arith.constant 0 : i32
        %eq3A_155 = arith.cmpi eq, %jit3A_154, %eq3A : i32
        %jit3A_156 = arith.constant 1 : i32
        %select_n3A_157 = arith.select %eq3A_155, %jit3A_156, %jit3A_154 : i32
        %rem3A_158 = arith.remsi %add3A_129, %select_n3A_157 : i32
        %ne3A_159 = arith.constant 0 : i32
        %ne3A_160 = arith.cmpi ne, %rem3A_158, %ne3A_159 : i32
        %lt3A_161 = arith.constant 0 : i32
        %lt3A_162 = arith.cmpi slt, %rem3A_158, %lt3A_161 : i32
        %lt3A_163 = arith.constant 0 : i32
        %lt3A_164 = arith.cmpi slt, %select_n3A_157, %lt3A_163 : i32
        %ne3A_165 = arith.xori %lt3A_162, %lt3A_164 : i1
        %and3A_166 = arith.andi %ne3A_165, %ne3A_160 : i1
        %add3A_167 = arith.addi %rem3A_158, %select_n3A_157 : i32
        %select_n3A_168 = arith.select %and3A_166, %add3A_167, %rem3A_158 : i32
        %mul3A_169 = arith.constant 64 : i32
        %mul3A_170 = arith.muli %select_n3A_168, %mul3A_169 : i32
        %mul3A_171 = arith.constant 256 : i32
        %mul3A_172 = arith.muli %select_n3A_153, %mul3A_171 : i32
        %dma_wait3A = tpu.memref_slice %arg4[%mul3A_170, %mul3A_172] : memref<9216x1024xf32, #tpu.memory_space<hbm>> -> memref<64x256xf32, #tpu.memory_space<hbm>>
        %dma_wait3A_173 = tpu.memref_slice %arg4[%mul3A_170, %mul3A_172] : memref<9216x1024xf32, #tpu.memory_space<hbm>> -> memref<64x256xf32, #tpu.memory_space<hbm>>
        tpu.wait_dma2 semaphore(%arg17 : memref<!tpu.dma_semaphore, #tpu.memory_space<semaphore_mem>>) src(%arg9 : memref<64x256xf32, #tpu.memory_space<vmem>>) dst(%dma_wait3A_173 : memref<64x256xf32, #tpu.memory_space<hbm>>)
      } else {
      }
      %add3A_77 = arith.constant 4 : i32
      %add3A_78 = arith.addi %mul3A_47, %add3A_77 : i32
      %add3A_79 = arith.constant 0 : i32
      %add3A_80 = arith.addi %add3A_78, %add3A_79 : i32
      %lt3A_81 = arith.cmpi slt, %add3A_80, %select_n3A : i32
      %convert_element_type3A_82 = arith.extui %lt3A_81 : i1 to i32
      %cond3A_83 = arith.constant 0 : i32
      %cond3A_84 = arith.cmpi ne, %convert_element_type3A_82, %cond3A_83 : i32
      scf.if %cond3A_84 {
        %mul3A_127 = arith.constant 32 : i32
        %mul3A_128 = arith.muli %add3A_80, %mul3A_127 : i32
        %add3A_129 = arith.addi %add3A, %mul3A_128 : i32
        %jit3A_130 = arith.constant 144 : i32
        %div3A_131 = arith.divsi %add3A_129, %jit3A_130 : i32
        %sign3A_132 = arith.constant 0 : i32
        %sign3A_133 = arith.cmpi sgt, %add3A_129, %sign3A_132 : i32
        %sign3A_134 = arith.extui %sign3A_133 : i1 to i32
        %sign3A_135 = arith.constant 0 : i32
        %sign3A_136 = arith.cmpi slt, %add3A_129, %sign3A_135 : i32
        %sign3A_137 = arith.extui %sign3A_136 : i1 to i32
        %sign3A_138 = arith.subi %sign3A_134, %sign3A_137 : i32
        %sign3A_139 = arith.constant 0 : i32
        %sign3A_140 = arith.cmpi sgt, %jit3A_130, %sign3A_139 : i32
        %sign3A_141 = arith.extui %sign3A_140 : i1 to i32
        %sign3A_142 = arith.constant 0 : i32
        %sign3A_143 = arith.cmpi slt, %jit3A_130, %sign3A_142 : i32
        %sign3A_144 = arith.extui %sign3A_143 : i1 to i32
        %sign3A_145 = arith.subi %sign3A_141, %sign3A_144 : i32
        %ne3A_146 = arith.cmpi ne, %sign3A_138, %sign3A_145 : i32
        %rem3A_147 = arith.remsi %add3A_129, %jit3A_130 : i32
        %ne3A_148 = arith.constant 0 : i32
        %ne3A_149 = arith.cmpi ne, %rem3A_147, %ne3A_148 : i32
        %and3A_150 = arith.andi %ne3A_146, %ne3A_149 : i1
        %sub3A_151 = arith.constant 1 : i32
        %sub3A_152 = arith.subi %div3A_131, %sub3A_151 : i32
        %select_n3A_153 = arith.select %and3A_150, %sub3A_152, %div3A_131 : i32
        %jit3A_154 = arith.constant 144 : i32
        %eq3A = arith.constant 0 : i32
        %eq3A_155 = arith.cmpi eq, %jit3A_154, %eq3A : i32
        %jit3A_156 = arith.constant 1 : i32
        %select_n3A_157 = arith.select %eq3A_155, %jit3A_156, %jit3A_154 : i32
        %rem3A_158 = arith.remsi %add3A_129, %select_n3A_157 : i32
        %ne3A_159 = arith.constant 0 : i32
        %ne3A_160 = arith.cmpi ne, %rem3A_158, %ne3A_159 : i32
        %lt3A_161 = arith.constant 0 : i32
        %lt3A_162 = arith.cmpi slt, %rem3A_158, %lt3A_161 : i32
        %lt3A_163 = arith.constant 0 : i32
        %lt3A_164 = arith.cmpi slt, %select_n3A_157, %lt3A_163 : i32
        %ne3A_165 = arith.xori %lt3A_162, %lt3A_164 : i1
        %and3A_166 = arith.andi %ne3A_165, %ne3A_160 : i1
        %add3A_167 = arith.addi %rem3A_158, %select_n3A_157 : i32
        %select_n3A_168 = arith.select %and3A_166, %add3A_167, %rem3A_158 : i32
        %mul3A_169 = arith.constant 9216 : i32
        %mul3A_170 = arith.muli %select_n3A_153, %mul3A_169 : i32
        %mul3A_171 = arith.constant 64 : i32
        %mul3A_172 = arith.muli %select_n3A_168, %mul3A_171 : i32
        %add3A_173 = arith.addi %mul3A_170, %mul3A_172 : i32
        "tpu.region"() ({
          %run_scoped3A = tpu.sem_alloc : memref<!tpu.dma_semaphore, #tpu.memory_space<semaphore_mem>>
          %dma_start3A_176 = tpu.memref_slice %arg3[%add3A_173] : memref<36864xi32, #tpu.memory_space<hbm>> -> memref<64xi32, #tpu.memory_space<hbm>>
          %dma_start3A_177 = tpu.memref_slice %arg3[%add3A_173] : memref<36864xi32, #tpu.memory_space<hbm>> -> memref<64xi32, #tpu.memory_space<hbm>>
          tpu.enqueue_dma source(%dma_start3A_177 : memref<64xi32, #tpu.memory_space<hbm>>) target(%arg5 : memref<64xi32, #tpu.memory_space<vmem>>) target_semaphore(%run_scoped3A : memref<!tpu.dma_semaphore, #tpu.memory_space<semaphore_mem>>)
          %dma_wait3A = tpu.memref_slice %arg3[%add3A_173] : memref<36864xi32, #tpu.memory_space<hbm>> -> memref<64xi32, #tpu.memory_space<hbm>>
          %dma_wait3A_178 = tpu.memref_slice %arg3[%add3A_173] : memref<36864xi32, #tpu.memory_space<hbm>> -> memref<64xi32, #tpu.memory_space<hbm>>
          tpu.wait_dma2 semaphore(%run_scoped3A : memref<!tpu.dma_semaphore, #tpu.memory_space<semaphore_mem>>) src(%dma_wait3A_178 : memref<64xi32, #tpu.memory_space<hbm>>) dst(%arg5 : memref<64xi32, #tpu.memory_space<vmem>>)
          tpu.yield
        }) : () -> ()
        %dma_start3A = arith.constant 0 : i32
        %dma_start3A_174 = arith.constant 0 : i32
        %dma_start3A_175 = tpu.memref_slice %arg2[%dma_start3A, %dma_start3A_174] : memref<5000x256xf32, #tpu.memory_space<hbm>> -> memref<5000x256xf32, #tpu.memory_space<hbm>>
        tpu.enqueue_indirect_dma source(%dma_start3A_175 : memref<5000x256xf32, #tpu.memory_space<hbm>>) target(%arg9 : memref<64x256xf32, #tpu.memory_space<vmem>>) offsets(%arg5 : memref<64xi32, #tpu.memory_space<vmem>>) semaphore(%arg13 : memref<!tpu.dma_semaphore, #tpu.memory_space<semaphore_mem>>)
      } else {
      }
      %add3A_85 = arith.constant 1 : i32
      %add3A_86 = arith.addi %mul3A_47, %add3A_85 : i32
      %lt3A_87 = arith.cmpi slt, %add3A_86, %select_n3A : i32
      %convert_element_type3A_88 = arith.extui %lt3A_87 : i1 to i32
      %cond3A_89 = arith.constant 0 : i32
      %cond3A_90 = arith.cmpi ne, %convert_element_type3A_88, %cond3A_89 : i32
      scf.if %cond3A_90 {
        %mul3A_127 = arith.constant 32 : i32
        %mul3A_128 = arith.muli %add3A_86, %mul3A_127 : i32
        %add3A_129 = arith.addi %add3A, %mul3A_128 : i32
        %jit3A_130 = arith.constant 144 : i32
        %div3A_131 = arith.divsi %add3A_129, %jit3A_130 : i32
        %sign3A_132 = arith.constant 0 : i32
        %sign3A_133 = arith.cmpi sgt, %add3A_129, %sign3A_132 : i32
        %sign3A_134 = arith.extui %sign3A_133 : i1 to i32
        %sign3A_135 = arith.constant 0 : i32
        %sign3A_136 = arith.cmpi slt, %add3A_129, %sign3A_135 : i32
        %sign3A_137 = arith.extui %sign3A_136 : i1 to i32
        %sign3A_138 = arith.subi %sign3A_134, %sign3A_137 : i32
        %sign3A_139 = arith.constant 0 : i32
        %sign3A_140 = arith.cmpi sgt, %jit3A_130, %sign3A_139 : i32
        %sign3A_141 = arith.extui %sign3A_140 : i1 to i32
        %sign3A_142 = arith.constant 0 : i32
        %sign3A_143 = arith.cmpi slt, %jit3A_130, %sign3A_142 : i32
        %sign3A_144 = arith.extui %sign3A_143 : i1 to i32
        %sign3A_145 = arith.subi %sign3A_141, %sign3A_144 : i32
        %ne3A_146 = arith.cmpi ne, %sign3A_138, %sign3A_145 : i32
        %rem3A_147 = arith.remsi %add3A_129, %jit3A_130 : i32
        %ne3A_148 = arith.constant 0 : i32
        %ne3A_149 = arith.cmpi ne, %rem3A_147, %ne3A_148 : i32
        %and3A_150 = arith.andi %ne3A_146, %ne3A_149 : i1
        %sub3A_151 = arith.constant 1 : i32
        %sub3A_152 = arith.subi %div3A_131, %sub3A_151 : i32
        %select_n3A_153 = arith.select %and3A_150, %sub3A_152, %div3A_131 : i32
        %jit3A_154 = arith.constant 144 : i32
        %eq3A = arith.constant 0 : i32
        %eq3A_155 = arith.cmpi eq, %jit3A_154, %eq3A : i32
        %jit3A_156 = arith.constant 1 : i32
        %select_n3A_157 = arith.select %eq3A_155, %jit3A_156, %jit3A_154 : i32
        %rem3A_158 = arith.remsi %add3A_129, %select_n3A_157 : i32
        %ne3A_159 = arith.constant 0 : i32
        %ne3A_160 = arith.cmpi ne, %rem3A_158, %ne3A_159 : i32
        %lt3A_161 = arith.constant 0 : i32
        %lt3A_162 = arith.cmpi slt, %rem3A_158, %lt3A_161 : i32
        %lt3A_163 = arith.constant 0 : i32
        %lt3A_164 = arith.cmpi slt, %select_n3A_157, %lt3A_163 : i32
        %ne3A_165 = arith.xori %lt3A_162, %lt3A_164 : i1
        %and3A_166 = arith.andi %ne3A_165, %ne3A_160 : i1
        %add3A_167 = arith.addi %rem3A_158, %select_n3A_157 : i32
        %select_n3A_168 = arith.select %and3A_166, %add3A_167, %rem3A_158 : i32
        %mul3A_169 = arith.constant 64 : i32
        %mul3A_170 = arith.muli %select_n3A_168, %mul3A_169 : i32
        %mul3A_171 = arith.constant 256 : i32
        %mul3A_172 = arith.muli %select_n3A_153, %mul3A_171 : i32
        %dma_wait3A = tpu.memref_slice %arg4[%mul3A_170, %mul3A_172] : memref<9216x1024xf32, #tpu.memory_space<hbm>> -> memref<64x256xf32, #tpu.memory_space<hbm>>
        %dma_wait3A_173 = tpu.memref_slice %arg4[%mul3A_170, %mul3A_172] : memref<9216x1024xf32, #tpu.memory_space<hbm>> -> memref<64x256xf32, #tpu.memory_space<hbm>>
        tpu.wait_dma2 semaphore(%arg18 : memref<!tpu.dma_semaphore, #tpu.memory_space<semaphore_mem>>) src(%arg10 : memref<64x256xf32, #tpu.memory_space<vmem>>) dst(%dma_wait3A_173 : memref<64x256xf32, #tpu.memory_space<hbm>>)
      } else {
      }
      %add3A_91 = arith.constant 4 : i32
      %add3A_92 = arith.addi %mul3A_47, %add3A_91 : i32
      %add3A_93 = arith.constant 1 : i32
      %add3A_94 = arith.addi %add3A_92, %add3A_93 : i32
      %lt3A_95 = arith.cmpi slt, %add3A_94, %select_n3A : i32
      %convert_element_type3A_96 = arith.extui %lt3A_95 : i1 to i32
      %cond3A_97 = arith.constant 0 : i32
      %cond3A_98 = arith.cmpi ne, %convert_element_type3A_96, %cond3A_97 : i32
      scf.if %cond3A_98 {
        %mul3A_127 = arith.constant 32 : i32
        %mul3A_128 = arith.muli %add3A_94, %mul3A_127 : i32
        %add3A_129 = arith.addi %add3A, %mul3A_128 : i32
        %jit3A_130 = arith.constant 144 : i32
        %div3A_131 = arith.divsi %add3A_129, %jit3A_130 : i32
        %sign3A_132 = arith.constant 0 : i32
        %sign3A_133 = arith.cmpi sgt, %add3A_129, %sign3A_132 : i32
        %sign3A_134 = arith.extui %sign3A_133 : i1 to i32
        %sign3A_135 = arith.constant 0 : i32
        %sign3A_136 = arith.cmpi slt, %add3A_129, %sign3A_135 : i32
        %sign3A_137 = arith.extui %sign3A_136 : i1 to i32
        %sign3A_138 = arith.subi %sign3A_134, %sign3A_137 : i32
        %sign3A_139 = arith.constant 0 : i32
        %sign3A_140 = arith.cmpi sgt, %jit3A_130, %sign3A_139 : i32
        %sign3A_141 = arith.extui %sign3A_140 : i1 to i32
        %sign3A_142 = arith.constant 0 : i32
        %sign3A_143 = arith.cmpi slt, %jit3A_130, %sign3A_142 : i32
        %sign3A_144 = arith.extui %sign3A_143 : i1 to i32
        %sign3A_145 = arith.subi %sign3A_141, %sign3A_144 : i32
        %ne3A_146 = arith.cmpi ne, %sign3A_138, %sign3A_145 : i32
        %rem3A_147 = arith.remsi %add3A_129, %jit3A_130 : i32
        %ne3A_148 = arith.constant 0 : i32
        %ne3A_149 = arith.cmpi ne, %rem3A_147, %ne3A_148 : i32
        %and3A_150 = arith.andi %ne3A_146, %ne3A_149 : i1
        %sub3A_151 = arith.constant 1 : i32
        %sub3A_152 = arith.subi %div3A_131, %sub3A_151 : i32
        %select_n3A_153 = arith.select %and3A_150, %sub3A_152, %div3A_131 : i32
        %jit3A_154 = arith.constant 144 : i32
        %eq3A = arith.constant 0 : i32
        %eq3A_155 = arith.cmpi eq, %jit3A_154, %eq3A : i32
        %jit3A_156 = arith.constant 1 : i32
        %select_n3A_157 = arith.select %eq3A_155, %jit3A_156, %jit3A_154 : i32
        %rem3A_158 = arith.remsi %add3A_129, %select_n3A_157 : i32
        %ne3A_159 = arith.constant 0 : i32
        %ne3A_160 = arith.cmpi ne, %rem3A_158, %ne3A_159 : i32
        %lt3A_161 = arith.constant 0 : i32
        %lt3A_162 = arith.cmpi slt, %rem3A_158, %lt3A_161 : i32
        %lt3A_163 = arith.constant 0 : i32
        %lt3A_164 = arith.cmpi slt, %select_n3A_157, %lt3A_163 : i32
        %ne3A_165 = arith.xori %lt3A_162, %lt3A_164 : i1
        %and3A_166 = arith.andi %ne3A_165, %ne3A_160 : i1
        %add3A_167 = arith.addi %rem3A_158, %select_n3A_157 : i32
        %select_n3A_168 = arith.select %and3A_166, %add3A_167, %rem3A_158 : i32
        %mul3A_169 = arith.constant 9216 : i32
        %mul3A_170 = arith.muli %select_n3A_153, %mul3A_169 : i32
        %mul3A_171 = arith.constant 64 : i32
        %mul3A_172 = arith.muli %select_n3A_168, %mul3A_171 : i32
        %add3A_173 = arith.addi %mul3A_170, %mul3A_172 : i32
        "tpu.region"() ({
          %run_scoped3A = tpu.sem_alloc : memref<!tpu.dma_semaphore, #tpu.memory_space<semaphore_mem>>
          %dma_start3A_176 = tpu.memref_slice %arg3[%add3A_173] : memref<36864xi32, #tpu.memory_space<hbm>> -> memref<64xi32, #tpu.memory_space<hbm>>
          %dma_start3A_177 = tpu.memref_slice %arg3[%add3A_173] : memref<36864xi32, #tpu.memory_space<hbm>> -> memref<64xi32, #tpu.memory_space<hbm>>
          tpu.enqueue_dma source(%dma_start3A_177 : memref<64xi32, #tpu.memory_space<hbm>>) target(%arg6 : memref<64xi32, #tpu.memory_space<vmem>>) target_semaphore(%run_scoped3A : memref<!tpu.dma_semaphore, #tpu.memory_space<semaphore_mem>>)
          %dma_wait3A = tpu.memref_slice %arg3[%add3A_173] : memref<36864xi32, #tpu.memory_space<hbm>> -> memref<64xi32, #tpu.memory_space<hbm>>
          %dma_wait3A_178 = tpu.memref_slice %arg3[%add3A_173] : memref<36864xi32, #tpu.memory_space<hbm>> -> memref<64xi32, #tpu.memory_space<hbm>>
          tpu.wait_dma2 semaphore(%run_scoped3A : memref<!tpu.dma_semaphore, #tpu.memory_space<semaphore_mem>>) src(%dma_wait3A_178 : memref<64xi32, #tpu.memory_space<hbm>>) dst(%arg6 : memref<64xi32, #tpu.memory_space<vmem>>)
          tpu.yield
        }) : () -> ()
        %dma_start3A = arith.constant 0 : i32
        %dma_start3A_174 = arith.constant 0 : i32
        %dma_start3A_175 = tpu.memref_slice %arg2[%dma_start3A, %dma_start3A_174] : memref<5000x256xf32, #tpu.memory_space<hbm>> -> memref<5000x256xf32, #tpu.memory_space<hbm>>
        tpu.enqueue_indirect_dma source(%dma_start3A_175 : memref<5000x256xf32, #tpu.memory_space<hbm>>) target(%arg10 : memref<64x256xf32, #tpu.memory_space<vmem>>) offsets(%arg6 : memref<64xi32, #tpu.memory_space<vmem>>) semaphore(%arg14 : memref<!tpu.dma_semaphore, #tpu.memory_space<semaphore_mem>>)
      } else {
      }
      %add3A_99 = arith.constant 2 : i32
      %add3A_100 = arith.addi %mul3A_47, %add3A_99 : i32
      %lt3A_101 = arith.cmpi slt, %add3A_100, %select_n3A : i32
      %convert_element_type3A_102 = arith.extui %lt3A_101 : i1 to i32
      %cond3A_103 = arith.constant 0 : i32
      %cond3A_104 = arith.cmpi ne, %convert_element_type3A_102, %cond3A_103 : i32
      scf.if %cond3A_104 {
        %mul3A_127 = arith.constant 32 : i32
        %mul3A_128 = arith.muli %add3A_100, %mul3A_127 : i32
        %add3A_129 = arith.addi %add3A, %mul3A_128 : i32
        %jit3A_130 = arith.constant 144 : i32
        %div3A_131 = arith.divsi %add3A_129, %jit3A_130 : i32
        %sign3A_132 = arith.constant 0 : i32
        %sign3A_133 = arith.cmpi sgt, %add3A_129, %sign3A_132 : i32
        %sign3A_134 = arith.extui %sign3A_133 : i1 to i32
        %sign3A_135 = arith.constant 0 : i32
        %sign3A_136 = arith.cmpi slt, %add3A_129, %sign3A_135 : i32
        %sign3A_137 = arith.extui %sign3A_136 : i1 to i32
        %sign3A_138 = arith.subi %sign3A_134, %sign3A_137 : i32
        %sign3A_139 = arith.constant 0 : i32
        %sign3A_140 = arith.cmpi sgt, %jit3A_130, %sign3A_139 : i32
        %sign3A_141 = arith.extui %sign3A_140 : i1 to i32
        %sign3A_142 = arith.constant 0 : i32
        %sign3A_143 = arith.cmpi slt, %jit3A_130, %sign3A_142 : i32
        %sign3A_144 = arith.extui %sign3A_143 : i1 to i32
        %sign3A_145 = arith.subi %sign3A_141, %sign3A_144 : i32
        %ne3A_146 = arith.cmpi ne, %sign3A_138, %sign3A_145 : i32
        %rem3A_147 = arith.remsi %add3A_129, %jit3A_130 : i32
        %ne3A_148 = arith.constant 0 : i32
        %ne3A_149 = arith.cmpi ne, %rem3A_147, %ne3A_148 : i32
        %and3A_150 = arith.andi %ne3A_146, %ne3A_149 : i1
        %sub3A_151 = arith.constant 1 : i32
        %sub3A_152 = arith.subi %div3A_131, %sub3A_151 : i32
        %select_n3A_153 = arith.select %and3A_150, %sub3A_152, %div3A_131 : i32
        %jit3A_154 = arith.constant 144 : i32
        %eq3A = arith.constant 0 : i32
        %eq3A_155 = arith.cmpi eq, %jit3A_154, %eq3A : i32
        %jit3A_156 = arith.constant 1 : i32
        %select_n3A_157 = arith.select %eq3A_155, %jit3A_156, %jit3A_154 : i32
        %rem3A_158 = arith.remsi %add3A_129, %select_n3A_157 : i32
        %ne3A_159 = arith.constant 0 : i32
        %ne3A_160 = arith.cmpi ne, %rem3A_158, %ne3A_159 : i32
        %lt3A_161 = arith.constant 0 : i32
        %lt3A_162 = arith.cmpi slt, %rem3A_158, %lt3A_161 : i32
        %lt3A_163 = arith.constant 0 : i32
        %lt3A_164 = arith.cmpi slt, %select_n3A_157, %lt3A_163 : i32
        %ne3A_165 = arith.xori %lt3A_162, %lt3A_164 : i1
        %and3A_166 = arith.andi %ne3A_165, %ne3A_160 : i1
        %add3A_167 = arith.addi %rem3A_158, %select_n3A_157 : i32
        %select_n3A_168 = arith.select %and3A_166, %add3A_167, %rem3A_158 : i32
        %mul3A_169 = arith.constant 64 : i32
        %mul3A_170 = arith.muli %select_n3A_168, %mul3A_169 : i32
        %mul3A_171 = arith.constant 256 : i32
        %mul3A_172 = arith.muli %select_n3A_153, %mul3A_171 : i32
        %dma_wait3A = tpu.memref_slice %arg4[%mul3A_170, %mul3A_172] : memref<9216x1024xf32, #tpu.memory_space<hbm>> -> memref<64x256xf32, #tpu.memory_space<hbm>>
        %dma_wait3A_173 = tpu.memref_slice %arg4[%mul3A_170, %mul3A_172] : memref<9216x1024xf32, #tpu.memory_space<hbm>> -> memref<64x256xf32, #tpu.memory_space<hbm>>
        tpu.wait_dma2 semaphore(%arg19 : memref<!tpu.dma_semaphore, #tpu.memory_space<semaphore_mem>>) src(%arg11 : memref<64x256xf32, #tpu.memory_space<vmem>>) dst(%dma_wait3A_173 : memref<64x256xf32, #tpu.memory_space<hbm>>)
      } else {
      }
      %add3A_105 = arith.constant 4 : i32
      %add3A_106 = arith.addi %mul3A_47, %add3A_105 : i32
      %add3A_107 = arith.constant 2 : i32
      %add3A_108 = arith.addi %add3A_106, %add3A_107 : i32
      %lt3A_109 = arith.cmpi slt, %add3A_108, %select_n3A : i32
      %convert_element_type3A_110 = arith.extui %lt3A_109 : i1 to i32
      %cond3A_111 = arith.constant 0 : i32
      %cond3A_112 = arith.cmpi ne, %convert_element_type3A_110, %cond3A_111 : i32
      scf.if %cond3A_112 {
        %mul3A_127 = arith.constant 32 : i32
        %mul3A_128 = arith.muli %add3A_108, %mul3A_127 : i32
        %add3A_129 = arith.addi %add3A, %mul3A_128 : i32
        %jit3A_130 = arith.constant 144 : i32
        %div3A_131 = arith.divsi %add3A_129, %jit3A_130 : i32
        %sign3A_132 = arith.constant 0 : i32
        %sign3A_133 = arith.cmpi sgt, %add3A_129, %sign3A_132 : i32
        %sign3A_134 = arith.extui %sign3A_133 : i1 to i32
        %sign3A_135 = arith.constant 0 : i32
        %sign3A_136 = arith.cmpi slt, %add3A_129, %sign3A_135 : i32
        %sign3A_137 = arith.extui %sign3A_136 : i1 to i32
        %sign3A_138 = arith.subi %sign3A_134, %sign3A_137 : i32
        %sign3A_139 = arith.constant 0 : i32
        %sign3A_140 = arith.cmpi sgt, %jit3A_130, %sign3A_139 : i32
        %sign3A_141 = arith.extui %sign3A_140 : i1 to i32
        %sign3A_142 = arith.constant 0 : i32
        %sign3A_143 = arith.cmpi slt, %jit3A_130, %sign3A_142 : i32
        %sign3A_144 = arith.extui %sign3A_143 : i1 to i32
        %sign3A_145 = arith.subi %sign3A_141, %sign3A_144 : i32
        %ne3A_146 = arith.cmpi ne, %sign3A_138, %sign3A_145 : i32
        %rem3A_147 = arith.remsi %add3A_129, %jit3A_130 : i32
        %ne3A_148 = arith.constant 0 : i32
        %ne3A_149 = arith.cmpi ne, %rem3A_147, %ne3A_148 : i32
        %and3A_150 = arith.andi %ne3A_146, %ne3A_149 : i1
        %sub3A_151 = arith.constant 1 : i32
        %sub3A_152 = arith.subi %div3A_131, %sub3A_151 : i32
        %select_n3A_153 = arith.select %and3A_150, %sub3A_152, %div3A_131 : i32
        %jit3A_154 = arith.constant 144 : i32
        %eq3A = arith.constant 0 : i32
        %eq3A_155 = arith.cmpi eq, %jit3A_154, %eq3A : i32
        %jit3A_156 = arith.constant 1 : i32
        %select_n3A_157 = arith.select %eq3A_155, %jit3A_156, %jit3A_154 : i32
        %rem3A_158 = arith.remsi %add3A_129, %select_n3A_157 : i32
        %ne3A_159 = arith.constant 0 : i32
        %ne3A_160 = arith.cmpi ne, %rem3A_158, %ne3A_159 : i32
        %lt3A_161 = arith.constant 0 : i32
        %lt3A_162 = arith.cmpi slt, %rem3A_158, %lt3A_161 : i32
        %lt3A_163 = arith.constant 0 : i32
        %lt3A_164 = arith.cmpi slt, %select_n3A_157, %lt3A_163 : i32
        %ne3A_165 = arith.xori %lt3A_162, %lt3A_164 : i1
        %and3A_166 = arith.andi %ne3A_165, %ne3A_160 : i1
        %add3A_167 = arith.addi %rem3A_158, %select_n3A_157 : i32
        %select_n3A_168 = arith.select %and3A_166, %add3A_167, %rem3A_158 : i32
        %mul3A_169 = arith.constant 9216 : i32
        %mul3A_170 = arith.muli %select_n3A_153, %mul3A_169 : i32
        %mul3A_171 = arith.constant 64 : i32
        %mul3A_172 = arith.muli %select_n3A_168, %mul3A_171 : i32
        %add3A_173 = arith.addi %mul3A_170, %mul3A_172 : i32
        "tpu.region"() ({
          %run_scoped3A = tpu.sem_alloc : memref<!tpu.dma_semaphore, #tpu.memory_space<semaphore_mem>>
          %dma_start3A_176 = tpu.memref_slice %arg3[%add3A_173] : memref<36864xi32, #tpu.memory_space<hbm>> -> memref<64xi32, #tpu.memory_space<hbm>>
          %dma_start3A_177 = tpu.memref_slice %arg3[%add3A_173] : memref<36864xi32, #tpu.memory_space<hbm>> -> memref<64xi32, #tpu.memory_space<hbm>>
          tpu.enqueue_dma source(%dma_start3A_177 : memref<64xi32, #tpu.memory_space<hbm>>) target(%arg7 : memref<64xi32, #tpu.memory_space<vmem>>) target_semaphore(%run_scoped3A : memref<!tpu.dma_semaphore, #tpu.memory_space<semaphore_mem>>)
          %dma_wait3A = tpu.memref_slice %arg3[%add3A_173] : memref<36864xi32, #tpu.memory_space<hbm>> -> memref<64xi32, #tpu.memory_space<hbm>>
          %dma_wait3A_178 = tpu.memref_slice %arg3[%add3A_173] : memref<36864xi32, #tpu.memory_space<hbm>> -> memref<64xi32, #tpu.memory_space<hbm>>
          tpu.wait_dma2 semaphore(%run_scoped3A : memref<!tpu.dma_semaphore, #tpu.memory_space<semaphore_mem>>) src(%dma_wait3A_178 : memref<64xi32, #tpu.memory_space<hbm>>) dst(%arg7 : memref<64xi32, #tpu.memory_space<vmem>>)
          tpu.yield
        }) : () -> ()
        %dma_start3A = arith.constant 0 : i32
        %dma_start3A_174 = arith.constant 0 : i32
        %dma_start3A_175 = tpu.memref_slice %arg2[%dma_start3A, %dma_start3A_174] : memref<5000x256xf32, #tpu.memory_space<hbm>> -> memref<5000x256xf32, #tpu.memory_space<hbm>>
        tpu.enqueue_indirect_dma source(%dma_start3A_175 : memref<5000x256xf32, #tpu.memory_space<hbm>>) target(%arg11 : memref<64x256xf32, #tpu.memory_space<vmem>>) offsets(%arg7 : memref<64xi32, #tpu.memory_space<vmem>>) semaphore(%arg15 : memref<!tpu.dma_semaphore, #tpu.memory_space<semaphore_mem>>)
      } else {
      }
      %add3A_113 = arith.constant 3 : i32
      %add3A_114 = arith.addi %mul3A_47, %add3A_113 : i32
      %lt3A_115 = arith.cmpi slt, %add3A_114, %select_n3A : i32
      %convert_element_type3A_116 = arith.extui %lt3A_115 : i1 to i32
      %cond3A_117 = arith.constant 0 : i32
      %cond3A_118 = arith.cmpi ne, %convert_element_type3A_116, %cond3A_117 : i32
      scf.if %cond3A_118 {
        %mul3A_127 = arith.constant 32 : i32
        %mul3A_128 = arith.muli %add3A_114, %mul3A_127 : i32
        %add3A_129 = arith.addi %add3A, %mul3A_128 : i32
        %jit3A_130 = arith.constant 144 : i32
        %div3A_131 = arith.divsi %add3A_129, %jit3A_130 : i32
        %sign3A_132 = arith.constant 0 : i32
        %sign3A_133 = arith.cmpi sgt, %add3A_129, %sign3A_132 : i32
        %sign3A_134 = arith.extui %sign3A_133 : i1 to i32
        %sign3A_135 = arith.constant 0 : i32
        %sign3A_136 = arith.cmpi slt, %add3A_129, %sign3A_135 : i32
        %sign3A_137 = arith.extui %sign3A_136 : i1 to i32
        %sign3A_138 = arith.subi %sign3A_134, %sign3A_137 : i32
        %sign3A_139 = arith.constant 0 : i32
        %sign3A_140 = arith.cmpi sgt, %jit3A_130, %sign3A_139 : i32
        %sign3A_141 = arith.extui %sign3A_140 : i1 to i32
        %sign3A_142 = arith.constant 0 : i32
        %sign3A_143 = arith.cmpi slt, %jit3A_130, %sign3A_142 : i32
        %sign3A_144 = arith.extui %sign3A_143 : i1 to i32
        %sign3A_145 = arith.subi %sign3A_141, %sign3A_144 : i32
        %ne3A_146 = arith.cmpi ne, %sign3A_138, %sign3A_145 : i32
        %rem3A_147 = arith.remsi %add3A_129, %jit3A_130 : i32
        %ne3A_148 = arith.constant 0 : i32
        %ne3A_149 = arith.cmpi ne, %rem3A_147, %ne3A_148 : i32
        %and3A_150 = arith.andi %ne3A_146, %ne3A_149 : i1
        %sub3A_151 = arith.constant 1 : i32
        %sub3A_152 = arith.subi %div3A_131, %sub3A_151 : i32
        %select_n3A_153 = arith.select %and3A_150, %sub3A_152, %div3A_131 : i32
        %jit3A_154 = arith.constant 144 : i32
        %eq3A = arith.constant 0 : i32
        %eq3A_155 = arith.cmpi eq, %jit3A_154, %eq3A : i32
        %jit3A_156 = arith.constant 1 : i32
        %select_n3A_157 = arith.select %eq3A_155, %jit3A_156, %jit3A_154 : i32
        %rem3A_158 = arith.remsi %add3A_129, %select_n3A_157 : i32
        %ne3A_159 = arith.constant 0 : i32
        %ne3A_160 = arith.cmpi ne, %rem3A_158, %ne3A_159 : i32
        %lt3A_161 = arith.constant 0 : i32
        %lt3A_162 = arith.cmpi slt, %rem3A_158, %lt3A_161 : i32
        %lt3A_163 = arith.constant 0 : i32
        %lt3A_164 = arith.cmpi slt, %select_n3A_157, %lt3A_163 : i32
        %ne3A_165 = arith.xori %lt3A_162, %lt3A_164 : i1
        %and3A_166 = arith.andi %ne3A_165, %ne3A_160 : i1
        %add3A_167 = arith.addi %rem3A_158, %select_n3A_157 : i32
        %select_n3A_168 = arith.select %and3A_166, %add3A_167, %rem3A_158 : i32
        %mul3A_169 = arith.constant 64 : i32
        %mul3A_170 = arith.muli %select_n3A_168, %mul3A_169 : i32
        %mul3A_171 = arith.constant 256 : i32
        %mul3A_172 = arith.muli %select_n3A_153, %mul3A_171 : i32
        %dma_wait3A = tpu.memref_slice %arg4[%mul3A_170, %mul3A_172] : memref<9216x1024xf32, #tpu.memory_space<hbm>> -> memref<64x256xf32, #tpu.memory_space<hbm>>
        %dma_wait3A_173 = tpu.memref_slice %arg4[%mul3A_170, %mul3A_172] : memref<9216x1024xf32, #tpu.memory_space<hbm>> -> memref<64x256xf32, #tpu.memory_space<hbm>>
        tpu.wait_dma2 semaphore(%arg20 : memref<!tpu.dma_semaphore, #tpu.memory_space<semaphore_mem>>) src(%arg12 : memref<64x256xf32, #tpu.memory_space<vmem>>) dst(%dma_wait3A_173 : memref<64x256xf32, #tpu.memory_space<hbm>>)
      } else {
      }
      %add3A_119 = arith.constant 4 : i32
      %add3A_120 = arith.addi %mul3A_47, %add3A_119 : i32
      %add3A_121 = arith.constant 3 : i32
      %add3A_122 = arith.addi %add3A_120, %add3A_121 : i32
      %lt3A_123 = arith.cmpi slt, %add3A_122, %select_n3A : i32
      %convert_element_type3A_124 = arith.extui %lt3A_123 : i1 to i32
      %cond3A_125 = arith.constant 0 : i32
      %cond3A_126 = arith.cmpi ne, %convert_element_type3A_124, %cond3A_125 : i32
      scf.if %cond3A_126 {
        %mul3A_127 = arith.constant 32 : i32
        %mul3A_128 = arith.muli %add3A_122, %mul3A_127 : i32
        %add3A_129 = arith.addi %add3A, %mul3A_128 : i32
        %jit3A_130 = arith.constant 144 : i32
        %div3A_131 = arith.divsi %add3A_129, %jit3A_130 : i32
        %sign3A_132 = arith.constant 0 : i32
        %sign3A_133 = arith.cmpi sgt, %add3A_129, %sign3A_132 : i32
        %sign3A_134 = arith.extui %sign3A_133 : i1 to i32
        %sign3A_135 = arith.constant 0 : i32
        %sign3A_136 = arith.cmpi slt, %add3A_129, %sign3A_135 : i32
        %sign3A_137 = arith.extui %sign3A_136 : i1 to i32
        %sign3A_138 = arith.subi %sign3A_134, %sign3A_137 : i32
        %sign3A_139 = arith.constant 0 : i32
        %sign3A_140 = arith.cmpi sgt, %jit3A_130, %sign3A_139 : i32
        %sign3A_141 = arith.extui %sign3A_140 : i1 to i32
        %sign3A_142 = arith.constant 0 : i32
        %sign3A_143 = arith.cmpi slt, %jit3A_130, %sign3A_142 : i32
        %sign3A_144 = arith.extui %sign3A_143 : i1 to i32
        %sign3A_145 = arith.subi %sign3A_141, %sign3A_144 : i32
        %ne3A_146 = arith.cmpi ne, %sign3A_138, %sign3A_145 : i32
        %rem3A_147 = arith.remsi %add3A_129, %jit3A_130 : i32
        %ne3A_148 = arith.constant 0 : i32
        %ne3A_149 = arith.cmpi ne, %rem3A_147, %ne3A_148 : i32
        %and3A_150 = arith.andi %ne3A_146, %ne3A_149 : i1
        %sub3A_151 = arith.constant 1 : i32
        %sub3A_152 = arith.subi %div3A_131, %sub3A_151 : i32
        %select_n3A_153 = arith.select %and3A_150, %sub3A_152, %div3A_131 : i32
        %jit3A_154 = arith.constant 144 : i32
        %eq3A = arith.constant 0 : i32
        %eq3A_155 = arith.cmpi eq, %jit3A_154, %eq3A : i32
        %jit3A_156 = arith.constant 1 : i32
        %select_n3A_157 = arith.select %eq3A_155, %jit3A_156, %jit3A_154 : i32
        %rem3A_158 = arith.remsi %add3A_129, %select_n3A_157 : i32
        %ne3A_159 = arith.constant 0 : i32
        %ne3A_160 = arith.cmpi ne, %rem3A_158, %ne3A_159 : i32
        %lt3A_161 = arith.constant 0 : i32
        %lt3A_162 = arith.cmpi slt, %rem3A_158, %lt3A_161 : i32
        %lt3A_163 = arith.constant 0 : i32
        %lt3A_164 = arith.cmpi slt, %select_n3A_157, %lt3A_163 : i32
        %ne3A_165 = arith.xori %lt3A_162, %lt3A_164 : i1
        %and3A_166 = arith.andi %ne3A_165, %ne3A_160 : i1
        %add3A_167 = arith.addi %rem3A_158, %select_n3A_157 : i32
        %select_n3A_168 = arith.select %and3A_166, %add3A_167, %rem3A_158 : i32
        %mul3A_169 = arith.constant 9216 : i32
        %mul3A_170 = arith.muli %select_n3A_153, %mul3A_169 : i32
        %mul3A_171 = arith.constant 64 : i32
        %mul3A_172 = arith.muli %select_n3A_168, %mul3A_171 : i32
        %add3A_173 = arith.addi %mul3A_170, %mul3A_172 : i32
        "tpu.region"() ({
          %run_scoped3A = tpu.sem_alloc : memref<!tpu.dma_semaphore, #tpu.memory_space<semaphore_mem>>
          %dma_start3A_176 = tpu.memref_slice %arg3[%add3A_173] : memref<36864xi32, #tpu.memory_space<hbm>> -> memref<64xi32, #tpu.memory_space<hbm>>
          %dma_start3A_177 = tpu.memref_slice %arg3[%add3A_173] : memref<36864xi32, #tpu.memory_space<hbm>> -> memref<64xi32, #tpu.memory_space<hbm>>
          tpu.enqueue_dma source(%dma_start3A_177 : memref<64xi32, #tpu.memory_space<hbm>>) target(%arg8 : memref<64xi32, #tpu.memory_space<vmem>>) target_semaphore(%run_scoped3A : memref<!tpu.dma_semaphore, #tpu.memory_space<semaphore_mem>>)
          %dma_wait3A = tpu.memref_slice %arg3[%add3A_173] : memref<36864xi32, #tpu.memory_space<hbm>> -> memref<64xi32, #tpu.memory_space<hbm>>
          %dma_wait3A_178 = tpu.memref_slice %arg3[%add3A_173] : memref<36864xi32, #tpu.memory_space<hbm>> -> memref<64xi32, #tpu.memory_space<hbm>>
          tpu.wait_dma2 semaphore(%run_scoped3A : memref<!tpu.dma_semaphore, #tpu.memory_space<semaphore_mem>>) src(%dma_wait3A_178 : memref<64xi32, #tpu.memory_space<hbm>>) dst(%arg8 : memref<64xi32, #tpu.memory_space<vmem>>)
          tpu.yield
        }) : () -> ()
        %dma_start3A = arith.constant 0 : i32
        %dma_start3A_174 = arith.constant 0 : i32
        %dma_start3A_175 = tpu.memref_slice %arg2[%dma_start3A, %dma_start3A_174] : memref<5000x256xf32, #tpu.memory_space<hbm>> -> memref<5000x256xf32, #tpu.memory_space<hbm>>
        tpu.enqueue_indirect_dma source(%dma_start3A_175 : memref<5000x256xf32, #tpu.memory_space<hbm>>) target(%arg12 : memref<64x256xf32, #tpu.memory_space<vmem>>) offsets(%arg8 : memref<64xi32, #tpu.memory_space<vmem>>) semaphore(%arg16 : memref<!tpu.dma_semaphore, #tpu.memory_space<semaphore_mem>>)
      } else {
      }
    }
    %scan3A_44 = arith.constant 5 : i32
    return
  }
}

module attributes {stable_mosaic.version = 14 : i64} {
  func.func @body(%arg0: i32, %arg1: memref<1x64x1024xf32, #tpu.memory_space<vmem>>, %arg2: memref<1x64x1024xf32, #tpu.memory_space<vmem>>, %arg3: memref<1x64x1024xf32, #tpu.memory_space<vmem>>, %arg4: memref<1x64x1024xf32, #tpu.memory_space<vmem>>) attributes {dimension_semantics = [#tpu.dimension_semantics<arbitrary>], iteration_bounds = array<i64: 144>, scalar_prefetch = 0 : i64, scratch_operands = 0 : i64, tpu.core_type = #tpu.core_type<tc>, window_params = [{transform_indices = @transform_0, window_bounds = array<i64: 1, 64, 1024>}, {transform_indices = @transform_1, window_bounds = array<i64: 1, 64, 1024>}, {transform_indices = @transform_2, window_bounds = array<i64: 1, 64, 1024>}, {transform_indices = @transform_3, window_bounds = array<i64: 1, 64, 1024>}]} {
    %get3A = arith.constant 0 : index
    %get3A_0 = arith.constant 0 : index
    %get3A_1 = arith.constant 0 : index
    %get3A_2 = vector.load %arg2[%get3A, %get3A_0, %get3A_1] : memref<1x64x1024xf32, #tpu.memory_space<vmem>>, vector<1x64x1024xf32>
    %get3A_3 = arith.constant 0 : index
    %get3A_4 = arith.constant 0 : index
    %get3A_5 = arith.constant 0 : index
    %get3A_6 = vector.load %arg1[%get3A_3, %get3A_4, %get3A_5] : memref<1x64x1024xf32, #tpu.memory_space<vmem>>, vector<1x64x1024xf32>
    %add3A = arith.addf %get3A_6, %get3A_2 : vector<1x64x1024xf32>
    %swap3A = arith.constant 0 : index
    %swap3A_7 = arith.constant 0 : index
    %swap3A_8 = arith.constant 0 : index
    %swap3A_9 = vector.load %arg3[%swap3A, %swap3A_7, %swap3A_8] : memref<1x64x1024xf32, #tpu.memory_space<vmem>>, vector<1x64x1024xf32>
    tpu.vector_store %arg3[%swap3A, %swap3A_7, %swap3A_8], %add3A {strides = array<i32>} : memref<1x64x1024xf32, #tpu.memory_space<vmem>>, vector<1x64x1024xf32>,
    %swap3A_10 = arith.constant 0 : index
    %swap3A_11 = arith.constant 0 : index
    %swap3A_12 = arith.constant 0 : index
    %swap3A_13 = vector.load %arg4[%swap3A_10, %swap3A_11, %swap3A_12] : memref<1x64x1024xf32, #tpu.memory_space<vmem>>, vector<1x64x1024xf32>
    tpu.vector_store %arg4[%swap3A_10, %swap3A_11, %swap3A_12], %get3A_2 {strides = array<i32>} : memref<1x64x1024xf32, #tpu.memory_space<vmem>>, vector<1x64x1024xf32>,
    return
  }
  func.func @transform_0(%arg0: i32) -> (i32, i32, i32) {
    %add3A = arith.constant 0 : i32
    %add3A_0 = arith.addi %arg0, %add3A : i32
    %c0_i32 = arith.constant 0 : i32
    %c0_i32_1 = arith.constant 0 : i32
    %c0_i32_2 = arith.constant 0 : i32
    return %add3A_0, %c0_i32, %c0_i32_1 : i32, i32, i32
  }
  func.func @transform_1(%arg0: i32) -> (i32, i32, i32) {
    %c0_i32 = arith.constant 0 : i32
    %c0_i32_0 = arith.constant 0 : i32
    %c0_i32_1 = arith.constant 0 : i32
    return %arg0, %c0_i32, %c0_i32_0 : i32, i32, i32
  }
  func.func @transform_2(%arg0: i32) -> (i32, i32, i32) {
    %add3A = arith.constant 0 : i32
    %add3A_0 = arith.addi %arg0, %add3A : i32
    %c0_i32 = arith.constant 0 : i32
    %c0_i32_1 = arith.constant 0 : i32
    %c0_i32_2 = arith.constant 0 : i32
    return %add3A_0, %c0_i32, %c0_i32_1 : i32, i32, i32
  }
  func.func @transform_3(%arg0: i32) -> (i32, i32, i32) {
    %add3A = arith.constant 0 : i32
    %add3A_0 = arith.addi %arg0, %add3A : i32
    %c0_i32 = arith.constant 0 : i32
    %c0_i32_1 = arith.constant 0 : i32
    %c0_i32_2 = arith.constant 0 : i32
    return %add3A_0, %c0_i32, %c0_i32_1 : i32, i32, i32
  }
}

module attributes {stable_mosaic.version = 14 : i64} {
  func.func @body(%arg0: i32, %arg1: memref<1x64x1024xf32, #tpu.memory_space<vmem>>, %arg2: memref<1x64x1024xf32, #tpu.memory_space<vmem>>, %arg3: memref<257x64x1024xf32, #tpu.memory_space<any>>, %arg4: memref<257x64x1024xf32, #tpu.memory_space<any>>, %arg5: memref<1x64x1024xf32, #tpu.memory_space<vmem>>, %arg6: memref<1x64x1024xf32, #tpu.memory_space<vmem>>) attributes {dimension_semantics = [#tpu.dimension_semantics<arbitrary>], iteration_bounds = array<i64: 113>, scalar_prefetch = 0 : i64, scratch_operands = 0 : i64, tpu.core_type = #tpu.core_type<tc>, window_params = [{transform_indices = @transform_0, window_bounds = array<i64: 1, 64, 1024>}, {transform_indices = @transform_1, window_bounds = array<i64: 1, 64, 1024>}, {}, {}, {transform_indices = @transform_4, window_bounds = array<i64: 1, 64, 1024>}, {transform_indices = @transform_5, window_bounds = array<i64: 1, 64, 1024>}]} {
    %get3A = arith.constant 0 : index
    %get3A_0 = arith.constant 0 : index
    %get3A_1 = arith.constant 0 : index
    %get3A_2 = vector.load %arg2[%get3A, %get3A_0, %get3A_1] : memref<1x64x1024xf32, #tpu.memory_space<vmem>>, vector<1x64x1024xf32>
    %get3A_3 = arith.constant 0 : index
    %get3A_4 = arith.constant 0 : index
    %get3A_5 = arith.constant 0 : index
    %get3A_6 = vector.load %arg1[%get3A_3, %get3A_4, %get3A_5] : memref<1x64x1024xf32, #tpu.memory_space<vmem>>, vector<1x64x1024xf32>
    %add3A = arith.addf %get3A_6, %get3A_2 : vector<1x64x1024xf32>
    %swap3A = arith.constant 0 : index
    %swap3A_7 = arith.constant 0 : index
    %swap3A_8 = arith.constant 0 : index
    %swap3A_9 = vector.load %arg5[%swap3A, %swap3A_7, %swap3A_8] : memref<1x64x1024xf32, #tpu.memory_space<vmem>>, vector<1x64x1024xf32>
    tpu.vector_store %arg5[%swap3A, %swap3A_7, %swap3A_8], %add3A {strides = array<i32>} : memref<1x64x1024xf32, #tpu.memory_space<vmem>>, vector<1x64x1024xf32>,
    %swap3A_10 = arith.constant 0 : index
    %swap3A_11 = arith.constant 0 : index
    %swap3A_12 = arith.constant 0 : index
    %swap3A_13 = vector.load %arg6[%swap3A_10, %swap3A_11, %swap3A_12] : memref<1x64x1024xf32, #tpu.memory_space<vmem>>, vector<1x64x1024xf32>
    tpu.vector_store %arg6[%swap3A_10, %swap3A_11, %swap3A_12], %get3A_2 {strides = array<i32>} : memref<1x64x1024xf32, #tpu.memory_space<vmem>>, vector<1x64x1024xf32>,
    return
  }
  func.func @transform_0(%arg0: i32) -> (i32, i32, i32) {
    %add3A = arith.constant 144 : i32
    %add3A_0 = arith.addi %arg0, %add3A : i32
    %c0_i32 = arith.constant 0 : i32
    %c0_i32_1 = arith.constant 0 : i32
    %c0_i32_2 = arith.constant 0 : i32
    return %add3A_0, %c0_i32, %c0_i32_1 : i32, i32, i32
  }
  func.func @transform_1(%arg0: i32) -> (i32, i32, i32) {
    %c0_i32 = arith.constant 0 : i32
    %c0_i32_0 = arith.constant 0 : i32
    %c0_i32_1 = arith.constant 0 : i32
    return %arg0, %c0_i32, %c0_i32_0 : i32, i32, i32
  }
  func.func @transform_4(%arg0: i32) -> (i32, i32, i32) {
    %add3A = arith.constant 144 : i32
    %add3A_0 = arith.addi %arg0, %add3A : i32
    %c0_i32 = arith.constant 0 : i32
    %c0_i32_1 = arith.constant 0 : i32
    %c0_i32_2 = arith.constant 0 : i32
    return %add3A_0, %c0_i32, %c0_i32_1 : i32, i32, i32
  }
  func.func @transform_5(%arg0: i32) -> (i32, i32, i32) {
    %add3A = arith.constant 144 : i32
    %add3A_0 = arith.addi %arg0, %add3A : i32
    %c0_i32 = arith.constant 0 : i32
    %c0_i32_1 = arith.constant 0 : i32
    %c0_i32_2 = arith.constant 0 : i32
    return %add3A_0, %c0_i32, %c0_i32_1 : i32, i32, i32
  }
}

</mosaic_0001>

<sc_bundles>
// kernel: kernel.6.cloned.1.call-start
scs
__scs_entry_jumppad:
0x0: {  	(pc) =	sbr.rel $0x88, $3  }
0x1: {  	(tag) =	ssettag $0x0;
	lr =	simm.s32 $0x1  }
0x2: {  	[smem:$0x3F9E] =	sst lr;
	_ =	strace $0xD0000000  }
0x3: {  	_ = 	snop  }
0x4: {  	_ = 	snop  }
0x5: {  	_ = 	snop  }
0x6: {  	_ = 	snop  }
0x7: {  	_ = 	snop  }
__scs_overlays_trampoline_lowered:
0x8: {  	[smem:$0x3FAD] =	sst s0  }
0x9: {  	[smem:$0x3FAE] =	sst s1  }
0xa: {  	[smem:$0x3FAF] =	sst s2  }
0xb: {  	[smem:$0x3FB0] =	sst s3  }
0xc: {  	[smem:$0x3FB1] =	sst s4  }
0xd: {  	[smem:$0x3FB2] =	sst s5  }
0xe: {  	[smem:$0x3FB3] =	sst s6  }
0xf: {  	[smem:$0x3FB4] =	sst s7  }
0x10: {  	[smem:$0x3FB5] =	sst s8  }
0x11: {  	[smem:$0x3FB6] =	sst s9;
	s0 =	simm.s32 @!p0 $0x0  }
0x12: {  	s1 =	sld [smem:$0x3F9C];
	s0 =	simm.s32 @p0 $0x1  }
0x13: {  	[smem:$0x3FB7] =	sst s0;
	s0 =	simm.s32 @!p1 $0x0  }
0x14: {  	s2 =	sld [smem:$0x3F9B];
	s0 =	simm.s32 @p1 $0x1  }
0x15: {  	[smem:$0x3FB8] =	sst s0;
	s0 =	simm.s32 @!p2 $0x0  }
0x16: {  	s3 =	sld [smem:$0x3FDB];
	s0 =	simm.s32 @p2 $0x1  }
0x17: {  	s4 =	simm.s32 $0x1BF5;
	[smem:$0x3FBA] =	sst s0  }
0x18: {  	s0 =	sld [smem:$0x3F9D];
	_ =	swait.ge [sflag:s4], $0x0  }
0x19: {  	s7 =	sld [smem:$0x3F9E]  }
0x1a: {  	s8 =	sadd.s32 $0xFFFFE003, lr  }
0x1b: {  	s9 =	sadd.s32 $0xFFFFFEF7, lr;
	s5 =	simm.s32 $0xFFFFFFFF;
	p2 =	slt.u32 s8, $0xFFFFF086  }
0x1c: {  	p1 =	slt.u32 s9, $0xF7A;
	s5 =	simm.s32 @!p2 $0x0  }
0x1d: {  	s5 =	simm.s32 @p1 $0x1;
	p0 =	seq.s32 s7, s2  }
0x1e: {  	s7 =	smul.u32 @!p0 $0xF7A, s2;
	p2 =	seq.s32 @!p0 s5, $0x0  }
0x1f: {  	s9 =	smul.u32 $0xF7A, s1;
	s8 =	simm.s32 @!p0 $0x1BF5;
	p2 =	por !p2, p0  }
0x20: {  	[sflag:s8] =	ssyncset.s32 @!p0 $0xFFFFF086;
	s6 =	sadd.s32 @!p0 s3, s7;
	s7 =	simm.s32 @!p0 $0x108  }
0x21: {  	s3 =	sadd.s32 s3, s9;
	s6 =	sadd.s32 @!p0 $0x88, s6;
	s7 =	simm.s32 @p2 $0x1082  }
0x22: {  	[simem:s7], [sflag:s8] =	dma.local @!p0 [hbm:s6], $0xF7A  }
0x23: {  	s9 =	sor.u32 $0xD0000000, s2;
	s6 =	simm.s32 $0x108;
	_ =	swait.ge @!p0 [sflag:s8], $0x0  }
0x24: {  	s3 =	sadd.s32 $0x88, s3;
	s6 =	simm.s32 @!p1 $0x1082;
	[sflag:s4] =	ssyncset.s32 $0xFFFFF086  }
0x25: {  	[simem:s6], [sflag:s4] =	dma.local [hbm:s3], $0xF7A  }
0x26: {  	[smem:$0x3F9E] =	sst s1;
	(tag) =	ssettag s2;
	_ =	strace s9  }
0x27: {  	s1 =	sld [smem:$0x3FAE]  }
0x28: {  	s2 =	sld [smem:$0x3FAF]  }
0x29: {  	s4 =	sld [smem:$0x3FB1]  }
0x2a: {  	p0 =	seq.s32 s5, $0x0;
	s5 =	sld [smem:$0x3FB2]  }
0x2b: {  	s6 =	sld [smem:$0x3FB3]  }
0x2c: {  	s7 =	sld [smem:$0x3FB4]  }
0x2d: {  	s3 =	simm.s32 $0x108;
	s8 =	sld [smem:$0x3FB5]  }
0x2e: {  	s3 =	simm.s32 @!p0 $0x1082;
	s9 =	sld [smem:$0x3FB6]  }
0x2f: {  	lr =	sadd.s32 s0, s3;
	s0 =	sld [smem:$0x3FAD]  }
0x30: {  	s3 =	sld [smem:$0x3FB0]  }
0x31: {  	[smem:$0x3FB9] =	sst s10  }
0x32: {  	s10 =	sld [smem:$0x3FB7];
	_ =	sdelay $0x3  }
0x33: {  	p0 =	seq.s32 s10, $0x1;
	s10 =	sld [smem:$0x3FB9];
	_ =	sdelay $0x3  }
0x34: {  	[smem:$0x3FB9] =	sst s10  }
0x35: {  	s10 =	sld [smem:$0x3FB8];
	_ =	sdelay $0x3  }
0x36: {  	p1 =	seq.s32 s10, $0x1;
	s10 =	sld [smem:$0x3FB9];
	_ =	sdelay $0x3  }
0x37: {  	[smem:$0x3FB9] =	sst s10  }
0x38: {  	s10 =	sld [smem:$0x3FBA]  }
0x39: {  	_ = 	snop;
	(pc) =	sbr.ind lr, $3  }
0x3a: {  	_ = 	snop  }
0x3b: {  	_ = 	snop  }
0x3c: {  	p2 =	seq.s32 s10, $0x1;
	s10 =	sld [smem:$0x3FB9]  }
0x3d: {  	_ =	shalt  }
0x3e: {  	_ =	shalt  }
0x3f: {  	_ =	shalt  }
0x40: {  	_ =	shalt  }
0x41: {  	_ =	shalt  }
0x42: {  	_ =	shalt  }
0x43: {  	_ =	shalt  }
0x44: {  	_ =	shalt  }
0x45: {  	_ =	shalt  }
0x46: {  	_ =	shalt  }
0x47: {  	_ =	shalt  }
0x48: {  	_ =	shalt  }
0x49: {  	_ =	shalt  }
0x4a: {  	_ =	shalt  }
0x4b: {  	_ =	shalt  }
0x4c: {  	_ =	shalt  }
0x4d: {  	_ =	shalt  }
0x4e: {  	_ =	shalt  }
0x4f: {  	_ =	shalt  }
0x50: {  	_ =	shalt  }
0x51: {  	_ =	shalt  }
0x52: {  	_ =	shalt  }
0x53: {  	_ =	shalt  }
0x54: {  	_ =	shalt  }
0x55: {  	_ =	shalt  }
0x56: {  	_ =	shalt  }
0x57: {  	_ =	shalt  }
0x58: {  	_ =	shalt  }
0x59: {  	_ =	shalt  }
0x5a: {  	_ =	shalt  }
0x5b: {  	_ =	shalt  }
0x5c: {  	_ =	shalt  }
0x5d: {  	_ =	shalt  }
0x5e: {  	_ =	shalt  }
0x5f: {  	_ =	shalt  }
0x60: {  	_ =	shalt  }
0x61: {  	_ =	shalt  }
0x62: {  	_ =	shalt  }
0x63: {  	_ =	shalt  }
0x64: {  	_ =	shalt  }
0x65: {  	_ =	shalt  }
0x66: {  	_ =	shalt  }
0x67: {  	_ =	shalt  }
0x68: {  	_ =	shalt  }
0x69: {  	_ =	shalt  }
0x6a: {  	_ =	shalt  }
0x6b: {  	_ =	shalt  }
0x6c: {  	_ =	shalt  }
0x6d: {  	_ =	shalt  }
0x6e: {  	_ =	shalt  }
0x6f: {  	_ =	shalt  }
0x70: {  	_ =	shalt  }
0x71: {  	_ =	shalt  }
0x72: {  	_ =	shalt  }
0x73: {  	_ =	shalt  }
0x74: {  	_ =	shalt  }
0x75: {  	_ =	shalt  }
0x76: {  	_ =	shalt  }
0x77: {  	_ =	shalt  }
0x78: {  	_ =	shalt  }
0x79: {  	_ =	shalt  }
0x7a: {  	_ =	shalt  }
0x7b: {  	_ =	shalt  }
0x7c: {  	_ =	shalt  }
0x7d: {  	_ =	shalt  }
0x7e: {  	_ =	shalt  }
0x7f: {  	_ =	shalt  }
0x80: {  	_ =	shalt  }
0x81: {  	_ =	shalt  }
0x82: {  	_ =	shalt  }
0x83: {  	_ =	shalt  }
0x84: {  	_ =	shalt  }
0x85: {  	_ =	shalt  }
0x86: {  	_ =	shalt  }
0x87: {  	_ =	shalt  }
.Lfunc_end0:
.L_simem_size_0:
called_computation_lowered:
.L_overlay_start_0:
0x88: {  	s2 =	sld [smem:$0x3FD9]  }
0x89: {  	s3 =	sld [smem:$0x3FFE];
	_ =	sdelay $0x1  }
0x8a: {  	s1 =	srdreg.scid  }
0x8b: {  	s0 =	sand.u32 $0x1, s1  }
0x8c: {  	s14 =	sshll.u32 s0, $0xA;
	s2 =	sadd.s32 s3, s2  }
0x8d: {  	s2 =	sadd.s32 s2, s14  }
0x8e: {  	[smem:$0x3FC5] =	sst s2  }
0x8f: {  	_ = 	snop  }
0x90: {  	s2 =	sld [smem:$0x3FD0];
	_ =	sdelay $0x2  }
0x91: {  	s15 =	simm.s32 $0xB;
	s4 =	simm.s32 $0x10  }
0x92: {  	[smem:s4], [sflag:s15] =	dma.local [hbm:s2], $0x1  }
0x93: {  	_ =	swait.eq [sflag:s15], $0x1  }
0x94: {  	[sflag:s15] =	ssyncset.done $0x0  }
0x95: {  	s16 =	sld [smem:$0x10];
	[sflag:s15] =	ssyncadd.s32 $0xFFFFFFFF  }
0x96: {  	s17 =	sld [smem:$0x11];
	(tm) =	ssettm $0x1  }
0x97: {  	s18 =	sld [smem:$0x3FFB];
	_ =	sdelay $0x3  }
0x98: {  	_ =	strace s18  }
0x99: {  	s4 =	sld [smem:$0x3FFC];
	_ =	sdelay $0x3  }
0x9a: {  	_ =	strace s4  }
0x9b: {  	s4 =	sld [smem:$0x3FFD];
	_ =	sdelay $0x3  }
0x9c: {  	_ =	strace s4  }
0x9d: {  	_ =	strace $0x8FFFFFFF  }
0x9e: {  	s19 =	sld [smem:$0x3FDB];
	_ =	sdelay $0x1  }
0x9f: {  	s5 =	simm.s32 $_scs_section_size  }
0xa0: {  	s6 =	simm.s32 $_size__tile_overlayer_lowered;
	s7 =	simm.s32 $_tile_overlayer_lowered  }
0xa1: {  	s22 =	simm.s32 $0x1BFF;
	s21 =	sshll.u32 s7, $0x1;
	s4 =	sadd.s32 s5, s19  }
0xa2: {  	s8 =	simm.s32 $0x0;
	s20 =	sshll.u32 s6, $0x1;
	s6 =	sadd.s32 s21, s4  }
0xa3: {  	[timem:s8], [sflag:s22] =	dma.local [hbm:s6], s20  }
0xa4: {  	_ =	swait.ge [sflag:s22], s20  }
0xa5: {  	s5 =	ssub.s32 $0x0, s20;
	[sflag:s22] =	ssyncset.done $0x0  }
0xa6: {  	[sflag:s22] =	ssyncadd.s32 s5;
	_ =	sdelay $0x1  }
0xa7: {  	s23 =	simm.s32 $0x1B8B  }
0xa8: {  	_ =	swait.ge [sflag:s23], $0x1  }
0xa9: {  	[sflag:s23] =	ssyncset.done $0x0  }
0xaa: {  	s25 =	simm.s32 $0x1B8E;
	s24 =	sld [smem:$0x3FFE];
	[sflag:s23] =	ssyncadd.s32 $0xFFFFFFFF  }
0xab: {  	s26 =	simm.s32 $execute0_lowered;
	[smem:$0x3FD2] =	sst s25  }
0xac: {  	s6 =	sshll.u32 s26, $0x1;
	_ =	strace $0x80000046;
	[dreg:$0x1] =	wrdreg $0xFFFFFFFF  }
0xad: {  	s28 =	simm.s32 $_size_execute0_lowered;
	s4 =	sadd.s32 s4, s6;
	[dreg:$0x0] =	wrdreg $0x0  }
0xae: {  	s6 =	sshll.u32 s28, $0x1;
	[dreg:$0x2] =	wrdreg s4  }
0xaf: {  	[dreg:$0x3] =	wrdreg s6  }
0xb0: {  	[dreg:$0x4] =	wrdreg $0xC0  }
0xb1: {  	_ =	task [dreg:s8], $0x5FFFF  }
0xb2: {  	[dreg:$0x1] =	wrdreg $0xFFFFFFFF  }
0xb3: {  	[dreg:$0x0] =	wrdreg $0x60  }
0xb4: {  	[dreg:$0x2] =	wrdreg s17  }
0xb5: {  	[dreg:$0x3] =	wrdreg s16  }
0xb6: {  	[dreg:$0x4] =	wrdreg s24  }
0xb7: {  	[dreg:$0x5] =	wrdreg $0x9  }
0xb8: {  	_ =	task.clear_ibuf [dreg:s8], $0x6FFFF;
	_ =	strace $0x90000046  }
0xb9: {  	s29 =	simm.s32 $0x9;
	_ =	strace $0x80000048  }
0xba: {  	_ =	swait.ge [sflag:s29], $0x1  }
0xbb: {  	[sflag:s29] =	ssyncadd.s32 $0xFFFFFFFF  }
0xbc: {  	_ =	strace $0x90000048  }
0xbd: {  	_ =	sfence  }
0xbe: {  	s30 =	sld [smem:$0x0];
	_ =	sdelay $0x2  }
0xbf: {  	s31 =	sshll.u32 s1, $0xD;
	s1 =	sshrl.u32 s1, $0x2  }
0xc0: {  	s3 =	sand.u32 $0x4000, s31;
	s1 =	sadd.s32 s1, s30  }
0xc1: {  	s0 =	sor.u32 s3, s0;
	s1 =	sshll.u32 s1, $0x11  }
0xc2: {  	s0 =	sor.u32 s1, s0  }
0xc3: {  	s0 =	sadd.s32 $0x8F2B, s0  }
0xc4: {  	[sflag:s0] =	ssyncadd.remote.s32 $0x1  }
0xc5: {  	_ =	sfence.sel $0xFFFF  }
0xc6: {  	[dreg:$0x0] =	wrdreg $0xFFFFFFFF;
	(pc) =	sbr.abs _section_cstart, $3  }
0xc7: {  	[dreg:$0x1] =	wrdreg $0xFFFFFFFF  }
0xc8: {  	_ =	task.clear_ibuf [dreg:s8], $0x2FFFF;
	_ =	strace $0x9FFFFFFF  }
0xc9: {  	(tm) =	ssettm $0x7FFFFFFF  }
tec
execute0_lowered:
.L_overlay_start_1:
0x0: {  	(tag) =	ssettag $0x1  }
0x1: {  	s2 =	rddreg [dreg:$0x0]  }
0x2: {  	s0 =	rddreg [dreg:$0x1]  }
0x3: {  	s1 =	rddreg [dreg:$0x2];
	s9 =	stileid.u32  }
0x4: {  	s4 =	srdreg.scid;
	s3 =	simm.s32 $0x0;
	s15 =	simm.s32 $0x9  }
0x5: {  	s16 =	simm.s32 $0x200;
	s18 =	simm.s32 $0xD200;
	s28 =	simm.s32 $0x2000  }
0x6: {  	s29 =	simm.s32 $0x2;
	s30 =	simm.s32 $0x5;
	s31 =	simm.s32 $0x6  }
0x7: {  	s4 =	sand.u32 $0x1, s4;
	s5 =	sshll.u32 s9, $0x1;
	[smem:$0x7FF] =	sst s3  }
0x8: {  	s7 =	sshll.u32 s9, $0xE;
	s22 =	sshll.u32 s9, $0x4;
	s10 =	sor.u32 s4, s5  }
0x9: {  	_ =	strace $0x80000047;
	s19 =	ssub.s32 $0x2, s4;
	s1 =	sadd.s32 s7, s1  }
0xa: {  	s23 =	sshll.u32 s4, $0xD;
	s4 =	sshll.u32 s4, $0x3;
	s6 =	sshll.u32 s10, $0x3  }
0xb: {  	s8 =	sshrl.u32 s19, $0x1;
	s1 =	sadd.s32 s23, s1;
	s24 =	sor.u32 $0x60, s10  }
0xc: {  	s25 =	sor.u32 $0x20, s10;
	[dreg:$0x4] =	wrdreg s10;
	s26 =	sor.u32 $0x40, s10  }
0xd: {  	s23 =	simm.s32 $0xFA00;
	s6 =	sadd.s32 s0, s6;
	[dreg:$0xb] =	wrdreg s24  }
0xe: {  	s5 =	ssub.s32 s19, s8;
	s0 =	sadd.s32 s22, s0;
	[dreg:$0xd] =	wrdreg s25  }
0xf: {  	s1 =	sadd.s32 $0xE7E00, s1;
	[dreg:$0xe] =	wrdreg s26;
	s25 =	simm.s32 $0x4200  }
0x10: {  	s19 =	simm.s32 $0xDA00;
	s22 =	simm.s32 $0xF200;
	[dreg:$0x5] =	wrdreg s6  }
0x11: {  	s24 =	simm.s32 $0x1;
	s20 =	sadd.s32 $0x100, s6;
	[dreg:$0xa] =	wrdreg s1  }
.Ltmp0:
0x12: {  	s21 =	sadd.s32 $0x200, s6;
	[dreg:$0x6] =	wrdreg s20;
	(pc) =	sbr.rel .LBB2_1-.Ltmp0, $4  }
0x13: {  	s26 =	simm.s32 $0x800;
	s6 =	sadd.s32 $0x300, s6;
	[dreg:$0x7] =	wrdreg s21  }
0x14: {  	v2 =	vlaneseq.u32;
	s5 =	smax.u32 s5, $0x1;
	s0 =	sadd.s32 s4, s0;
	[dreg:$0x8] =	wrdreg s6  }
0x15: {  	vm0 =	vmmov $0xffff;
	v1 =	vshrl.u32 v2, $0x3;
	s1 =	simm.s32 $0x0;
	[dreg:$0x9] =	wrdreg s5;
	s0 =	sadd.s32 $0x700, s0  }
0x16: {  	v0 =	vand.u32 $0x7, v2;
	v2 =	vor.u32 $0x8, v2;
	v1 =	vmul.u32 $0x8, v1;
	s20 =	simm.s32 $0xE200;
	s21 =	simm.s32 $0xEA00;
	[dreg:$0xc] =	wrdreg s0  }
.LBB2_10:
0x17: {  	s1 =	rddreg [dreg:$0xf]  }
0x18: {  	s0 =	rddreg [dreg:$0x9];
	s1 =	sadd.s32 $0x1, s1  }
0x19: {  	p0 =	sne.s32 s1, s0  }
.Ltmp1:
0x1a: {  	_ = 	snop;
	(pc) =	sbr.rel @!p0 .LBB2_11-.Ltmp1, $1  }
0x1b: {  	_ =	sdelay $0x3  }
.LBB2_1:
0x1c: {  	[dreg:$0xf] =	wrdreg s1  }
0x1d: {  	s0 =	rddreg [dreg:$0x5]  }
0x1e: {  	[tilespmem:s3], [sflag:$0x9] =	stream.linear.gather [hbm4b:s0+s3], $0x40, $0x38;
	[tilespmem:$0x10200] =	vst v63  }
0x1f: {  	_ =	swait.ge [sflag:s15], $0x40  }
0x20: {  	[sflag:s15] =	ssyncset.done $0x0  }
0x21: {  	[sflag:s15] =	ssyncadd.s32 $0xFFFFFFC0  }
0x22: {  	v3 =	vld [tilespmem:$0x0];
	_ =	sdelay $0x4  }
0x23: {  	v4 =	vshll.u32 v3, $0x1  }
0x24: {  	v3 =	vand.u32 $0x7, v3;
	v4 =	vand.u32 $0xFFFFFFF0, v4  }
0x25: {  	v3 =	vor.u32 v3, v4  }
0x26: {  	v4 =	vperm.xlane v3, v0;
	_ =	sdelay $0x1  }
0x27: {  	v3 =	vperm.xlane v3, v2;
	v4 =	vadd.s32 v1, v4;
	_ =	sdelay $0x1  }
0x28: {  	v3 =	vadd.s32 v1, v3;
	_ =	sdelay $0x2  }
0x29: {  	[tilespmem:s16], [sflag:$0x1] =	stream.indirect_vreg.gather [hbm4b:s2+s3], $0x80, v4, vm0, $0xb8;
	[tilespmem:$0x10200] =	vst v63  }
0x2a: {  	s11 =	simm.s32 $0xA00  }
0x2b: {  	[tilespmem:s11], [sflag:$0x1] =	stream.indirect_vreg.gather [hbm4b:s2+s3], $0x80, v3, vm0, $0xb8;
	[tilespmem:$0x10200] =	vst v63  }
0x2c: {  	v3 =	vld [tilespmem:$0x10];
	_ =	sdelay $0x4  }
0x2d: {  	v49 =	vshll.u32 v3, $0x1  }
0x2e: {  	v3 =	vand.u32 $0x7, v3;
	v4 =	vand.u32 $0xFFFFFFF0, v49  }
0x2f: {  	v3 =	vor.u32 v3, v4  }
0x30: {  	v4 =	vperm.xlane v3, v0;
	_ =	sdelay $0x1  }
0x31: {  	v3 =	vperm.xlane v3, v2;
	v4 =	vadd.s32 v1, v4;
	_ =	sdelay $0x1  }
0x32: {  	v3 =	vadd.s32 v1, v3;
	_ =	sdelay $0x1  }
0x33: {  	s12 =	simm.s32 $0x1200  }
0x34: {  	[tilespmem:s12], [sflag:$0x1] =	stream.indirect_vreg.gather [hbm4b:s2+s3], $0x80, v4, vm0, $0xb8;
	[tilespmem:$0x10200] =	vst v63  }
0x35: {  	s13 =	simm.s32 $0x1A00  }
0x36: {  	[tilespmem:s13], [sflag:$0x1] =	stream.indirect_vreg.gather [hbm4b:s2+s3], $0x80, v3, vm0, $0xb8;
	[tilespmem:$0x10200] =	vst v63  }
0x37: {  	v3 =	vld [tilespmem:$0x20];
	_ =	sdelay $0x4  }
0x38: {  	v50 =	vshll.u32 v3, $0x1  }
0x39: {  	v3 =	vand.u32 $0x7, v3;
	v4 =	vand.u32 $0xFFFFFFF0, v50  }
0x3a: {  	v3 =	vor.u32 v3, v4  }
0x3b: {  	v4 =	vperm.xlane v3, v0;
	_ =	sdelay $0x1  }
0x3c: {  	v3 =	vperm.xlane v3, v2;
	v4 =	vadd.s32 v1, v4;
	_ =	sdelay $0x1  }
0x3d: {  	v3 =	vadd.s32 v1, v3;
	_ =	sdelay $0x1  }
0x3e: {  	s14 =	simm.s32 $0x2200  }
0x3f: {  	[tilespmem:s14], [sflag:$0x1] =	stream.indirect_vreg.gather [hbm4b:s2+s3], $0x80, v4, vm0, $0xb8;
	[tilespmem:$0x10200] =	vst v63  }
0x40: {  	s17 =	simm.s32 $0x2A00  }
0x41: {  	[tilespmem:s17], [sflag:$0x1] =	stream.indirect_vreg.gather [hbm4b:s2+s3], $0x80, v3, vm0, $0xb8;
	[tilespmem:$0x10200] =	vst v63  }
0x42: {  	v3 =	vld [tilespmem:$0x30];
	_ =	sdelay $0x4  }
0x43: {  	v51 =	vshll.u32 v3, $0x1  }
0x44: {  	v3 =	vand.u32 $0x7, v3;
	v4 =	vand.u32 $0xFFFFFFF0, v51  }
0x45: {  	v3 =	vor.u32 v3, v4  }
0x46: {  	v4 =	vperm.xlane v3, v0;
	_ =	sdelay $0x1  }
0x47: {  	v3 =	vperm.xlane v3, v2;
	v4 =	vadd.s32 v1, v4;
	_ =	sdelay $0x1  }
0x48: {  	v3 =	vadd.s32 v1, v3;
	_ =	sdelay $0x1  }
0x49: {  	s1 =	simm.s32 $0x3200  }
0x4a: {  	[tilespmem:s1], [sflag:$0x1] =	stream.indirect_vreg.gather [hbm4b:s2+s3], $0x80, v4, vm0, $0xb8;
	[tilespmem:$0x10200] =	vst v63  }
0x4b: {  	s4 =	simm.s32 $0x3A00  }
0x4c: {  	[tilespmem:s4], [sflag:$0x1] =	stream.indirect_vreg.gather [hbm4b:s2+s3], $0x80, v3, vm0, $0xb8;
	[tilespmem:$0x10200] =	vst v63  }
0x4d: {  	s6 =	simm.s32 $0x80;
	s5 =	rddreg [dreg:$0x6]  }
0x4e: {  	[tilespmem:s6], [sflag:$0x9] =	stream.linear.gather [hbm4b:s5+s3], $0x40, $0x38;
	[tilespmem:$0x10200] =	vst v63  }
0x4f: {  	_ =	swait.ge [sflag:s15], $0x40  }
0x50: {  	[sflag:s15] =	ssyncset.done $0x0  }
0x51: {  	[sflag:s15] =	ssyncadd.s32 $0xFFFFFFC0  }
0x52: {  	v3 =	vld [tilespmem:$0x80];
	_ =	sdelay $0x4  }
0x53: {  	v52 =	vshll.u32 v3, $0x1  }
0x54: {  	v3 =	vand.u32 $0x7, v3;
	v4 =	vand.u32 $0xFFFFFFF0, v52  }
0x55: {  	v3 =	vor.u32 v3, v4  }
0x56: {  	v4 =	vperm.xlane v3, v0;
	_ =	sdelay $0x1  }
0x57: {  	v3 =	vperm.xlane v3, v2;
	v4 =	vadd.s32 v1, v4;
	_ =	sdelay $0x1  }
0x58: {  	v3 =	vadd.s32 v1, v3;
	_ =	sdelay $0x2  }
0x59: {  	[tilespmem:s25], [sflag:$0x2] =	stream.indirect_vreg.gather [hbm4b:s2+s3], $0x80, v4, vm0, $0xb8;
	[tilespmem:$0x10200] =	vst v63  }
0x5a: {  	s7 =	simm.s32 $0x4A00  }
0x5b: {  	[tilespmem:s7], [sflag:$0x2] =	stream.indirect_vreg.gather [hbm4b:s2+s3], $0x80, v3, vm0, $0xb8;
	[tilespmem:$0x10200] =	vst v63  }
0x5c: {  	v3 =	vld [tilespmem:$0x90];
	_ =	sdelay $0x4  }
0x5d: {  	v53 =	vshll.u32 v3, $0x1  }
0x5e: {  	v3 =	vand.u32 $0x7, v3;
	v4 =	vand.u32 $0xFFFFFFF0, v53  }
0x5f: {  	v3 =	vor.u32 v3, v4  }
0x60: {  	v4 =	vperm.xlane v3, v0;
	_ =	sdelay $0x1  }
0x61: {  	v3 =	vperm.xlane v3, v2;
	v4 =	vadd.s32 v1, v4;
	_ =	sdelay $0x1  }
0x62: {  	v3 =	vadd.s32 v1, v3;
	_ =	sdelay $0x1  }
0x63: {  	s8 =	simm.s32 $0x5200  }
0x64: {  	[tilespmem:s8], [sflag:$0x2] =	stream.indirect_vreg.gather [hbm4b:s2+s3], $0x80, v4, vm0, $0xb8;
	[tilespmem:$0x10200] =	vst v63  }
0x65: {  	s9 =	simm.s32 $0x5A00  }
0x66: {  	[tilespmem:s9], [sflag:$0x2] =	stream.indirect_vreg.gather [hbm4b:s2+s3], $0x80, v3, vm0, $0xb8;
	[tilespmem:$0x10200] =	vst v63  }
0x67: {  	v3 =	vld [tilespmem:$0xA0];
	_ =	sdelay $0x4  }
0x68: {  	v54 =	vshll.u32 v3, $0x1  }
0x69: {  	v3 =	vand.u32 $0x7, v3;
	v4 =	vand.u32 $0xFFFFFFF0, v54  }
0x6a: {  	v3 =	vor.u32 v3, v4  }
0x6b: {  	v4 =	vperm.xlane v3, v0;
	_ =	sdelay $0x1  }
0x6c: {  	v3 =	vperm.xlane v3, v2;
	v4 =	vadd.s32 v1, v4;
	_ =	sdelay $0x1  }
0x6d: {  	v3 =	vadd.s32 v1, v3;
	_ =	sdelay $0x1  }
0x6e: {  	s10 =	simm.s32 $0x6200  }
0x6f: {  	[tilespmem:s10], [sflag:$0x2] =	stream.indirect_vreg.gather [hbm4b:s2+s3], $0x80, v4, vm0, $0xb8;
	[tilespmem:$0x10200] =	vst v63  }
0x70: {  	s11 =	simm.s32 $0x6A00  }
0x71: {  	[tilespmem:s11], [sflag:$0x2] =	stream.indirect_vreg.gather [hbm4b:s2+s3], $0x80, v3, vm0, $0xb8;
	[tilespmem:$0x10200] =	vst v63  }
0x72: {  	v3 =	vld [tilespmem:$0xB0];
	_ =	sdelay $0x4  }
0x73: {  	v55 =	vshll.u32 v3, $0x1  }
0x74: {  	v3 =	vand.u32 $0x7, v3;
	v4 =	vand.u32 $0xFFFFFFF0, v55  }
0x75: {  	v3 =	vor.u32 v3, v4  }
0x76: {  	v4 =	vperm.xlane v3, v0;
	_ =	sdelay $0x1  }
0x77: {  	v3 =	vperm.xlane v3, v2;
	v4 =	vadd.s32 v1, v4;
	_ =	sdelay $0x1  }
0x78: {  	v3 =	vadd.s32 v1, v3;
	_ =	sdelay $0x1  }
0x79: {  	s12 =	simm.s32 $0x7200  }
0x7a: {  	[tilespmem:s12], [sflag:$0x2] =	stream.indirect_vreg.gather [hbm4b:s2+s3], $0x80, v4, vm0, $0xb8;
	[tilespmem:$0x10200] =	vst v63  }
0x7b: {  	s13 =	simm.s32 $0x7A00  }
0x7c: {  	[tilespmem:s13], [sflag:$0x2] =	stream.indirect_vreg.gather [hbm4b:s2+s3], $0x80, v3, vm0, $0xb8;
	[tilespmem:$0x10200] =	vst v63  }
0x7d: {  	s17 =	simm.s32 $0x100;
	s14 =	rddreg [dreg:$0x7]  }
0x7e: {  	[tilespmem:s17], [sflag:$0x9] =	stream.linear.gather [hbm4b:s14+s3], $0x40, $0x38;
	[tilespmem:$0x10200] =	vst v63  }
0x7f: {  	_ =	swait.ge [sflag:s15], $0x40  }
0x80: {  	[sflag:s15] =	ssyncset.done $0x0  }
0x81: {  	[sflag:s15] =	ssyncadd.s32 $0xFFFFFFC0  }
0x82: {  	v3 =	vld [tilespmem:$0x100];
	_ =	sdelay $0x4  }
0x83: {  	v56 =	vshll.u32 v3, $0x1  }
0x84: {  	v3 =	vand.u32 $0x7, v3;
	v4 =	vand.u32 $0xFFFFFFF0, v56  }
0x85: {  	v3 =	vor.u32 v3, v4  }
0x86: {  	v4 =	vperm.xlane v3, v0;
	_ =	sdelay $0x1  }
0x87: {  	v3 =	vperm.xlane v3, v2;
	v4 =	vadd.s32 v1, v4;
	_ =	sdelay $0x1  }
0x88: {  	v3 =	vadd.s32 v1, v3;
	_ =	sdelay $0x1  }
0x89: {  	s4 =	simm.s32 $0x8200  }
0x8a: {  	[tilespmem:s4], [sflag:$0x3] =	stream.indirect_vreg.gather [hbm4b:s2+s3], $0x80, v4, vm0, $0xb8;
	[tilespmem:$0x10200] =	vst v63  }
0x8b: {  	s5 =	simm.s32 $0x8A00  }
0x8c: {  	[tilespmem:s5], [sflag:$0x3] =	stream.indirect_vreg.gather [hbm4b:s2+s3], $0x80, v3, vm0, $0xb8;
	[tilespmem:$0x10200] =	vst v63  }
0x8d: {  	v3 =	vld [tilespmem:$0x110];
	_ =	sdelay $0x4  }
0x8e: {  	v57 =	vshll.u32 v3, $0x1  }
0x8f: {  	v3 =	vand.u32 $0x7, v3;
	v4 =	vand.u32 $0xFFFFFFF0, v57  }
0x90: {  	v3 =	vor.u32 v3, v4  }
0x91: {  	v4 =	vperm.xlane v3, v0;
	_ =	sdelay $0x1  }
0x92: {  	v3 =	vperm.xlane v3, v2;
	v4 =	vadd.s32 v1, v4;
	_ =	sdelay $0x1  }
0x93: {  	v3 =	vadd.s32 v1, v3;
	_ =	sdelay $0x1  }
0x94: {  	s6 =	simm.s32 $0x9200  }
0x95: {  	[tilespmem:s6], [sflag:$0x3] =	stream.indirect_vreg.gather [hbm4b:s2+s3], $0x80, v4, vm0, $0xb8;
	[tilespmem:$0x10200] =	vst v63  }
0x96: {  	s7 =	simm.s32 $0x9A00  }
0x97: {  	[tilespmem:s7], [sflag:$0x3] =	stream.indirect_vreg.gather [hbm4b:s2+s3], $0x80, v3, vm0, $0xb8;
	[tilespmem:$0x10200] =	vst v63  }
0x98: {  	v3 =	vld [tilespmem:$0x120];
	_ =	sdelay $0x4  }
0x99: {  	v58 =	vshll.u32 v3, $0x1  }
0x9a: {  	v3 =	vand.u32 $0x7, v3;
	v4 =	vand.u32 $0xFFFFFFF0, v58  }
0x9b: {  	v3 =	vor.u32 v3, v4  }
0x9c: {  	v4 =	vperm.xlane v3, v0;
	_ =	sdelay $0x1  }
0x9d: {  	v3 =	vperm.xlane v3, v2;
	v4 =	vadd.s32 v1, v4;
	_ =	sdelay $0x1  }
0x9e: {  	v3 =	vadd.s32 v1, v3;
	_ =	sdelay $0x1  }
0x9f: {  	s8 =	simm.s32 $0xA200  }
0xa0: {  	[tilespmem:s8], [sflag:$0x3] =	stream.indirect_vreg.gather [hbm4b:s2+s3], $0x80, v4, vm0, $0xb8;
	[tilespmem:$0x10200] =	vst v63  }
0xa1: {  	s9 =	simm.s32 $0xAA00  }
0xa2: {  	[tilespmem:s9], [sflag:$0x3] =	stream.indirect_vreg.gather [hbm4b:s2+s3], $0x80, v3, vm0, $0xb8;
	[tilespmem:$0x10200] =	vst v63  }
0xa3: {  	v3 =	vld [tilespmem:$0x130];
	_ =	sdelay $0x4  }
0xa4: {  	v59 =	vshll.u32 v3, $0x1  }
0xa5: {  	v3 =	vand.u32 $0x7, v3;
	v4 =	vand.u32 $0xFFFFFFF0, v59  }
0xa6: {  	v3 =	vor.u32 v3, v4  }
0xa7: {  	v4 =	vperm.xlane v3, v0;
	_ =	sdelay $0x1  }
0xa8: {  	v3 =	vperm.xlane v3, v2;
	v4 =	vadd.s32 v1, v4;
	_ =	sdelay $0x1  }
0xa9: {  	v3 =	vadd.s32 v1, v3;
	_ =	sdelay $0x1  }
0xaa: {  	s10 =	simm.s32 $0xB200  }
0xab: {  	[tilespmem:s10], [sflag:$0x3] =	stream.indirect_vreg.gather [hbm4b:s2+s3], $0x80, v4, vm0, $0xb8;
	[tilespmem:$0x10200] =	vst v63  }
0xac: {  	s11 =	simm.s32 $0xBA00  }
0xad: {  	[tilespmem:s11], [sflag:$0x3] =	stream.indirect_vreg.gather [hbm4b:s2+s3], $0x80, v3, vm0, $0xb8;
	[tilespmem:$0x10200] =	vst v63  }
0xae: {  	s13 =	simm.s32 $0x180;
	s12 =	rddreg [dreg:$0x8]  }
0xaf: {  	[tilespmem:s13], [sflag:$0x9] =	stream.linear.gather [hbm4b:s12+s3], $0x40, $0x38;
	[tilespmem:$0x10200] =	vst v63  }
0xb0: {  	_ =	swait.ge [sflag:s15], $0x40  }
0xb1: {  	[sflag:s15] =	ssyncset.done $0x0  }
0xb2: {  	[sflag:s15] =	ssyncadd.s32 $0xFFFFFFC0  }
0xb3: {  	v3 =	vld [tilespmem:$0x180];
	_ =	sdelay $0x4  }
0xb4: {  	v60 =	vshll.u32 v3, $0x1  }
0xb5: {  	v3 =	vand.u32 $0x7, v3;
	v4 =	vand.u32 $0xFFFFFFF0, v60  }
0xb6: {  	v3 =	vor.u32 v3, v4  }
0xb7: {  	v4 =	vperm.xlane v3, v0;
	_ =	sdelay $0x1  }
0xb8: {  	v3 =	vperm.xlane v3, v2;
	v4 =	vadd.s32 v1, v4;
	_ =	sdelay $0x1  }
0xb9: {  	v3 =	vadd.s32 v1, v3;
	_ =	sdelay $0x1  }
0xba: {  	s14 =	simm.s32 $0xC200  }
0xbb: {  	[tilespmem:s14], [sflag:$0x4] =	stream.indirect_vreg.gather [hbm4b:s2+s3], $0x80, v4, vm0, $0xb8;
	[tilespmem:$0x10200] =	vst v63  }
0xbc: {  	s17 =	simm.s32 $0xCA00  }
0xbd: {  	[tilespmem:s17], [sflag:$0x4] =	stream.indirect_vreg.gather [hbm4b:s2+s3], $0x80, v3, vm0, $0xb8;
	[tilespmem:$0x10200] =	vst v63  }
0xbe: {  	v3 =	vld [tilespmem:$0x190];
	_ =	sdelay $0x4  }
0xbf: {  	v61 =	vshll.u32 v3, $0x1  }
0xc0: {  	v3 =	vand.u32 $0x7, v3;
	v4 =	vand.u32 $0xFFFFFFF0, v61  }
0xc1: {  	v3 =	vor.u32 v3, v4  }
0xc2: {  	v4 =	vperm.xlane v3, v0;
	_ =	sdelay $0x1  }
0xc3: {  	v3 =	vperm.xlane v3, v2;
	v4 =	vadd.s32 v1, v4;
	_ =	sdelay $0x1  }
0xc4: {  	v3 =	vadd.s32 v1, v3;
	_ =	sdelay $0x2  }
0xc5: {  	[tilespmem:s18], [sflag:$0x4] =	stream.indirect_vreg.gather [hbm4b:s2+s3], $0x80, v4, vm0, $0xb8;
	[tilespmem:$0x10200] =	vst v63  }
0xc6: {  	_ = 	snop  }
0xc7: {  	[tilespmem:s19], [sflag:$0x4] =	stream.indirect_vreg.gather [hbm4b:s2+s3], $0x80, v3, vm0, $0xb8;
	[tilespmem:$0x10200] =	vst v63  }
0xc8: {  	v3 =	vld [tilespmem:$0x1A0];
	_ =	sdelay $0x4  }
0xc9: {  	v62 =	vshll.u32 v3, $0x1  }
0xca: {  	v3 =	vand.u32 $0x7, v3;
	v4 =	vand.u32 $0xFFFFFFF0, v62  }
0xcb: {  	v3 =	vor.u32 v3, v4  }
0xcc: {  	v4 =	vperm.xlane v3, v0;
	_ =	sdelay $0x1  }
0xcd: {  	v3 =	vperm.xlane v3, v2;
	v4 =	vadd.s32 v1, v4;
	_ =	sdelay $0x1  }
0xce: {  	v3 =	vadd.s32 v1, v3;
	_ =	sdelay $0x2  }
0xcf: {  	[tilespmem:s20], [sflag:$0x4] =	stream.indirect_vreg.gather [hbm4b:s2+s3], $0x80, v4, vm0, $0xb8;
	[tilespmem:$0x10200] =	vst v63  }
0xd0: {  	_ = 	snop  }
0xd1: {  	[tilespmem:s21], [sflag:$0x4] =	stream.indirect_vreg.gather [hbm4b:s2+s3], $0x80, v3, vm0, $0xb8;
	[tilespmem:$0x10200] =	vst v63  }
0xd2: {  	v3 =	vld [tilespmem:$0x1B0];
	_ =	sdelay $0x4  }
0xd3: {  	v63 =	vshll.u32 v3, $0x1  }
0xd4: {  	v3 =	vand.u32 $0x7, v3;
	v4 =	vand.u32 $0xFFFFFFF0, v63  }
0xd5: {  	v3 =	vor.u32 v3, v4  }
0xd6: {  	v4 =	vperm.xlane v3, v0;
	_ =	sdelay $0x1  }
0xd7: {  	s1 =	rddreg [dreg:$0xe];
	v3 =	vperm.xlane v3, v2;
	v4 =	vadd.s32 v1, v4  }
0xd8: {  	s6 =	rddreg [dreg:$0x4]  }
0xd9: {  	s7 =	rddreg [dreg:$0xd];
	v3 =	vadd.s32 v1, v3  }
.Ltmp2:
0xda: {  	s8 =	rddreg [dreg:$0xc];
	(pc) =	sbr.rel .LBB2_2-.Ltmp2, $4  }
0xdb: {  	s0 =	simm.s32 $0x2;
	s9 =	rddreg [dreg:$0xb]  }
0xdc: {  	[tilespmem:s22], [sflag:$0x4] =	stream.indirect_vreg.gather [hbm4b:s2+s3], $0x80, v4, vm0, $0xb8;
	[tilespmem:$0x10200] =	vst v63  }
0xdd: {  	s11 =	simm.s32 $0x0;
	s12 =	simm.s32 $0x0;
	s10 =	rddreg [dreg:$0xa]  }
0xde: {  	[tilespmem:s23], [sflag:$0x4] =	stream.indirect_vreg.gather [hbm4b:s2+s3], $0x80, v3, vm0, $0xb8;
	[tilespmem:$0x10200] =	vst v63  }
.LBB2_9:
0xdf: {  	s11 =	sadd.s32 $0x80, s11  }
0xe0: {  	p0 =	sne.s32 s11, $0x280  }
.Ltmp3:
0xe1: {  	_ = 	snop;
	(pc) =	sbr.rel @!p0 .LBB2_10-.Ltmp3, $4  }
0xe2: {  	_ = 	snop  }
0xe3: {  	s12 =	sadd.s32 $0x1, s12;
	s10 =	sadd.s32 $0x100000, s10  }
0xe4: {  	s9 =	sadd.s32 $0x80, s9;
	s8 =	sadd.s32 $0x400, s8;
	s7 =	sadd.s32 $0x80, s7  }
0xe5: {  	s6 =	sadd.s32 $0x80, s6;
	s1 =	sadd.s32 $0x80, s1;
	s0 =	sadd.s32 $0x4, s0  }
.LBB2_2:
0xe6: {  	s13 =	smulhi.u32 $0x38E38E39, s6;
	_ =	sdelay $0x1  }
0xe7: {  	s14 =	smulhi.u32 $0x38E38E39, s7;
	s13 =	sshrl.u32 s13, $0x5  }
0xe8: {  	s13 =	smul.u32 $0xFFEE0100, s13  }
0xe9: {  	_ =	swait.ge [sflag:s24], $0x4000;
	s5 =	smulhi.u32 $0x38E38E39, s1  }
0xea: {  	[sflag:s24] =	ssyncset.done $0x0;
	s14 =	sshrl.u32 s14, $0x5;
	s13 =	sadd.s32 s13, s10  }
0xeb: {  	[sflag:s24] =	ssyncadd.s32 $0xFFFFC000;
	s14 =	smul.u32 $0xFFEE0100, s14;
	s13 =	sadd.s32 $0xFFF40000, s13  }
0xec: {  	[hbm4b:s13+s26] =	stream.strided.scatter [tilespmem:s16], [sflag:$0x5], $0x4000, s28, s26, $0x38;
	[tilespmem:$0x10200] =	vst v63  }
0xed: {  	p0 =	sgt.u32 s0, $0x11;
	_ =	swait.ge [sflag:s29], $0x4000  }
0xee: {  	s17 =	sshrl.u32 s5, $0x5;
	s4 =	sadd.s32 s14, s10;
	[sflag:s29] =	ssyncset.done $0x0  }
0xef: {  	s5 =	smulhi.u32 $0x38E38E39, s9;
	s13 =	sadd.s32 $0xFFF80000, s4;
	[sflag:s29] =	ssyncadd.s32 $0xFFFFC000  }
0xf0: {  	[hbm4b:s13+s26] =	stream.strided.scatter [tilespmem:s25], [sflag:$0x6], $0x4000, s28, s26, $0x38;
	[tilespmem:$0x10200] =	vst v63  }
0xf1: {  	s14 =	simm.s32 @!p0 $0x3;
	s13 =	smul.u32 $0xFFEE0100, s17  }
0xf2: {  	s5 =	sshrl.u32 s5, $0x5;
	s4 =	simm.s32 @!p0 $0x2000;
	_ =	swait.ge @!p0 [sflag:s14], $0x4000  }
0xf3: {  	s17 =	simm.s32 @!p0 $0x8200;
	[sflag:s14] =	ssyncset.done @!p0 $0x0;
	s13 =	sadd.s32 @!p0 s13, s10  }
0xf4: {  	[sflag:s14] =	ssyncadd.s32 @!p0 $0xFFFFC000;
	s13 =	sadd.s32 @!p0 $0xFFFC0000, s13;
	s14 =	simm.s32 @!p0 $0x800  }
0xf5: {  	[hbm4b:s13+s14] =	stream.strided.scatter @!p0 [tilespmem:s17], [sflag:$0x7], $0x4000, s4, s14, $0x38;
	[tilespmem:$0x10200] =	vst v63  }
0xf6: {  	s5 =	smul.u32 $0xFFEE0100, s5;
	s13 =	simm.s32 @!p0 $0x4  }
0xf7: {  	_ =	swait.ge @!p0 [sflag:s13], $0x4000  }
0xf8: {  	p1 =	sne.s32 s11, $0x200;
	s5 =	sadd.s32 @!p0 s5, s10;
	[sflag:s13] =	ssyncset.done @!p0 $0x0  }
.Ltmp4:
0xf9: {  	[sflag:s13] =	ssyncadd.s32 @!p0 $0xFFFFC000;
	s13 =	simm.s32 @!p0 $0xC200;
	(pc) =	sbr.rel @p1 .LBB2_4-.Ltmp4, $4  }
0xfa: {  	[hbm4b:s5+s14] =	stream.strided.scatter @!p0 [tilespmem:s13], [sflag:$0x8], $0x4000, s4, s14, $0x38;
	[tilespmem:$0x10200] =	vst v63  }
0xfb: {  	_ =	swait.ge [sflag:s30], $0x4000  }
0xfc: {  	[sflag:s30] =	ssyncset.done $0x0  }
0xfd: {  	[sflag:s30] =	ssyncadd.s32 $0xFFFFC000  }
.Ltmp5:
0xfe: {  	(pc) =	sbr.rel .LBB2_5-.Ltmp5, $4  }
0xff: {  	_ = 	snop  }
0x100: {  	_ =	swait.ge [sflag:s31], $0x4000  }
0x101: {  	[sflag:s31] =	ssyncset.done $0x0  }
0x102: {  	[sflag:s31] =	ssyncadd.s32 $0xFFFFC000  }
.LBB2_4:
0x103: {  	s4 =	sadd.s32 $0xFFFFFD00, s8  }
0x104: {  	[tilespmem:s3], [sflag:$0x9] =	stream.linear.gather [hbm4b:s4+s3], $0x40, $0x38;
	[tilespmem:$0x10200] =	vst v63  }
0x105: {  	_ =	swait.ge [sflag:s15], $0x40  }
0x106: {  	[sflag:s15] =	ssyncset.done $0x0  }
0x107: {  	[sflag:s15] =	ssyncadd.s32 $0xFFFFFFC0  }
0x108: {  	v3 =	vld [tilespmem:$0x0];
	_ =	sdelay $0x4  }
0x109: {  	v4 =	vshll.u32 v3, $0x1  }
0x10a: {  	v3 =	vand.u32 $0x7, v3;
	v4 =	vand.u32 $0xFFFFFFF0, v4  }
0x10b: {  	v3 =	vor.u32 v3, v4  }
0x10c: {  	v4 =	vperm.xlane v3, v0;
	_ =	sdelay $0x1  }
0x10d: {  	v3 =	vperm.xlane v3, v2;
	v4 =	vadd.s32 v1, v4;
	_ =	sdelay $0x1  }
0x10e: {  	v3 =	vadd.s32 v1, v3;
	_ =	sdelay $0x2  }
0x10f: {  	[tilespmem:s16], [sflag:$0x1] =	stream.indirect_vreg.gather [hbm4b:s2+s3], $0x80, v4, vm0, $0xb8;
	[tilespmem:$0x10200] =	vst v63  }
0x110: {  	s5 =	simm.s32 $0xA00  }
0x111: {  	[tilespmem:s5], [sflag:$0x1] =	stream.indirect_vreg.gather [hbm4b:s2+s3], $0x80, v3, vm0, $0xb8;
	[tilespmem:$0x10200] =	vst v63  }
0x112: {  	v3 =	vld [tilespmem:$0x10];
	_ =	sdelay $0x4  }
0x113: {  	v57 =	vshll.u32 v3, $0x1  }
0x114: {  	v3 =	vand.u32 $0x7, v3;
	v4 =	vand.u32 $0xFFFFFFF0, v57  }
0x115: {  	v3 =	vor.u32 v3, v4  }
0x116: {  	v4 =	vperm.xlane v3, v0;
	_ =	sdelay $0x1  }
0x117: {  	v3 =	vperm.xlane v3, v2;
	v4 =	vadd.s32 v1, v4;
	_ =	sdelay $0x1  }
0x118: {  	v3 =	vadd.s32 v1, v3;
	_ =	sdelay $0x1  }
0x119: {  	s13 =	simm.s32 $0x1200  }
0x11a: {  	[tilespmem:s13], [sflag:$0x1] =	stream.indirect_vreg.gather [hbm4b:s2+s3], $0x80, v4, vm0, $0xb8;
	[tilespmem:$0x10200] =	vst v63  }
0x11b: {  	s14 =	simm.s32 $0x1A00  }
0x11c: {  	[tilespmem:s14], [sflag:$0x1] =	stream.indirect_vreg.gather [hbm4b:s2+s3], $0x80, v3, vm0, $0xb8;
	[tilespmem:$0x10200] =	vst v63  }
0x11d: {  	v3 =	vld [tilespmem:$0x20];
	_ =	sdelay $0x4  }
0x11e: {  	v58 =	vshll.u32 v3, $0x1  }
0x11f: {  	v3 =	vand.u32 $0x7, v3;
	v4 =	vand.u32 $0xFFFFFFF0, v58  }
0x120: {  	v3 =	vor.u32 v3, v4  }
0x121: {  	v4 =	vperm.xlane v3, v0;
	_ =	sdelay $0x1  }
0x122: {  	v3 =	vperm.xlane v3, v2;
	v4 =	vadd.s32 v1, v4;
	_ =	sdelay $0x1  }
0x123: {  	v3 =	vadd.s32 v1, v3;
	_ =	sdelay $0x1  }
0x124: {  	s17 =	simm.s32 $0x2200  }
0x125: {  	[tilespmem:s17], [sflag:$0x1] =	stream.indirect_vreg.gather [hbm4b:s2+s3], $0x80, v4, vm0, $0xb8;
	[tilespmem:$0x10200] =	vst v63  }
0x126: {  	s5 =	simm.s32 $0x2A00  }
0x127: {  	[tilespmem:s5], [sflag:$0x1] =	stream.indirect_vreg.gather [hbm4b:s2+s3], $0x80, v3, vm0, $0xb8;
	[tilespmem:$0x10200] =	vst v63  }
0x128: {  	v3 =	vld [tilespmem:$0x30];
	_ =	sdelay $0x4  }
0x129: {  	v59 =	vshll.u32 v3, $0x1  }
0x12a: {  	v3 =	vand.u32 $0x7, v3;
	v4 =	vand.u32 $0xFFFFFFF0, v59  }
0x12b: {  	v3 =	vor.u32 v3, v4  }
0x12c: {  	v4 =	vperm.xlane v3, v0;
	_ =	sdelay $0x1  }
0x12d: {  	v3 =	vperm.xlane v3, v2;
	v4 =	vadd.s32 v1, v4;
	_ =	sdelay $0x1  }
0x12e: {  	v3 =	vadd.s32 v1, v3;
	_ =	sdelay $0x1  }
0x12f: {  	s13 =	simm.s32 $0x3200  }
0x130: {  	[tilespmem:s13], [sflag:$0x1] =	stream.indirect_vreg.gather [hbm4b:s2+s3], $0x80, v4, vm0, $0xb8;
	[tilespmem:$0x10200] =	vst v63  }
0x131: {  	s14 =	simm.s32 $0x3A00  }
0x132: {  	[tilespmem:s14], [sflag:$0x1] =	stream.indirect_vreg.gather [hbm4b:s2+s3], $0x80, v3, vm0, $0xb8;
	[tilespmem:$0x10200] =	vst v63  }
0x133: {  	_ =	swait.ge [sflag:s31], $0x4000  }
0x134: {  	[sflag:s31] =	ssyncset.done $0x0  }
0x135: {  	s17 =	sadd.s32 $0xFFFFFE00, s8;
	s5 =	simm.s32 $0x80;
	[sflag:s31] =	ssyncadd.s32 $0xFFFFC000  }
0x136: {  	[tilespmem:s5], [sflag:$0x9] =	stream.linear.gather [hbm4b:s17+s3], $0x40, $0x38;
	[tilespmem:$0x10200] =	vst v63  }
0x137: {  	_ =	swait.ge [sflag:s15], $0x40  }
0x138: {  	[sflag:s15] =	ssyncset.done $0x0  }
0x139: {  	[sflag:s15] =	ssyncadd.s32 $0xFFFFFFC0  }
0x13a: {  	v3 =	vld [tilespmem:$0x80];
	_ =	sdelay $0x4  }
0x13b: {  	v60 =	vshll.u32 v3, $0x1  }
0x13c: {  	v3 =	vand.u32 $0x7, v3;
	v4 =	vand.u32 $0xFFFFFFF0, v60  }
0x13d: {  	v3 =	vor.u32 v3, v4  }
0x13e: {  	v4 =	vperm.xlane v3, v0;
	_ =	sdelay $0x1  }
0x13f: {  	v3 =	vperm.xlane v3, v2;
	v4 =	vadd.s32 v1, v4;
	_ =	sdelay $0x1  }
0x140: {  	v3 =	vadd.s32 v1, v3;
	_ =	sdelay $0x2  }
0x141: {  	[tilespmem:s25], [sflag:$0x2] =	stream.indirect_vreg.gather [hbm4b:s2+s3], $0x80, v4, vm0, $0xb8;
	[tilespmem:$0x10200] =	vst v63  }
0x142: {  	s13 =	simm.s32 $0x4A00  }
0x143: {  	[tilespmem:s13], [sflag:$0x2] =	stream.indirect_vreg.gather [hbm4b:s2+s3], $0x80, v3, vm0, $0xb8;
	[tilespmem:$0x10200] =	vst v63  }
0x144: {  	v3 =	vld [tilespmem:$0x90];
	_ =	sdelay $0x4  }
0x145: {  	v61 =	vshll.u32 v3, $0x1  }
0x146: {  	v3 =	vand.u32 $0x7, v3;
	v4 =	vand.u32 $0xFFFFFFF0, v61  }
0x147: {  	v3 =	vor.u32 v3, v4  }
0x148: {  	v4 =	vperm.xlane v3, v0;
	_ =	sdelay $0x1  }
0x149: {  	v3 =	vperm.xlane v3, v2;
	v4 =	vadd.s32 v1, v4;
	_ =	sdelay $0x1  }
0x14a: {  	v3 =	vadd.s32 v1, v3;
	_ =	sdelay $0x1  }
0x14b: {  	s14 =	simm.s32 $0x5200  }
0x14c: {  	[tilespmem:s14], [sflag:$0x2] =	stream.indirect_vreg.gather [hbm4b:s2+s3], $0x80, v4, vm0, $0xb8;
	[tilespmem:$0x10200] =	vst v63  }
0x14d: {  	s17 =	simm.s32 $0x5A00  }
0x14e: {  	[tilespmem:s17], [sflag:$0x2] =	stream.indirect_vreg.gather [hbm4b:s2+s3], $0x80, v3, vm0, $0xb8;
	[tilespmem:$0x10200] =	vst v63  }
0x14f: {  	v3 =	vld [tilespmem:$0xA0];
	_ =	sdelay $0x4  }
0x150: {  	v62 =	vshll.u32 v3, $0x1  }
0x151: {  	v3 =	vand.u32 $0x7, v3;
	v4 =	vand.u32 $0xFFFFFFF0, v62  }
0x152: {  	v3 =	vor.u32 v3, v4  }
0x153: {  	v4 =	vperm.xlane v3, v0;
	_ =	sdelay $0x1  }
0x154: {  	v3 =	vperm.xlane v3, v2;
	v4 =	vadd.s32 v1, v4;
	_ =	sdelay $0x1  }
0x155: {  	v3 =	vadd.s32 v1, v3;
	_ =	sdelay $0x1  }
0x156: {  	s5 =	simm.s32 $0x6200  }
0x157: {  	[tilespmem:s5], [sflag:$0x2] =	stream.indirect_vreg.gather [hbm4b:s2+s3], $0x80, v4, vm0, $0xb8;
	[tilespmem:$0x10200] =	vst v63  }
0x158: {  	s13 =	simm.s32 $0x6A00  }
0x159: {  	[tilespmem:s13], [sflag:$0x2] =	stream.indirect_vreg.gather [hbm4b:s2+s3], $0x80, v3, vm0, $0xb8;
	[tilespmem:$0x10200] =	vst v63  }
0x15a: {  	v3 =	vld [tilespmem:$0xB0];
	_ =	sdelay $0x4  }
0x15b: {  	v63 =	vshll.u32 v3, $0x1  }
0x15c: {  	v3 =	vand.u32 $0x7, v3;
	v4 =	vand.u32 $0xFFFFFFF0, v63  }
0x15d: {  	v3 =	vor.u32 v3, v4  }
0x15e: {  	v4 =	vperm.xlane v3, v0;
	_ =	sdelay $0x1  }
0x15f: {  	v3 =	vperm.xlane v3, v2;
	v4 =	vadd.s32 v1, v4;
	_ =	sdelay $0x1  }
0x160: {  	v3 =	vadd.s32 v1, v3;
	_ =	sdelay $0x1  }
0x161: {  	s14 =	simm.s32 $0x7200  }
0x162: {  	[tilespmem:s14], [sflag:$0x2] =	stream.indirect_vreg.gather [hbm4b:s2+s3], $0x80, v4, vm0, $0xb8;
	[tilespmem:$0x10200] =	vst v63  }
0x163: {  	s17 =	simm.s32 $0x7A00  }
0x164: {  	[tilespmem:s17], [sflag:$0x2] =	stream.indirect_vreg.gather [hbm4b:s2+s3], $0x80, v3, vm0, $0xb8;
	[tilespmem:$0x10200] =	vst v63  }
.LBB2_5:
0x165: {  	p1 =	sgt.u32 s12, $0x2  }
.Ltmp6:
0x166: {  	_ = 	snop;
	(pc) =	sbr.rel @p1 .LBB2_7-.Ltmp6, $4  }
0x167: {  	s4 =	simm.s32 @!p0 $0x7  }
0x168: {  	_ =	swait.ge @!p0 [sflag:s4], $0x4000  }
0x169: {  	[sflag:s4] =	ssyncset.done @!p0 $0x0  }
0x16a: {  	[sflag:s4] =	ssyncadd.s32 @!p0 $0xFFFFC000  }
0x16b: {  	s4 =	sadd.s32 $0xFFFFFF00, s8;
	s5 =	simm.s32 $0x100  }
0x16c: {  	[tilespmem:s5], [sflag:$0x9] =	stream.linear.gather [hbm4b:s4+s3], $0x40, $0x38;
	[tilespmem:$0x10200] =	vst v63  }
0x16d: {  	_ =	swait.ge [sflag:s15], $0x40  }
0x16e: {  	[sflag:s15] =	ssyncset.done $0x0  }
0x16f: {  	[sflag:s15] =	ssyncadd.s32 $0xFFFFFFC0  }
0x170: {  	v3 =	vld [tilespmem:$0x100];
	_ =	sdelay $0x4  }
0x171: {  	v4 =	vshll.u32 v3, $0x1  }
0x172: {  	v3 =	vand.u32 $0x7, v3;
	v4 =	vand.u32 $0xFFFFFFF0, v4  }
0x173: {  	v3 =	vor.u32 v3, v4  }
0x174: {  	v4 =	vperm.xlane v3, v0;
	_ =	sdelay $0x1  }
0x175: {  	v3 =	vperm.xlane v3, v2;
	v4 =	vadd.s32 v1, v4;
	_ =	sdelay $0x1  }
0x176: {  	v3 =	vadd.s32 v1, v3;
	_ =	sdelay $0x1  }
0x177: {  	s5 =	simm.s32 $0x8200  }
0x178: {  	[tilespmem:s5], [sflag:$0x3] =	stream.indirect_vreg.gather [hbm4b:s2+s3], $0x80, v4, vm0, $0xb8;
	[tilespmem:$0x10200] =	vst v63  }
0x179: {  	s13 =	simm.s32 $0x8A00  }
0x17a: {  	[tilespmem:s13], [sflag:$0x3] =	stream.indirect_vreg.gather [hbm4b:s2+s3], $0x80, v3, vm0, $0xb8;
	[tilespmem:$0x10200] =	vst v63  }
0x17b: {  	v3 =	vld [tilespmem:$0x110];
	_ =	sdelay $0x4  }
0x17c: {  	v61 =	vshll.u32 v3, $0x1  }
0x17d: {  	v3 =	vand.u32 $0x7, v3;
	v4 =	vand.u32 $0xFFFFFFF0, v61  }
0x17e: {  	v3 =	vor.u32 v3, v4  }
0x17f: {  	v4 =	vperm.xlane v3, v0;
	_ =	sdelay $0x1  }
0x180: {  	v3 =	vperm.xlane v3, v2;
	v4 =	vadd.s32 v1, v4;
	_ =	sdelay $0x1  }
0x181: {  	v3 =	vadd.s32 v1, v3;
	_ =	sdelay $0x1  }
0x182: {  	s14 =	simm.s32 $0x9200  }
0x183: {  	[tilespmem:s14], [sflag:$0x3] =	stream.indirect_vreg.gather [hbm4b:s2+s3], $0x80, v4, vm0, $0xb8;
	[tilespmem:$0x10200] =	vst v63  }
0x184: {  	s17 =	simm.s32 $0x9A00  }
0x185: {  	[tilespmem:s17], [sflag:$0x3] =	stream.indirect_vreg.gather [hbm4b:s2+s3], $0x80, v3, vm0, $0xb8;
	[tilespmem:$0x10200] =	vst v63  }
0x186: {  	v3 =	vld [tilespmem:$0x120];
	_ =	sdelay $0x4  }
0x187: {  	v62 =	vshll.u32 v3, $0x1  }
0x188: {  	v3 =	vand.u32 $0x7, v3;
	v4 =	vand.u32 $0xFFFFFFF0, v62  }
0x189: {  	v3 =	vor.u32 v3, v4  }
0x18a: {  	v4 =	vperm.xlane v3, v0;
	_ =	sdelay $0x1  }
0x18b: {  	v3 =	vperm.xlane v3, v2;
	v4 =	vadd.s32 v1, v4;
	_ =	sdelay $0x1  }
0x18c: {  	v3 =	vadd.s32 v1, v3;
	_ =	sdelay $0x1  }
0x18d: {  	s5 =	simm.s32 $0xA200  }
0x18e: {  	[tilespmem:s5], [sflag:$0x3] =	stream.indirect_vreg.gather [hbm4b:s2+s3], $0x80, v4, vm0, $0xb8;
	[tilespmem:$0x10200] =	vst v63  }
0x18f: {  	s13 =	simm.s32 $0xAA00  }
0x190: {  	[tilespmem:s13], [sflag:$0x3] =	stream.indirect_vreg.gather [hbm4b:s2+s3], $0x80, v3, vm0, $0xb8;
	[tilespmem:$0x10200] =	vst v63  }
0x191: {  	v3 =	vld [tilespmem:$0x130];
	_ =	sdelay $0x4  }
0x192: {  	v63 =	vshll.u32 v3, $0x1  }
0x193: {  	v3 =	vand.u32 $0x7, v3;
	v4 =	vand.u32 $0xFFFFFFF0, v63  }
0x194: {  	v3 =	vor.u32 v3, v4  }
0x195: {  	v4 =	vperm.xlane v3, v0;
	_ =	sdelay $0x1  }
0x196: {  	v3 =	vperm.xlane v3, v2;
	v4 =	vadd.s32 v1, v4;
	_ =	sdelay $0x1  }
0x197: {  	v3 =	vadd.s32 v1, v3;
	_ =	sdelay $0x1  }
0x198: {  	s14 =	simm.s32 $0xB200  }
0x199: {  	[tilespmem:s14], [sflag:$0x3] =	stream.indirect_vreg.gather [hbm4b:s2+s3], $0x80, v4, vm0, $0xb8;
	[tilespmem:$0x10200] =	vst v63  }
0x19a: {  	s17 =	simm.s32 $0xBA00  }
0x19b: {  	[tilespmem:s17], [sflag:$0x3] =	stream.indirect_vreg.gather [hbm4b:s2+s3], $0x80, v3, vm0, $0xb8;
	[tilespmem:$0x10200] =	vst v63  }
.LBB2_7:
.Ltmp7:
0x19c: {  	(pc) =	sbr.rel @p1 .LBB2_9-.Ltmp7, $4  }
0x19d: {  	s4 =	simm.s32 @!p0 $0x8  }
0x19e: {  	_ =	swait.ge @!p0 [sflag:s4], $0x4000  }
0x19f: {  	[sflag:s4] =	ssyncset.done @!p0 $0x0  }
0x1a0: {  	[sflag:s4] =	ssyncadd.s32 @!p0 $0xFFFFC000  }
0x1a1: {  	s4 =	simm.s32 $0x180  }
0x1a2: {  	[tilespmem:s4], [sflag:$0x9] =	stream.linear.gather [hbm4b:s8+s3], $0x40, $0x38;
	[tilespmem:$0x10200] =	vst v63  }
0x1a3: {  	_ =	swait.ge [sflag:s15], $0x40  }
0x1a4: {  	[sflag:s15] =	ssyncset.done $0x0  }
0x1a5: {  	[sflag:s15] =	ssyncadd.s32 $0xFFFFFFC0  }
0x1a6: {  	v3 =	vld [tilespmem:$0x180];
	_ =	sdelay $0x4  }
0x1a7: {  	v4 =	vshll.u32 v3, $0x1  }
0x1a8: {  	v3 =	vand.u32 $0x7, v3;
	v4 =	vand.u32 $0xFFFFFFF0, v4  }
0x1a9: {  	v3 =	vor.u32 v3, v4  }
0x1aa: {  	v4 =	vperm.xlane v3, v0;
	_ =	sdelay $0x1  }
0x1ab: {  	v3 =	vperm.xlane v3, v2;
	v4 =	vadd.s32 v1, v4;
	_ =	sdelay $0x1  }
0x1ac: {  	v3 =	vadd.s32 v1, v3;
	_ =	sdelay $0x1  }
0x1ad: {  	s14 =	simm.s32 $0xC200  }
0x1ae: {  	[tilespmem:s14], [sflag:$0x4] =	stream.indirect_vreg.gather [hbm4b:s2+s3], $0x80, v4, vm0, $0xb8;
	[tilespmem:$0x10200] =	vst v63  }
0x1af: {  	s17 =	simm.s32 $0xCA00  }
0x1b0: {  	[tilespmem:s17], [sflag:$0x4] =	stream.indirect_vreg.gather [hbm4b:s2+s3], $0x80, v3, vm0, $0xb8;
	[tilespmem:$0x10200] =	vst v63  }
0x1b1: {  	v3 =	vld [tilespmem:$0x190];
	_ =	sdelay $0x4  }
0x1b2: {  	v61 =	vshll.u32 v3, $0x1  }
0x1b3: {  	v3 =	vand.u32 $0x7, v3;
	v4 =	vand.u32 $0xFFFFFFF0, v61  }
0x1b4: {  	v3 =	vor.u32 v3, v4  }
0x1b5: {  	v4 =	vperm.xlane v3, v0;
	_ =	sdelay $0x1  }
0x1b6: {  	v3 =	vperm.xlane v3, v2;
	v4 =	vadd.s32 v1, v4;
	_ =	sdelay $0x1  }
0x1b7: {  	v3 =	vadd.s32 v1, v3;
	_ =	sdelay $0x2  }
0x1b8: {  	[tilespmem:s18], [sflag:$0x4] =	stream.indirect_vreg.gather [hbm4b:s2+s3], $0x80, v4, vm0, $0xb8;
	[tilespmem:$0x10200] =	vst v63  }
0x1b9: {  	_ = 	snop  }
0x1ba: {  	[tilespmem:s19], [sflag:$0x4] =	stream.indirect_vreg.gather [hbm4b:s2+s3], $0x80, v3, vm0, $0xb8;
	[tilespmem:$0x10200] =	vst v63  }
0x1bb: {  	v3 =	vld [tilespmem:$0x1A0];
	_ =	sdelay $0x4  }
0x1bc: {  	v62 =	vshll.u32 v3, $0x1  }
0x1bd: {  	v3 =	vand.u32 $0x7, v3;
	v4 =	vand.u32 $0xFFFFFFF0, v62  }
0x1be: {  	v3 =	vor.u32 v3, v4  }
0x1bf: {  	v4 =	vperm.xlane v3, v0;
	_ =	sdelay $0x1  }
0x1c0: {  	v3 =	vperm.xlane v3, v2;
	v4 =	vadd.s32 v1, v4;
	_ =	sdelay $0x1  }
0x1c1: {  	v3 =	vadd.s32 v1, v3;
	_ =	sdelay $0x2  }
0x1c2: {  	[tilespmem:s20], [sflag:$0x4] =	stream.indirect_vreg.gather [hbm4b:s2+s3], $0x80, v4, vm0, $0xb8;
	[tilespmem:$0x10200] =	vst v63  }
0x1c3: {  	_ = 	snop  }
0x1c4: {  	[tilespmem:s21], [sflag:$0x4] =	stream.indirect_vreg.gather [hbm4b:s2+s3], $0x80, v3, vm0, $0xb8;
	[tilespmem:$0x10200] =	vst v63  }
0x1c5: {  	v3 =	vld [tilespmem:$0x1B0];
	_ =	sdelay $0x4  }
0x1c6: {  	v63 =	vshll.u32 v3, $0x1  }
0x1c7: {  	v3 =	vand.u32 $0x7, v3;
	v4 =	vand.u32 $0xFFFFFFF0, v63  }
0x1c8: {  	v3 =	vor.u32 v3, v4  }
0x1c9: {  	v4 =	vperm.xlane v3, v0;
	_ =	sdelay $0x1  }
0x1ca: {  	v3 =	vperm.xlane v3, v2;
	v4 =	vadd.s32 v1, v4;
	_ =	sdelay $0x1  }
0x1cb: {  	v3 =	vadd.s32 v1, v3  }
.Ltmp8:
0x1cc: {  	_ = 	snop;
	(pc) =	sbr.rel .LBB2_9-.Ltmp8, $4  }
0x1cd: {  	_ = 	snop  }
0x1ce: {  	[tilespmem:s22], [sflag:$0x4] =	stream.indirect_vreg.gather [hbm4b:s2+s3], $0x80, v4, vm0, $0xb8;
	[tilespmem:$0x10200] =	vst v63  }
0x1cf: {  	_ = 	snop  }
0x1d0: {  	[tilespmem:s23], [sflag:$0x4] =	stream.indirect_vreg.gather [hbm4b:s2+s3], $0x80, v3, vm0, $0xb8;
	[tilespmem:$0x10200] =	vst v63  }
.LBB2_11:
0x1d1: {  	_ =	sfence.sel $0x180000  }
0x1d2: {  	[bflag:$0x0] =	sbarrier.arrive $0xFFFF  }
0x1d3: {  	_ =	strace $0x90000047  }
0x1d4: {  	s0 =	stileid.u32;
	[bflag:$0x2] =	sbarrier.arrive $0xFFFF  }
0x1d5: {  	p0 =	sne.s32 s0, $0x0;
	s0 =	rddreg [dreg:$0x3]  }
0x1d6: {  	s0 =	sadd.s32 @!p0 $0x100000, s0  }
0x1d7: {  	[sflag:s0] =	ssyncadd.tile.s32 @!p0 $0x1;
	_ =	shalt  }
.Lfunc_end2:
_tile_overlayer_lowered:
.L_overlay_start_2:
0x1d8: {  	(tag) =	ssettag $0x2  }
0x1d9: {  	s0 =	rddreg [dreg:$0x0];
	s2 =	stileid.u32  }
0x1da: {  	s1 =	rddreg [dreg:$0x1];
	p0 =	sne.s32 s2, $0x0  }
0x1db: {  	s3 =	rddreg [dreg:$0x2];
	[bflag:$0x3] =	sbarrier.arrive $0xFFFF;
	s2 =	simm.s32 @!p0 $0x1C09  }
0x1dc: {  	[timem:s3], [sflag:s2] =	dma.local @!p0 [hbm:s0], s1  }
0x1dd: {  	s0 =	simm.s32 @!p0 $0x9  }
0x1de: {  	_ =	swait.ge @!p0 [sflag:s0], s1  }
0x1df: {  	s1 =	ssub.s32 @!p0 $0x0, s1;
	[sflag:s0] =	ssyncset.done @!p0 $0x0  }
0x1e0: {  	[sflag:s0] =	ssyncadd.s32 @!p0 s1  }
0x1e1: {  	[bflag:$0x3] =	sbarrier.arrive $0xFFFF  }
0x1e2: {  	_ =	shalt  }

// kernel: kernel.9.cloned.1.call-start
scs
__scs_entry_jumppad:
0x0: {  	(pc) =	sbr.rel $0x88, $3  }
0x1: {  	(tag) =	ssettag $0x0;
	lr =	simm.s32 $0x1  }
0x2: {  	[smem:$0x3F9E] =	sst lr;
	_ =	strace $0xD0000000  }
0x3: {  	_ = 	snop  }
0x4: {  	_ = 	snop  }
0x5: {  	_ = 	snop  }
0x6: {  	_ = 	snop  }
0x7: {  	_ = 	snop  }
__scs_overlays_trampoline_lowered:
0x8: {  	[smem:$0x3FAD] =	sst s0  }
0x9: {  	[smem:$0x3FAE] =	sst s1  }
0xa: {  	[smem:$0x3FAF] =	sst s2  }
0xb: {  	[smem:$0x3FB0] =	sst s3  }
0xc: {  	[smem:$0x3FB1] =	sst s4  }
0xd: {  	[smem:$0x3FB2] =	sst s5  }
0xe: {  	[smem:$0x3FB3] =	sst s6  }
0xf: {  	[smem:$0x3FB4] =	sst s7  }
0x10: {  	[smem:$0x3FB5] =	sst s8  }
0x11: {  	[smem:$0x3FB6] =	sst s9;
	s0 =	simm.s32 @!p0 $0x0  }
0x12: {  	s1 =	sld [smem:$0x3F9C];
	s0 =	simm.s32 @p0 $0x1  }
0x13: {  	[smem:$0x3FB7] =	sst s0;
	s0 =	simm.s32 @!p1 $0x0  }
0x14: {  	s2 =	sld [smem:$0x3F9B];
	s0 =	simm.s32 @p1 $0x1  }
0x15: {  	[smem:$0x3FB8] =	sst s0;
	s0 =	simm.s32 @!p2 $0x0  }
0x16: {  	s3 =	sld [smem:$0x3FDB];
	s0 =	simm.s32 @p2 $0x1  }
0x17: {  	s4 =	simm.s32 $0x1BF5;
	[smem:$0x3FBA] =	sst s0  }
0x18: {  	s0 =	sld [smem:$0x3F9D];
	_ =	swait.ge [sflag:s4], $0x0  }
0x19: {  	s7 =	sld [smem:$0x3F9E]  }
0x1a: {  	s8 =	sadd.s32 $0xFFFFE003, lr  }
0x1b: {  	s9 =	sadd.s32 $0xFFFFFEF7, lr;
	s5 =	simm.s32 $0xFFFFFFFF;
	p2 =	slt.u32 s8, $0xFFFFF086  }
0x1c: {  	p1 =	slt.u32 s9, $0xF7A;
	s5 =	simm.s32 @!p2 $0x0  }
0x1d: {  	s5 =	simm.s32 @p1 $0x1;
	p0 =	seq.s32 s7, s2  }
0x1e: {  	s7 =	smul.u32 @!p0 $0xF7A, s2;
	p2 =	seq.s32 @!p0 s5, $0x0  }
0x1f: {  	s9 =	smul.u32 $0xF7A, s1;
	s8 =	simm.s32 @!p0 $0x1BF5;
	p2 =	por !p2, p0  }
0x20: {  	[sflag:s8] =	ssyncset.s32 @!p0 $0xFFFFF086;
	s6 =	sadd.s32 @!p0 s3, s7;
	s7 =	simm.s32 @!p0 $0x108  }
0x21: {  	s3 =	sadd.s32 s3, s9;
	s6 =	sadd.s32 @!p0 $0x88, s6;
	s7 =	simm.s32 @p2 $0x1082  }
0x22: {  	[simem:s7], [sflag:s8] =	dma.local @!p0 [hbm:s6], $0xF7A  }
0x23: {  	s9 =	sor.u32 $0xD0000000, s2;
	s6 =	simm.s32 $0x108;
	_ =	swait.ge @!p0 [sflag:s8], $0x0  }
0x24: {  	s3 =	sadd.s32 $0x88, s3;
	s6 =	simm.s32 @!p1 $0x1082;
	[sflag:s4] =	ssyncset.s32 $0xFFFFF086  }
0x25: {  	[simem:s6], [sflag:s4] =	dma.local [hbm:s3], $0xF7A  }
0x26: {  	[smem:$0x3F9E] =	sst s1;
	(tag) =	ssettag s2;
	_ =	strace s9  }
0x27: {  	s1 =	sld [smem:$0x3FAE]  }
0x28: {  	s2 =	sld [smem:$0x3FAF]  }
0x29: {  	s4 =	sld [smem:$0x3FB1]  }
0x2a: {  	p0 =	seq.s32 s5, $0x0;
	s5 =	sld [smem:$0x3FB2]  }
0x2b: {  	s6 =	sld [smem:$0x3FB3]  }
0x2c: {  	s7 =	sld [smem:$0x3FB4]  }
0x2d: {  	s3 =	simm.s32 $0x108;
	s8 =	sld [smem:$0x3FB5]  }
0x2e: {  	s3 =	simm.s32 @!p0 $0x1082;
	s9 =	sld [smem:$0x3FB6]  }
0x2f: {  	lr =	sadd.s32 s0, s3;
	s0 =	sld [smem:$0x3FAD]  }
0x30: {  	s3 =	sld [smem:$0x3FB0]  }
0x31: {  	[smem:$0x3FB9] =	sst s10  }
0x32: {  	s10 =	sld [smem:$0x3FB7];
	_ =	sdelay $0x3  }
0x33: {  	p0 =	seq.s32 s10, $0x1;
	s10 =	sld [smem:$0x3FB9];
	_ =	sdelay $0x3  }
0x34: {  	[smem:$0x3FB9] =	sst s10  }
0x35: {  	s10 =	sld [smem:$0x3FB8];
	_ =	sdelay $0x3  }
0x36: {  	p1 =	seq.s32 s10, $0x1;
	s10 =	sld [smem:$0x3FB9];
	_ =	sdelay $0x3  }
0x37: {  	[smem:$0x3FB9] =	sst s10  }
0x38: {  	s10 =	sld [smem:$0x3FBA]  }
0x39: {  	_ = 	snop;
	(pc) =	sbr.ind lr, $3  }
0x3a: {  	_ = 	snop  }
0x3b: {  	_ = 	snop  }
0x3c: {  	p2 =	seq.s32 s10, $0x1;
	s10 =	sld [smem:$0x3FB9]  }
0x3d: {  	_ =	shalt  }
0x3e: {  	_ =	shalt  }
0x3f: {  	_ =	shalt  }
0x40: {  	_ =	shalt  }
0x41: {  	_ =	shalt  }
0x42: {  	_ =	shalt  }
0x43: {  	_ =	shalt  }
0x44: {  	_ =	shalt  }
0x45: {  	_ =	shalt  }
0x46: {  	_ =	shalt  }
0x47: {  	_ =	shalt  }
0x48: {  	_ =	shalt  }
0x49: {  	_ =	shalt  }
0x4a: {  	_ =	shalt  }
0x4b: {  	_ =	shalt  }
0x4c: {  	_ =	shalt  }
0x4d: {  	_ =	shalt  }
0x4e: {  	_ =	shalt  }
0x4f: {  	_ =	shalt  }
0x50: {  	_ =	shalt  }
0x51: {  	_ =	shalt  }
0x52: {  	_ =	shalt  }
0x53: {  	_ =	shalt  }
0x54: {  	_ =	shalt  }
0x55: {  	_ =	shalt  }
0x56: {  	_ =	shalt  }
0x57: {  	_ =	shalt  }
0x58: {  	_ =	shalt  }
0x59: {  	_ =	shalt  }
0x5a: {  	_ =	shalt  }
0x5b: {  	_ =	shalt  }
0x5c: {  	_ =	shalt  }
0x5d: {  	_ =	shalt  }
0x5e: {  	_ =	shalt  }
0x5f: {  	_ =	shalt  }
0x60: {  	_ =	shalt  }
0x61: {  	_ =	shalt  }
0x62: {  	_ =	shalt  }
0x63: {  	_ =	shalt  }
0x64: {  	_ =	shalt  }
0x65: {  	_ =	shalt  }
0x66: {  	_ =	shalt  }
0x67: {  	_ =	shalt  }
0x68: {  	_ =	shalt  }
0x69: {  	_ =	shalt  }
0x6a: {  	_ =	shalt  }
0x6b: {  	_ =	shalt  }
0x6c: {  	_ =	shalt  }
0x6d: {  	_ =	shalt  }
0x6e: {  	_ =	shalt  }
0x6f: {  	_ =	shalt  }
0x70: {  	_ =	shalt  }
0x71: {  	_ =	shalt  }
0x72: {  	_ =	shalt  }
0x73: {  	_ =	shalt  }
0x74: {  	_ =	shalt  }
0x75: {  	_ =	shalt  }
0x76: {  	_ =	shalt  }
0x77: {  	_ =	shalt  }
0x78: {  	_ =	shalt  }
0x79: {  	_ =	shalt  }
0x7a: {  	_ =	shalt  }
0x7b: {  	_ =	shalt  }
0x7c: {  	_ =	shalt  }
0x7d: {  	_ =	shalt  }
0x7e: {  	_ =	shalt  }
0x7f: {  	_ =	shalt  }
0x80: {  	_ =	shalt  }
0x81: {  	_ =	shalt  }
0x82: {  	_ =	shalt  }
0x83: {  	_ =	shalt  }
0x84: {  	_ =	shalt  }
0x85: {  	_ =	shalt  }
0x86: {  	_ =	shalt  }
0x87: {  	_ =	shalt  }
.Lfunc_end0:
.L_simem_size_0:
called_computation.1_lowered:
.L_overlay_start_0:
0x88: {  	s2 =	sld [smem:$0x3FD9]  }
0x89: {  	s3 =	sld [smem:$0x3FFE];
	_ =	sdelay $0x1  }
0x8a: {  	s1 =	srdreg.scid  }
0x8b: {  	s0 =	sand.u32 $0x1, s1  }
0x8c: {  	s17 =	sshll.u32 s0, $0xA;
	s2 =	sadd.s32 s3, s2  }
0x8d: {  	s2 =	sadd.s32 s2, s17  }
0x8e: {  	[smem:$0x3FC5] =	sst s2  }
0x8f: {  	_ = 	snop  }
0x90: {  	(tm) =	ssettm $0x1  }
0x91: {  	s18 =	sld [smem:$0x3FFB];
	_ =	sdelay $0x3  }
0x92: {  	_ =	strace s18  }
0x93: {  	s2 =	sld [smem:$0x3FFC];
	_ =	sdelay $0x3  }
0x94: {  	_ =	strace s2  }
0x95: {  	s2 =	sld [smem:$0x3FFD];
	_ =	sdelay $0x3  }
0x96: {  	_ =	strace s2  }
0x97: {  	_ =	strace $0x8FFFFFFF  }
0x98: {  	s19 =	sld [smem:$0x3FDB];
	_ =	sdelay $0x1  }
0x99: {  	s20 =	simm.s32 $_scs_section_size  }
0x9a: {  	s4 =	simm.s32 $_size__tile_overlayer_lowered;
	s5 =	simm.s32 $_tile_overlayer_lowered  }
0x9b: {  	s6 =	simm.s32 $0x1BFF;
	s21 =	sshll.u32 s5, $0x1;
	s3 =	sadd.s32 s20, s19  }
0x9c: {  	s22 =	simm.s32 $0x0;
	s4 =	sshll.u32 s4, $0x1;
	s5 =	sadd.s32 s21, s3  }
0x9d: {  	[timem:s22], [sflag:s6] =	dma.local [hbm:s5], s4  }
0x9e: {  	_ =	swait.ge [sflag:s6], s4  }
0x9f: {  	s4 =	ssub.s32 $0x0, s4;
	[sflag:s6] =	ssyncset.done $0x0  }
0xa0: {  	[sflag:s6] =	ssyncadd.s32 s4;
	_ =	sdelay $0x1  }
0xa1: {  	s23 =	simm.s32 $0x1B8B  }
0xa2: {  	_ =	swait.ge [sflag:s23], $0x1  }
0xa3: {  	[sflag:s23] =	ssyncset.done $0x0  }
0xa4: {  	[sflag:s23] =	ssyncadd.s32 $0xFFFFFFFF  }
0xa5: {  	s4 =	sld [smem:$0x0]  }
0xa6: {  	s5 =	sand.u32 $0xFFFFFFFE, s1  }
0xa7: {  	p0 =	sne.s32 s1, s5  }
0xa8: {  	s5 =	sshll.u32 @p0 s5, $0xE  }
0xa9: {  	s5 =	sadd.s32 @p0 $0x11B8D, s5;
	s6 =	sshll.u32 @p0 s4, $0x11  }
0xaa: {  	s5 =	sor.u32 @p0 s6, s5  }
0xab: {  	[sflag:s5] =	ssyncadd.remote.s32 @p0 $0x1;
	_ =	sdelay $0x1  }
0xac: {  	s5 =	simm.s32 @p0 $0x1B8D  }
0xad: {  	_ =	swait.eq @p0 [sflag:s5], $0x1  }
0xae: {  	[sflag:s5] =	ssyncadd.s32 @p0 $0xFFFFFFFF  }
0xaf: {  	s6 =	sshll.u32 @!p0 s1, $0xE  }
0xb0: {  	s6 =	sor.u32 @!p0 $0x4000, s6;
	s5 =	simm.s32 @!p0 $0x1B8D  }
0xb1: {  	s4 =	sshll.u32 @!p0 s4, $0x11;
	s6 =	sadd.s32 @!p0 $0x11B8D, s6;
	_ =	swait.eq @!p0 [sflag:s5], $0x1  }
0xb2: {  	s4 =	sor.u32 @!p0 s4, s6;
	[sflag:s5] =	ssyncadd.s32 @!p0 $0xFFFFFFFF  }
0xb3: {  	s25 =	simm.s32 $0x1B8E;
	s24 =	sld [smem:$0x3FFE];
	[sflag:s4] =	ssyncadd.remote.s32 @!p0 $0x1  }
0xb4: {  	s26 =	simm.s32 $execute0_lowered;
	[smem:$0x3FD2] =	sst s25  }
0xb5: {  	s5 =	sshll.u32 s26, $0x1;
	_ =	strace $0x80000049;
	[dreg:$0x1] =	wrdreg $0xFFFFFFFF  }
0xb6: {  	s28 =	simm.s32 $_size_execute0_lowered;
	s3 =	sadd.s32 s3, s5;
	[dreg:$0x0] =	wrdreg $0x0  }
0xb7: {  	s5 =	sshll.u32 s28, $0x1;
	[dreg:$0x2] =	wrdreg s3  }
0xb8: {  	[dreg:$0x3] =	wrdreg s5  }
0xb9: {  	[dreg:$0x4] =	wrdreg $0xC0  }
0xba: {  	_ =	task [dreg:s22], $0x5FFFF  }
0xbb: {  	[dreg:$0x1] =	wrdreg $0xFFFFFFFF  }
0xbc: {  	[dreg:$0x0] =	wrdreg $0x60  }
0xbd: {  	[dreg:$0x2] =	wrdreg s24  }
0xbe: {  	[dreg:$0x3] =	wrdreg $0xA  }
0xbf: {  	_ =	task.clear_ibuf [dreg:s22], $0x4FFFF;
	_ =	strace $0x90000049  }
0xc0: {  	s29 =	simm.s32 $0xA;
	_ =	strace $0x8000004B  }
0xc1: {  	_ =	swait.ge [sflag:s29], $0x1  }
0xc2: {  	[sflag:s29] =	ssyncadd.s32 $0xFFFFFFFF  }
0xc3: {  	_ =	strace $0x9000004B  }
0xc4: {  	_ =	sfence  }
0xc5: {  	s30 =	sld [smem:$0x0];
	_ =	sdelay $0x2  }
0xc6: {  	s31 =	sshll.u32 s1, $0xD;
	s1 =	sshrl.u32 s1, $0x2  }
0xc7: {  	s4 =	sand.u32 $0x4000, s31;
	s1 =	sadd.s32 s1, s30  }
0xc8: {  	s0 =	sor.u32 s4, s0;
	s1 =	sshll.u32 s1, $0x11  }
0xc9: {  	s0 =	sor.u32 s1, s0  }
0xca: {  	s0 =	sadd.s32 $0x8F2B, s0  }
0xcb: {  	[sflag:s0] =	ssyncadd.remote.s32 $0x1  }
0xcc: {  	_ =	sfence.sel $0xFFFF  }
0xcd: {  	[dreg:$0x0] =	wrdreg $0xFFFFFFFF;
	(pc) =	sbr.abs _section_cstart, $3  }
0xce: {  	[dreg:$0x1] =	wrdreg $0xFFFFFFFF  }
0xcf: {  	_ =	task.clear_ibuf [dreg:s22], $0x2FFFF;
	_ =	strace $0x9FFFFFFF  }
0xd0: {  	(tm) =	ssettm $0x7FFFFFFF  }
0xd1: {  	_ =	shalt  }
tec
execute0_lowered:
.L_overlay_start_1:
0x0: {  	(tag) =	ssettag $0x1  }
0x1: {  	s0 =	rddreg [dreg:$0x0]  }
0x2: {  	s1 =	simm.s32 $0x0;
	s2 =	srdreg.scid;
	s11 =	stileid.u32  }
0x3: {  	s17 =	simm.s32 $0x9;
	s18 =	simm.s32 $0x200;
	s28 =	simm.s32 $0x4200  }
0x4: {  	s29 =	simm.s32 $0xFA00;
	s30 =	simm.s32 $0x1;
	s31 =	simm.s32 $0x800  }
0x5: {  	[smem:$0x7FF] =	sst s1;
	s3 =	sadd.s32 $0xC00, s0;
	s2 =	sand.u32 $0x1, s2  }
0x6: {  	s4 =	sadd.s32 $0x147E00, s0;
	s6 =	sshll.u32 s11, $0x1;
	s7 =	sshll.u32 s11, $0xE  }
0x7: {  	s25 =	sshll.u32 s11, $0x7;
	_ =	strace $0x8000004A;
	s5 =	ssub.s32 $0x2, s2  }
0x8: {  	s12 =	sor.u32 s2, s6;
	s0 =	sadd.s32 s7, s0;
	s7 =	simm.s32 $0x1C40  }
0x9: {  	s21 =	sshll.u32 s2, $0xD;
	s2 =	sshll.u32 s2, $0x6;
	s8 =	sshrl.u32 s5, $0x1  }
0xa: {  	s6 =	sor.u32 $0x60, s12;
	s19 =	ssub.s32 $0x1E3, s12;
	s10 =	sshll.u32 s12, $0x3  }
0xb: {  	s0 =	sadd.s32 s21, s0;
	s23 =	sadd.s32 $0x20, s12;
	s24 =	sadd.s32 $0x60, s12  }
0xc: {  	[dreg:$0x2] =	wrdreg s12;
	s26 =	sadd.s32 $0x40, s12;
	s5 =	ssub.s32 s5, s8  }
0xd: {  	p0 =	sgt.u32 s6, $0x70;
	s8 =	sshll.u32 s6, $0x6;
	[dreg:$0x9] =	wrdreg s23  }
0xe: {  	s10 =	sadd.s32 s4, s10;
	s0 =	sadd.s32 $0x148E00, s0;
	[dreg:$0xa] =	wrdreg s24  }
0xf: {  	[dreg:$0xb] =	wrdreg s26;
	s23 =	simm.s32 $0xDA00;
	s24 =	simm.s32 $0xE200  }
0x10: {  	s26 =	simm.s32 $0xF200;
	s7 =	simm.s32 @!p0 $0x0;
	p0 =	slt.u32 s6, $0x71  }
0x11: {  	s9 =	sadd.s32 $0xFFFFE3C0, s8;
	s6 =	sshrl.u32 s19, $0x5;
	[dreg:$0x3] =	wrdreg s10  }
0x12: {  	s20 =	sadd.s32 $0x100, s10;
	s22 =	sadd.s32 $0x200, s10;
	[dreg:$0x8] =	wrdreg s0  }
0x13: {  	s5 =	smax.u32 s5, $0x1;
	s0 =	sor.u32 s2, s25;
	[dreg:$0x4] =	wrdreg s20  }
.Ltmp0:
0x14: {  	s9 =	smov.u32 @p0 s8;
	[dreg:$0x5] =	wrdreg s22;
	(pc) =	sbr.rel .LBB2_1-.Ltmp0, $4  }
0x15: {  	s25 =	simm.s32 $0xEA00;
	[dreg:$0x7] =	wrdreg s5;
	s7 =	sadd.s32 s9, s7  }
0x16: {  	v2 =	vlaneseq.u32;
	s2 =	simm.s32 $0x2;
	[dreg:$0xc] =	wrdreg s0;
	s7 =	sshrl.u32 s7, $0x3  }
0x17: {  	vm0 =	vmmov $0xffff;
	v1 =	vshrl.u32 v2, $0x3;
	s0 =	simm.s32 $0x2000;
	s8 =	simm.s32 $0x5;
	s7 =	sadd.s32 s4, s7  }
0x18: {  	v0 =	vand.u32 $0x7, v2;
	v2 =	vor.u32 $0x8, v2;
	v1 =	vmul.u32 $0x8, v1;
	s9 =	simm.s32 $0x6;
	[dreg:$0x6] =	wrdreg s7;
	s7 =	simm.s32 $0x0  }
.LBB2_11:
0x19: {  	s7 =	rddreg [dreg:$0xd]  }
0x1a: {  	s5 =	rddreg [dreg:$0x7];
	s7 =	sadd.s32 $0x1, s7  }
0x1b: {  	p0 =	sne.s32 s7, s5  }
.Ltmp1:
0x1c: {  	_ = 	snop;
	(pc) =	sbr.rel @!p0 .LBB2_12-.Ltmp1, $1  }
0x1d: {  	_ =	sdelay $0x3  }
.LBB2_1:
0x1e: {  	[dreg:$0xd] =	wrdreg s7  }
0x1f: {  	s5 =	rddreg [dreg:$0x3]  }
0x20: {  	[tilespmem:s1], [sflag:$0x9] =	stream.linear.gather [hbm4b:s5+s1], $0x40, $0x38;
	[tilespmem:$0x10200] =	vst v63  }
0x21: {  	_ =	swait.ge [sflag:s17], $0x40  }
0x22: {  	[sflag:s17] =	ssyncset.done $0x0  }
0x23: {  	[sflag:s17] =	ssyncadd.s32 $0xFFFFFFC0  }
0x24: {  	v3 =	vld [tilespmem:$0x0];
	_ =	sdelay $0x4  }
0x25: {  	v4 =	vshll.u32 v3, $0x1  }
0x26: {  	v3 =	vand.u32 $0x7, v3;
	v4 =	vand.u32 $0xFFFFFFF0, v4  }
0x27: {  	v3 =	vor.u32 v3, v4  }
0x28: {  	v4 =	vperm.xlane v3, v0;
	_ =	sdelay $0x1  }
0x29: {  	v3 =	vperm.xlane v3, v2;
	v4 =	vadd.s32 v1, v4;
	_ =	sdelay $0x1  }
0x2a: {  	v3 =	vadd.s32 v1, v3;
	_ =	sdelay $0x2  }
0x2b: {  	[tilespmem:s18], [sflag:$0x1] =	stream.indirect_vreg.gather [hbm4b:s3+s1], $0x80, v4, vm0, $0xb8;
	[tilespmem:$0x10200] =	vst v63  }
0x2c: {  	s14 =	simm.s32 $0xA00  }
0x2d: {  	[tilespmem:s14], [sflag:$0x1] =	stream.indirect_vreg.gather [hbm4b:s3+s1], $0x80, v3, vm0, $0xb8;
	[tilespmem:$0x10200] =	vst v63  }
0x2e: {  	v3 =	vld [tilespmem:$0x10];
	_ =	sdelay $0x4  }
0x2f: {  	v49 =	vshll.u32 v3, $0x1  }
0x30: {  	v3 =	vand.u32 $0x7, v3;
	v4 =	vand.u32 $0xFFFFFFF0, v49  }
0x31: {  	v3 =	vor.u32 v3, v4  }
0x32: {  	v4 =	vperm.xlane v3, v0;
	_ =	sdelay $0x1  }
0x33: {  	v3 =	vperm.xlane v3, v2;
	v4 =	vadd.s32 v1, v4;
	_ =	sdelay $0x1  }
0x34: {  	v3 =	vadd.s32 v1, v3;
	_ =	sdelay $0x1  }
0x35: {  	s15 =	simm.s32 $0x1200  }
0x36: {  	[tilespmem:s15], [sflag:$0x1] =	stream.indirect_vreg.gather [hbm4b:s3+s1], $0x80, v4, vm0, $0xb8;
	[tilespmem:$0x10200] =	vst v63  }
0x37: {  	s16 =	simm.s32 $0x1A00  }
0x38: {  	[tilespmem:s16], [sflag:$0x1] =	stream.indirect_vreg.gather [hbm4b:s3+s1], $0x80, v3, vm0, $0xb8;
	[tilespmem:$0x10200] =	vst v63  }
0x39: {  	v3 =	vld [tilespmem:$0x20];
	_ =	sdelay $0x4  }
0x3a: {  	v50 =	vshll.u32 v3, $0x1  }
0x3b: {  	v3 =	vand.u32 $0x7, v3;
	v4 =	vand.u32 $0xFFFFFFF0, v50  }
0x3c: {  	v3 =	vor.u32 v3, v4  }
0x3d: {  	v4 =	vperm.xlane v3, v0;
	_ =	sdelay $0x1  }
0x3e: {  	v3 =	vperm.xlane v3, v2;
	v4 =	vadd.s32 v1, v4;
	_ =	sdelay $0x1  }
0x3f: {  	v3 =	vadd.s32 v1, v3;
	_ =	sdelay $0x1  }
0x40: {  	s19 =	simm.s32 $0x2200  }
0x41: {  	[tilespmem:s19], [sflag:$0x1] =	stream.indirect_vreg.gather [hbm4b:s3+s1], $0x80, v4, vm0, $0xb8;
	[tilespmem:$0x10200] =	vst v63  }
0x42: {  	s20 =	simm.s32 $0x2A00  }
0x43: {  	[tilespmem:s20], [sflag:$0x1] =	stream.indirect_vreg.gather [hbm4b:s3+s1], $0x80, v3, vm0, $0xb8;
	[tilespmem:$0x10200] =	vst v63  }
0x44: {  	v3 =	vld [tilespmem:$0x30];
	_ =	sdelay $0x4  }
0x45: {  	v51 =	vshll.u32 v3, $0x1  }
0x46: {  	v3 =	vand.u32 $0x7, v3;
	v4 =	vand.u32 $0xFFFFFFF0, v51  }
0x47: {  	v3 =	vor.u32 v3, v4  }
0x48: {  	v4 =	vperm.xlane v3, v0;
	_ =	sdelay $0x1  }
0x49: {  	v3 =	vperm.xlane v3, v2;
	v4 =	vadd.s32 v1, v4;
	_ =	sdelay $0x1  }
0x4a: {  	v3 =	vadd.s32 v1, v3;
	_ =	sdelay $0x1  }
0x4b: {  	s21 =	simm.s32 $0x3200  }
0x4c: {  	[tilespmem:s21], [sflag:$0x1] =	stream.indirect_vreg.gather [hbm4b:s3+s1], $0x80, v4, vm0, $0xb8;
	[tilespmem:$0x10200] =	vst v63  }
0x4d: {  	s22 =	simm.s32 $0x3A00  }
0x4e: {  	[tilespmem:s22], [sflag:$0x1] =	stream.indirect_vreg.gather [hbm4b:s3+s1], $0x80, v3, vm0, $0xb8;
	[tilespmem:$0x10200] =	vst v63  }
0x4f: {  	s10 =	simm.s32 $0x80;
	s7 =	rddreg [dreg:$0x4]  }
0x50: {  	[tilespmem:s10], [sflag:$0x9] =	stream.linear.gather [hbm4b:s7+s1], $0x40, $0x38;
	[tilespmem:$0x10200] =	vst v63  }
0x51: {  	_ =	swait.ge [sflag:s17], $0x40  }
0x52: {  	[sflag:s17] =	ssyncset.done $0x0  }
0x53: {  	[sflag:s17] =	ssyncadd.s32 $0xFFFFFFC0  }
0x54: {  	v3 =	vld [tilespmem:$0x80];
	_ =	sdelay $0x4  }
0x55: {  	v52 =	vshll.u32 v3, $0x1  }
0x56: {  	v3 =	vand.u32 $0x7, v3;
	v4 =	vand.u32 $0xFFFFFFF0, v52  }
0x57: {  	v3 =	vor.u32 v3, v4  }
0x58: {  	v4 =	vperm.xlane v3, v0;
	_ =	sdelay $0x1  }
0x59: {  	v3 =	vperm.xlane v3, v2;
	v4 =	vadd.s32 v1, v4;
	_ =	sdelay $0x1  }
0x5a: {  	v3 =	vadd.s32 v1, v3;
	_ =	sdelay $0x2  }
0x5b: {  	[tilespmem:s28], [sflag:$0x2] =	stream.indirect_vreg.gather [hbm4b:s3+s1], $0x80, v4, vm0, $0xb8;
	[tilespmem:$0x10200] =	vst v63  }
0x5c: {  	s11 =	simm.s32 $0x4A00  }
0x5d: {  	[tilespmem:s11], [sflag:$0x2] =	stream.indirect_vreg.gather [hbm4b:s3+s1], $0x80, v3, vm0, $0xb8;
	[tilespmem:$0x10200] =	vst v63  }
0x5e: {  	v3 =	vld [tilespmem:$0x90];
	_ =	sdelay $0x4  }
0x5f: {  	v53 =	vshll.u32 v3, $0x1  }
0x60: {  	v3 =	vand.u32 $0x7, v3;
	v4 =	vand.u32 $0xFFFFFFF0, v53  }
0x61: {  	v3 =	vor.u32 v3, v4  }
0x62: {  	v4 =	vperm.xlane v3, v0;
	_ =	sdelay $0x1  }
0x63: {  	v3 =	vperm.xlane v3, v2;
	v4 =	vadd.s32 v1, v4;
	_ =	sdelay $0x1  }
0x64: {  	v3 =	vadd.s32 v1, v3;
	_ =	sdelay $0x1  }
0x65: {  	s12 =	simm.s32 $0x5200  }
0x66: {  	[tilespmem:s12], [sflag:$0x2] =	stream.indirect_vreg.gather [hbm4b:s3+s1], $0x80, v4, vm0, $0xb8;
	[tilespmem:$0x10200] =	vst v63  }
0x67: {  	s13 =	simm.s32 $0x5A00  }
0x68: {  	[tilespmem:s13], [sflag:$0x2] =	stream.indirect_vreg.gather [hbm4b:s3+s1], $0x80, v3, vm0, $0xb8;
	[tilespmem:$0x10200] =	vst v63  }
0x69: {  	v3 =	vld [tilespmem:$0xA0];
	_ =	sdelay $0x4  }
0x6a: {  	v54 =	vshll.u32 v3, $0x1  }
0x6b: {  	v3 =	vand.u32 $0x7, v3;
	v4 =	vand.u32 $0xFFFFFFF0, v54  }
0x6c: {  	v3 =	vor.u32 v3, v4  }
0x6d: {  	v4 =	vperm.xlane v3, v0;
	_ =	sdelay $0x1  }
0x6e: {  	v3 =	vperm.xlane v3, v2;
	v4 =	vadd.s32 v1, v4;
	_ =	sdelay $0x1  }
0x6f: {  	v3 =	vadd.s32 v1, v3;
	_ =	sdelay $0x1  }
0x70: {  	s14 =	simm.s32 $0x6200  }
0x71: {  	[tilespmem:s14], [sflag:$0x2] =	stream.indirect_vreg.gather [hbm4b:s3+s1], $0x80, v4, vm0, $0xb8;
	[tilespmem:$0x10200] =	vst v63  }
0x72: {  	s15 =	simm.s32 $0x6A00  }
0x73: {  	[tilespmem:s15], [sflag:$0x2] =	stream.indirect_vreg.gather [hbm4b:s3+s1], $0x80, v3, vm0, $0xb8;
	[tilespmem:$0x10200] =	vst v63  }
0x74: {  	v3 =	vld [tilespmem:$0xB0];
	_ =	sdelay $0x4  }
0x75: {  	v55 =	vshll.u32 v3, $0x1  }
0x76: {  	v3 =	vand.u32 $0x7, v3;
	v4 =	vand.u32 $0xFFFFFFF0, v55  }
0x77: {  	v3 =	vor.u32 v3, v4  }
0x78: {  	v4 =	vperm.xlane v3, v0;
	_ =	sdelay $0x1  }
0x79: {  	v3 =	vperm.xlane v3, v2;
	v4 =	vadd.s32 v1, v4;
	_ =	sdelay $0x1  }
0x7a: {  	v3 =	vadd.s32 v1, v3;
	_ =	sdelay $0x1  }
0x7b: {  	s16 =	simm.s32 $0x7200  }
0x7c: {  	[tilespmem:s16], [sflag:$0x2] =	stream.indirect_vreg.gather [hbm4b:s3+s1], $0x80, v4, vm0, $0xb8;
	[tilespmem:$0x10200] =	vst v63  }
0x7d: {  	s19 =	simm.s32 $0x7A00  }
0x7e: {  	[tilespmem:s19], [sflag:$0x2] =	stream.indirect_vreg.gather [hbm4b:s3+s1], $0x80, v3, vm0, $0xb8;
	[tilespmem:$0x10200] =	vst v63  }
0x7f: {  	s21 =	simm.s32 $0x100;
	s20 =	rddreg [dreg:$0x5]  }
0x80: {  	[tilespmem:s21], [sflag:$0x9] =	stream.linear.gather [hbm4b:s20+s1], $0x40, $0x38;
	[tilespmem:$0x10200] =	vst v63  }
0x81: {  	_ =	swait.ge [sflag:s17], $0x40  }
0x82: {  	[sflag:s17] =	ssyncset.done $0x0  }
0x83: {  	[sflag:s17] =	ssyncadd.s32 $0xFFFFFFC0  }
0x84: {  	v3 =	vld [tilespmem:$0x100];
	_ =	sdelay $0x4  }
0x85: {  	v56 =	vshll.u32 v3, $0x1  }
0x86: {  	v3 =	vand.u32 $0x7, v3;
	v4 =	vand.u32 $0xFFFFFFF0, v56  }
0x87: {  	v3 =	vor.u32 v3, v4  }
0x88: {  	v4 =	vperm.xlane v3, v0;
	_ =	sdelay $0x1  }
0x89: {  	v3 =	vperm.xlane v3, v2;
	v4 =	vadd.s32 v1, v4;
	_ =	sdelay $0x1  }
0x8a: {  	v3 =	vadd.s32 v1, v3;
	_ =	sdelay $0x1  }
0x8b: {  	s22 =	simm.s32 $0x8200  }
0x8c: {  	[tilespmem:s22], [sflag:$0x3] =	stream.indirect_vreg.gather [hbm4b:s3+s1], $0x80, v4, vm0, $0xb8;
	[tilespmem:$0x10200] =	vst v63  }
0x8d: {  	s7 =	simm.s32 $0x8A00  }
0x8e: {  	[tilespmem:s7], [sflag:$0x3] =	stream.indirect_vreg.gather [hbm4b:s3+s1], $0x80, v3, vm0, $0xb8;
	[tilespmem:$0x10200] =	vst v63  }
0x8f: {  	v3 =	vld [tilespmem:$0x110];
	_ =	sdelay $0x4  }
0x90: {  	v57 =	vshll.u32 v3, $0x1  }
0x91: {  	v3 =	vand.u32 $0x7, v3;
	v4 =	vand.u32 $0xFFFFFFF0, v57  }
0x92: {  	v3 =	vor.u32 v3, v4  }
0x93: {  	v4 =	vperm.xlane v3, v0;
	_ =	sdelay $0x1  }
0x94: {  	v3 =	vperm.xlane v3, v2;
	v4 =	vadd.s32 v1, v4;
	_ =	sdelay $0x1  }
0x95: {  	v3 =	vadd.s32 v1, v3;
	_ =	sdelay $0x1  }
0x96: {  	s10 =	simm.s32 $0x9200  }
0x97: {  	[tilespmem:s10], [sflag:$0x3] =	stream.indirect_vreg.gather [hbm4b:s3+s1], $0x80, v4, vm0, $0xb8;
	[tilespmem:$0x10200] =	vst v63  }
0x98: {  	s11 =	simm.s32 $0x9A00  }
0x99: {  	[tilespmem:s11], [sflag:$0x3] =	stream.indirect_vreg.gather [hbm4b:s3+s1], $0x80, v3, vm0, $0xb8;
	[tilespmem:$0x10200] =	vst v63  }
0x9a: {  	v3 =	vld [tilespmem:$0x120];
	_ =	sdelay $0x4  }
0x9b: {  	v58 =	vshll.u32 v3, $0x1  }
0x9c: {  	v3 =	vand.u32 $0x7, v3;
	v4 =	vand.u32 $0xFFFFFFF0, v58  }
0x9d: {  	v3 =	vor.u32 v3, v4  }
0x9e: {  	v4 =	vperm.xlane v3, v0;
	_ =	sdelay $0x1  }
0x9f: {  	v3 =	vperm.xlane v3, v2;
	v4 =	vadd.s32 v1, v4;
	_ =	sdelay $0x1  }
0xa0: {  	v3 =	vadd.s32 v1, v3;
	_ =	sdelay $0x1  }
0xa1: {  	s12 =	simm.s32 $0xA200  }
0xa2: {  	[tilespmem:s12], [sflag:$0x3] =	stream.indirect_vreg.gather [hbm4b:s3+s1], $0x80, v4, vm0, $0xb8;
	[tilespmem:$0x10200] =	vst v63  }
0xa3: {  	s13 =	simm.s32 $0xAA00  }
0xa4: {  	[tilespmem:s13], [sflag:$0x3] =	stream.indirect_vreg.gather [hbm4b:s3+s1], $0x80, v3, vm0, $0xb8;
	[tilespmem:$0x10200] =	vst v63  }
0xa5: {  	v3 =	vld [tilespmem:$0x130];
	_ =	sdelay $0x4  }
0xa6: {  	v59 =	vshll.u32 v3, $0x1  }
0xa7: {  	v3 =	vand.u32 $0x7, v3;
	v4 =	vand.u32 $0xFFFFFFF0, v59  }
0xa8: {  	v3 =	vor.u32 v3, v4  }
0xa9: {  	v4 =	vperm.xlane v3, v0;
	_ =	sdelay $0x1  }
0xaa: {  	v3 =	vperm.xlane v3, v2;
	v4 =	vadd.s32 v1, v4;
	_ =	sdelay $0x1  }
0xab: {  	v3 =	vadd.s32 v1, v3;
	_ =	sdelay $0x1  }
0xac: {  	s14 =	simm.s32 $0xB200  }
0xad: {  	[tilespmem:s14], [sflag:$0x3] =	stream.indirect_vreg.gather [hbm4b:s3+s1], $0x80, v4, vm0, $0xb8;
	[tilespmem:$0x10200] =	vst v63  }
0xae: {  	s15 =	simm.s32 $0xBA00  }
0xaf: {  	[tilespmem:s15], [sflag:$0x3] =	stream.indirect_vreg.gather [hbm4b:s3+s1], $0x80, v3, vm0, $0xb8;
	[tilespmem:$0x10200] =	vst v63  }
0xb0: {  	s19 =	simm.s32 $0x180;
	s16 =	rddreg [dreg:$0x6]  }
0xb1: {  	[tilespmem:s19], [sflag:$0x9] =	stream.linear.gather [hbm4b:s16+s1], $0x40, $0x38;
	[tilespmem:$0x10200] =	vst v63  }
0xb2: {  	_ =	swait.ge [sflag:s17], $0x40  }
0xb3: {  	[sflag:s17] =	ssyncset.done $0x0  }
0xb4: {  	[sflag:s17] =	ssyncadd.s32 $0xFFFFFFC0  }
0xb5: {  	v3 =	vld [tilespmem:$0x180];
	_ =	sdelay $0x4  }
0xb6: {  	v60 =	vshll.u32 v3, $0x1  }
0xb7: {  	v3 =	vand.u32 $0x7, v3;
	v4 =	vand.u32 $0xFFFFFFF0, v60  }
0xb8: {  	v3 =	vor.u32 v3, v4  }
0xb9: {  	v4 =	vperm.xlane v3, v0;
	_ =	sdelay $0x1  }
0xba: {  	v3 =	vperm.xlane v3, v2;
	v4 =	vadd.s32 v1, v4;
	_ =	sdelay $0x1  }
0xbb: {  	v3 =	vadd.s32 v1, v3;
	_ =	sdelay $0x1  }
0xbc: {  	s20 =	simm.s32 $0xC200  }
0xbd: {  	[tilespmem:s20], [sflag:$0x4] =	stream.indirect_vreg.gather [hbm4b:s3+s1], $0x80, v4, vm0, $0xb8;
	[tilespmem:$0x10200] =	vst v63  }
0xbe: {  	s21 =	simm.s32 $0xCA00  }
0xbf: {  	[tilespmem:s21], [sflag:$0x4] =	stream.indirect_vreg.gather [hbm4b:s3+s1], $0x80, v3, vm0, $0xb8;
	[tilespmem:$0x10200] =	vst v63  }
0xc0: {  	v3 =	vld [tilespmem:$0x190];
	_ =	sdelay $0x4  }
0xc1: {  	v61 =	vshll.u32 v3, $0x1  }
0xc2: {  	v3 =	vand.u32 $0x7, v3;
	v4 =	vand.u32 $0xFFFFFFF0, v61  }
0xc3: {  	v3 =	vor.u32 v3, v4  }
0xc4: {  	v4 =	vperm.xlane v3, v0;
	_ =	sdelay $0x1  }
0xc5: {  	v3 =	vperm.xlane v3, v2;
	v4 =	vadd.s32 v1, v4;
	_ =	sdelay $0x1  }
0xc6: {  	v3 =	vadd.s32 v1, v3;
	_ =	sdelay $0x1  }
0xc7: {  	s22 =	simm.s32 $0xD200  }
0xc8: {  	[tilespmem:s22], [sflag:$0x4] =	stream.indirect_vreg.gather [hbm4b:s3+s1], $0x80, v4, vm0, $0xb8;
	[tilespmem:$0x10200] =	vst v63  }
0xc9: {  	_ = 	snop  }
0xca: {  	[tilespmem:s23], [sflag:$0x4] =	stream.indirect_vreg.gather [hbm4b:s3+s1], $0x80, v3, vm0, $0xb8;
	[tilespmem:$0x10200] =	vst v63  }
0xcb: {  	v3 =	vld [tilespmem:$0x1A0];
	_ =	sdelay $0x4  }
0xcc: {  	v62 =	vshll.u32 v3, $0x1  }
0xcd: {  	v3 =	vand.u32 $0x7, v3;
	v4 =	vand.u32 $0xFFFFFFF0, v62  }
0xce: {  	v3 =	vor.u32 v3, v4  }
0xcf: {  	v4 =	vperm.xlane v3, v0;
	_ =	sdelay $0x1  }
0xd0: {  	v3 =	vperm.xlane v3, v2;
	v4 =	vadd.s32 v1, v4;
	_ =	sdelay $0x1  }
0xd1: {  	v3 =	vadd.s32 v1, v3;
	_ =	sdelay $0x2  }
0xd2: {  	[tilespmem:s24], [sflag:$0x4] =	stream.indirect_vreg.gather [hbm4b:s3+s1], $0x80, v4, vm0, $0xb8;
	[tilespmem:$0x10200] =	vst v63  }
0xd3: {  	_ = 	snop  }
0xd4: {  	[tilespmem:s25], [sflag:$0x4] =	stream.indirect_vreg.gather [hbm4b:s3+s1], $0x80, v3, vm0, $0xb8;
	[tilespmem:$0x10200] =	vst v63  }
0xd5: {  	v3 =	vld [tilespmem:$0x1B0];
	_ =	sdelay $0x4  }
0xd6: {  	v63 =	vshll.u32 v3, $0x1  }
0xd7: {  	v3 =	vand.u32 $0x7, v3;
	v4 =	vand.u32 $0xFFFFFFF0, v63  }
0xd8: {  	v3 =	vor.u32 v3, v4  }
0xd9: {  	v4 =	vperm.xlane v3, v0;
	_ =	sdelay $0x1  }
0xda: {  	s7 =	rddreg [dreg:$0xc];
	v3 =	vperm.xlane v3, v2;
	v4 =	vadd.s32 v1, v4  }
0xdb: {  	s11 =	rddreg [dreg:$0xb]  }
0xdc: {  	s12 =	rddreg [dreg:$0xa];
	v3 =	vadd.s32 v1, v3  }
.Ltmp2:
0xdd: {  	s13 =	rddreg [dreg:$0x2];
	(pc) =	sbr.rel .LBB2_2-.Ltmp2, $4  }
0xde: {  	s14 =	rddreg [dreg:$0x9]  }
0xdf: {  	[tilespmem:s26], [sflag:$0x4] =	stream.indirect_vreg.gather [hbm4b:s3+s1], $0x80, v4, vm0, $0xb8;
	[tilespmem:$0x10200] =	vst v63  }
0xe0: {  	s10 =	simm.s32 $0x7;
	s16 =	simm.s32 $0x0;
	s15 =	rddreg [dreg:$0x8]  }
0xe1: {  	[tilespmem:s29], [sflag:$0x4] =	stream.indirect_vreg.gather [hbm4b:s3+s1], $0x80, v3, vm0, $0xb8;
	[tilespmem:$0x10200] =	vst v63  }
.LBB2_10:
0xe2: {  	s16 =	sadd.s32 $0x80, s16  }
0xe3: {  	p0 =	sne.s32 s16, $0x200  }
.Ltmp3:
0xe4: {  	_ = 	snop;
	(pc) =	sbr.rel @!p0 .LBB2_11-.Ltmp3, $4  }
0xe5: {  	_ = 	snop  }
0xe6: {  	s15 =	sadd.s32 $0x100000, s15  }
0xe7: {  	s14 =	sadd.s32 $0x80, s14;
	s13 =	sadd.s32 $0x80, s13;
	s12 =	sadd.s32 $0x80, s12  }
0xe8: {  	s10 =	sadd.s32 $0x4, s10;
	s11 =	sadd.s32 $0x80, s11;
	s7 =	smov.u32 s5  }
.LBB2_2:
0xe9: {  	s5 =	smulhi.u32 $0x21FB7813, s13  }
0xea: {  	s19 =	smulhi.u32 $0x21FB7813, s14  }
0xeb: {  	s20 =	ssub.s32 s13, s5  }
0xec: {  	s21 =	ssub.s32 s14, s19;
	s20 =	sshrl.u32 s20, $0x1  }
0xed: {  	s21 =	sshrl.u32 s21, $0x1;
	s5 =	sadd.s32 s5, s20  }
0xee: {  	s22 =	smulhi.u32 $0x21FB7813, s11;
	s19 =	sadd.s32 s19, s21;
	s5 =	sshrl.u32 s5, $0x6  }
0xef: {  	_ =	swait.ge [sflag:s30], $0x4000;
	s19 =	sshrl.u32 s19, $0x6;
	s5 =	smul.u32 $0xFFF1E100, s5  }
0xf0: {  	[sflag:s30] =	ssyncset.done $0x0;
	s19 =	smul.u32 $0xFFF1E100, s19  }
0xf1: {  	[sflag:s30] =	ssyncadd.s32 $0xFFFFC000  }
0xf2: {  	s21 =	ssub.s32 s11, s22;
	s5 =	sadd.s32 s5, s15;
	s19 =	sadd.s32 s19, s15  }
0xf3: {  	[hbm4b:s5+s31] =	stream.strided.scatter [tilespmem:s18], [sflag:$0x5], $0x4000, s0, s31, $0x38;
	[tilespmem:$0x10200] =	vst v63  }
0xf4: {  	s5 =	sshrl.u32 s21, $0x1;
	s19 =	sadd.s32 $0x40000, s19;
	_ =	swait.ge [sflag:s2], $0x4000  }
0xf5: {  	s5 =	sadd.s32 s22, s5;
	s22 =	sadd.s32 $0xFFFFFFFB, s10;
	[sflag:s2] =	ssyncset.done $0x0  }
0xf6: {  	s5 =	sshrl.u32 s5, $0x6;
	p1 =	sge.u32 s22, s6;
	[sflag:s2] =	ssyncadd.s32 $0xFFFFC000  }
0xf7: {  	[hbm4b:s19+s31] =	stream.strided.scatter [tilespmem:s28], [sflag:$0x6], $0x4000, s0, s31, $0x38;
	[tilespmem:$0x10200] =	vst v63  }
0xf8: {  	s5 =	smul.u32 $0xFFF1E100, s5;
	s19 =	simm.s32 @!p1 $0x3  }
0xf9: {  	s20 =	smulhi.u32 $0x21FB7813, s12;
	s21 =	simm.s32 @!p1 $0x2000;
	_ =	swait.ge @!p1 [sflag:s19], $0x4000  }
0xfa: {  	s22 =	simm.s32 @!p1 $0x8200;
	s5 =	sadd.s32 @!p1 s5, s15;
	[sflag:s19] =	ssyncset.done @!p1 $0x0  }
0xfb: {  	s5 =	sadd.s32 @!p1 $0x80000, s5;
	[sflag:s19] =	ssyncadd.s32 @!p1 $0xFFFFC000;
	s19 =	simm.s32 @!p1 $0x800  }
0xfc: {  	[hbm4b:s5+s19] =	stream.strided.scatter @!p1 [tilespmem:s22], [sflag:$0x7], $0x4000, s21, s19, $0x38;
	[tilespmem:$0x10200] =	vst v63  }
0xfd: {  	s19 =	ssub.s32 s12, s20  }
0xfe: {  	s21 =	sadd.s32 $0xFFFFFFFC, s10;
	s5 =	sshrl.u32 s19, $0x1  }
0xff: {  	p0 =	sge.u32 s21, s6;
	s5 =	sadd.s32 s20, s5  }
0x100: {  	s19 =	simm.s32 @!p0 $0x4;
	s5 =	sshrl.u32 s5, $0x6  }
0x101: {  	s22 =	sadd.s32 $0xFFFFFFFD, s10;
	_ =	swait.ge @!p0 [sflag:s19], $0x4000;
	s5 =	smul.u32 $0xFFF1E100, s5  }
0x102: {  	p2 =	sge.u32 s22, s6;
	s20 =	simm.s32 @!p0 $0x2000;
	[sflag:s19] =	ssyncset.done @!p0 $0x0  }
0x103: {  	s21 =	simm.s32 @!p0 $0xC200;
	[sflag:s19] =	ssyncadd.s32 @!p0 $0xFFFFC000;
	s5 =	sadd.s32 @!p0 s5, s15  }
.Ltmp4:
0x104: {  	s19 =	simm.s32 @!p0 $0x800;
	s5 =	sadd.s32 @!p0 $0xC0000, s5;
	(pc) =	sbr.rel @p2 .LBB2_4-.Ltmp4, $4  }
0x105: {  	[hbm4b:s5+s19] =	stream.strided.scatter @!p0 [tilespmem:s21], [sflag:$0x8], $0x4000, s20, s19, $0x38;
	[tilespmem:$0x10200] =	vst v63  }
0x106: {  	_ =	swait.ge [sflag:s8], $0x4000  }
0x107: {  	[sflag:s8] =	ssyncset.done $0x0  }
0x108: {  	s5 =	sadd.s32 $0x2000, s7;
	[sflag:s8] =	ssyncadd.s32 $0xFFFFC000  }
0x109: {  	s19 =	sadd.s32 $0x2000, s7  }
0x10a: {  	s19 =	sshrl.u32 s19, $0x3  }
0x10b: {  	s19 =	sadd.s32 s4, s19  }
0x10c: {  	[tilespmem:s1], [sflag:$0x9] =	stream.linear.gather [hbm4b:s19+s1], $0x40, $0x38;
	[tilespmem:$0x10200] =	vst v63  }
0x10d: {  	_ =	swait.ge [sflag:s17], $0x40  }
0x10e: {  	[sflag:s17] =	ssyncset.done $0x0  }
0x10f: {  	[sflag:s17] =	ssyncadd.s32 $0xFFFFFFC0  }
0x110: {  	v3 =	vld [tilespmem:$0x0];
	_ =	sdelay $0x4  }
0x111: {  	v4 =	vshll.u32 v3, $0x1  }
0x112: {  	v3 =	vand.u32 $0x7, v3;
	v4 =	vand.u32 $0xFFFFFFF0, v4  }
0x113: {  	v3 =	vor.u32 v3, v4  }
0x114: {  	v4 =	vperm.xlane v3, v0;
	_ =	sdelay $0x1  }
0x115: {  	v3 =	vperm.xlane v3, v2;
	v4 =	vadd.s32 v1, v4;
	_ =	sdelay $0x1  }
0x116: {  	v3 =	vadd.s32 v1, v3;
	_ =	sdelay $0x2  }
0x117: {  	[tilespmem:s18], [sflag:$0x1] =	stream.indirect_vreg.gather [hbm4b:s3+s1], $0x80, v4, vm0, $0xb8;
	[tilespmem:$0x10200] =	vst v63  }
0x118: {  	s22 =	simm.s32 $0xA00  }
0x119: {  	[tilespmem:s22], [sflag:$0x1] =	stream.indirect_vreg.gather [hbm4b:s3+s1], $0x80, v3, vm0, $0xb8;
	[tilespmem:$0x10200] =	vst v63  }
0x11a: {  	v3 =	vld [tilespmem:$0x10];
	_ =	sdelay $0x4  }
0x11b: {  	v61 =	vshll.u32 v3, $0x1  }
0x11c: {  	v3 =	vand.u32 $0x7, v3;
	v4 =	vand.u32 $0xFFFFFFF0, v61  }
0x11d: {  	v3 =	vor.u32 v3, v4  }
0x11e: {  	v4 =	vperm.xlane v3, v0;
	_ =	sdelay $0x1  }
0x11f: {  	v3 =	vperm.xlane v3, v2;
	v4 =	vadd.s32 v1, v4;
	_ =	sdelay $0x1  }
0x120: {  	v3 =	vadd.s32 v1, v3;
	_ =	sdelay $0x1  }
0x121: {  	s20 =	simm.s32 $0x1200  }
0x122: {  	[tilespmem:s20], [sflag:$0x1] =	stream.indirect_vreg.gather [hbm4b:s3+s1], $0x80, v4, vm0, $0xb8;
	[tilespmem:$0x10200] =	vst v63  }
0x123: {  	s21 =	simm.s32 $0x1A00  }
0x124: {  	[tilespmem:s21], [sflag:$0x1] =	stream.indirect_vreg.gather [hbm4b:s3+s1], $0x80, v3, vm0, $0xb8;
	[tilespmem:$0x10200] =	vst v63  }
0x125: {  	v3 =	vld [tilespmem:$0x20];
	_ =	sdelay $0x4  }
0x126: {  	v62 =	vshll.u32 v3, $0x1  }
0x127: {  	v3 =	vand.u32 $0x7, v3;
	v4 =	vand.u32 $0xFFFFFFF0, v62  }
0x128: {  	v3 =	vor.u32 v3, v4  }
0x129: {  	v4 =	vperm.xlane v3, v0;
	_ =	sdelay $0x1  }
0x12a: {  	v3 =	vperm.xlane v3, v2;
	v4 =	vadd.s32 v1, v4;
	_ =	sdelay $0x1  }
0x12b: {  	v3 =	vadd.s32 v1, v3;
	_ =	sdelay $0x1  }
0x12c: {  	s22 =	simm.s32 $0x2200  }
0x12d: {  	[tilespmem:s22], [sflag:$0x1] =	stream.indirect_vreg.gather [hbm4b:s3+s1], $0x80, v4, vm0, $0xb8;
	[tilespmem:$0x10200] =	vst v63  }
0x12e: {  	s20 =	simm.s32 $0x2A00  }
0x12f: {  	[tilespmem:s20], [sflag:$0x1] =	stream.indirect_vreg.gather [hbm4b:s3+s1], $0x80, v3, vm0, $0xb8;
	[tilespmem:$0x10200] =	vst v63  }
0x130: {  	v3 =	vld [tilespmem:$0x30];
	_ =	sdelay $0x4  }
0x131: {  	v63 =	vshll.u32 v3, $0x1  }
0x132: {  	v3 =	vand.u32 $0x7, v3;
	v4 =	vand.u32 $0xFFFFFFF0, v63  }
0x133: {  	v3 =	vor.u32 v3, v4  }
0x134: {  	v4 =	vperm.xlane v3, v0;
	_ =	sdelay $0x1  }
0x135: {  	v3 =	vperm.xlane v3, v2;
	v4 =	vadd.s32 v1, v4;
	_ =	sdelay $0x1  }
0x136: {  	v3 =	vadd.s32 v1, v3;
	_ =	sdelay $0x1  }
0x137: {  	s21 =	simm.s32 $0x3200  }
0x138: {  	[tilespmem:s21], [sflag:$0x1] =	stream.indirect_vreg.gather [hbm4b:s3+s1], $0x80, v4, vm0, $0xb8;
	[tilespmem:$0x10200] =	vst v63  }
0x139: {  	s22 =	simm.s32 $0x3A00  }
0x13a: {  	[tilespmem:s22], [sflag:$0x1] =	stream.indirect_vreg.gather [hbm4b:s3+s1], $0x80, v3, vm0, $0xb8;
	[tilespmem:$0x10200] =	vst v63  }
.LBB2_4:
0x13b: {  	s19 =	sadd.s32 $0xFFFFFFFE, s10  }
0x13c: {  	p2 =	sge.u32 s19, s6  }
.Ltmp5:
0x13d: {  	_ = 	snop;
	(pc) =	sbr.rel @p2 .LBB2_6-.Ltmp5, $4  }
0x13e: {  	_ = 	snop  }
0x13f: {  	_ =	swait.ge [sflag:s9], $0x4000  }
0x140: {  	[sflag:s9] =	ssyncset.done $0x0  }
0x141: {  	[sflag:s9] =	ssyncadd.s32 $0xFFFFC000  }
0x142: {  	s19 =	sadd.s32 $0x2800, s7  }
0x143: {  	s19 =	sshrl.u32 s19, $0x3  }
0x144: {  	s20 =	simm.s32 $0x80;
	s19 =	sadd.s32 s4, s19  }
0x145: {  	[tilespmem:s20], [sflag:$0x9] =	stream.linear.gather [hbm4b:s19+s1], $0x40, $0x38;
	[tilespmem:$0x10200] =	vst v63  }
0x146: {  	_ =	swait.ge [sflag:s17], $0x40  }
0x147: {  	[sflag:s17] =	ssyncset.done $0x0  }
0x148: {  	[sflag:s17] =	ssyncadd.s32 $0xFFFFFFC0  }
0x149: {  	v3 =	vld [tilespmem:$0x80];
	_ =	sdelay $0x4  }
0x14a: {  	v4 =	vshll.u32 v3, $0x1  }
0x14b: {  	v3 =	vand.u32 $0x7, v3;
	v4 =	vand.u32 $0xFFFFFFF0, v4  }
0x14c: {  	v3 =	vor.u32 v3, v4  }
0x14d: {  	v4 =	vperm.xlane v3, v0;
	_ =	sdelay $0x1  }
0x14e: {  	v3 =	vperm.xlane v3, v2;
	v4 =	vadd.s32 v1, v4;
	_ =	sdelay $0x1  }
0x14f: {  	v3 =	vadd.s32 v1, v3;
	_ =	sdelay $0x2  }
0x150: {  	[tilespmem:s28], [sflag:$0x2] =	stream.indirect_vreg.gather [hbm4b:s3+s1], $0x80, v4, vm0, $0xb8;
	[tilespmem:$0x10200] =	vst v63  }
0x151: {  	s22 =	simm.s32 $0x4A00  }
0x152: {  	[tilespmem:s22], [sflag:$0x2] =	stream.indirect_vreg.gather [hbm4b:s3+s1], $0x80, v3, vm0, $0xb8;
	[tilespmem:$0x10200] =	vst v63  }
0x153: {  	v3 =	vld [tilespmem:$0x90];
	_ =	sdelay $0x4  }
0x154: {  	v61 =	vshll.u32 v3, $0x1  }
0x155: {  	v3 =	vand.u32 $0x7, v3;
	v4 =	vand.u32 $0xFFFFFFF0, v61  }
0x156: {  	v3 =	vor.u32 v3, v4  }
0x157: {  	v4 =	vperm.xlane v3, v0;
	_ =	sdelay $0x1  }
0x158: {  	v3 =	vperm.xlane v3, v2;
	v4 =	vadd.s32 v1, v4;
	_ =	sdelay $0x1  }
0x159: {  	v3 =	vadd.s32 v1, v3;
	_ =	sdelay $0x1  }
0x15a: {  	s20 =	simm.s32 $0x5200  }
0x15b: {  	[tilespmem:s20], [sflag:$0x2] =	stream.indirect_vreg.gather [hbm4b:s3+s1], $0x80, v4, vm0, $0xb8;
	[tilespmem:$0x10200] =	vst v63  }
0x15c: {  	s21 =	simm.s32 $0x5A00  }
0x15d: {  	[tilespmem:s21], [sflag:$0x2] =	stream.indirect_vreg.gather [hbm4b:s3+s1], $0x80, v3, vm0, $0xb8;
	[tilespmem:$0x10200] =	vst v63  }
0x15e: {  	v3 =	vld [tilespmem:$0xA0];
	_ =	sdelay $0x4  }
0x15f: {  	v62 =	vshll.u32 v3, $0x1  }
0x160: {  	v3 =	vand.u32 $0x7, v3;
	v4 =	vand.u32 $0xFFFFFFF0, v62  }
0x161: {  	v3 =	vor.u32 v3, v4  }
0x162: {  	v4 =	vperm.xlane v3, v0;
	_ =	sdelay $0x1  }
0x163: {  	v3 =	vperm.xlane v3, v2;
	v4 =	vadd.s32 v1, v4;
	_ =	sdelay $0x1  }
0x164: {  	v3 =	vadd.s32 v1, v3;
	_ =	sdelay $0x1  }
0x165: {  	s22 =	simm.s32 $0x6200  }
0x166: {  	[tilespmem:s22], [sflag:$0x2] =	stream.indirect_vreg.gather [hbm4b:s3+s1], $0x80, v4, vm0, $0xb8;
	[tilespmem:$0x10200] =	vst v63  }
0x167: {  	s20 =	simm.s32 $0x6A00  }
0x168: {  	[tilespmem:s20], [sflag:$0x2] =	stream.indirect_vreg.gather [hbm4b:s3+s1], $0x80, v3, vm0, $0xb8;
	[tilespmem:$0x10200] =	vst v63  }
0x169: {  	v3 =	vld [tilespmem:$0xB0];
	_ =	sdelay $0x4  }
0x16a: {  	v63 =	vshll.u32 v3, $0x1  }
0x16b: {  	v3 =	vand.u32 $0x7, v3;
	v4 =	vand.u32 $0xFFFFFFF0, v63  }
0x16c: {  	v3 =	vor.u32 v3, v4  }
0x16d: {  	v4 =	vperm.xlane v3, v0;
	_ =	sdelay $0x1  }
0x16e: {  	v3 =	vperm.xlane v3, v2;
	v4 =	vadd.s32 v1, v4;
	_ =	sdelay $0x1  }
0x16f: {  	v3 =	vadd.s32 v1, v3;
	_ =	sdelay $0x1  }
0x170: {  	s21 =	simm.s32 $0x7200  }
0x171: {  	[tilespmem:s21], [sflag:$0x2] =	stream.indirect_vreg.gather [hbm4b:s3+s1], $0x80, v4, vm0, $0xb8;
	[tilespmem:$0x10200] =	vst v63  }
0x172: {  	s22 =	simm.s32 $0x7A00  }
0x173: {  	[tilespmem:s22], [sflag:$0x2] =	stream.indirect_vreg.gather [hbm4b:s3+s1], $0x80, v3, vm0, $0xb8;
	[tilespmem:$0x10200] =	vst v63  }
.LBB2_6:
0x174: {  	s20 =	sadd.s32 $0xFFFFFFFF, s10  }
0x175: {  	p2 =	sge.u32 s20, s6  }
.Ltmp6:
0x176: {  	_ = 	snop;
	(pc) =	sbr.rel @p2 .LBB2_8-.Ltmp6, $4  }
0x177: {  	s19 =	simm.s32 @!p1 $0x7  }
0x178: {  	_ =	swait.ge @!p1 [sflag:s19], $0x4000  }
0x179: {  	[sflag:s19] =	ssyncset.done @!p1 $0x0  }
0x17a: {  	[sflag:s19] =	ssyncadd.s32 @!p1 $0xFFFFC000  }
0x17b: {  	s19 =	sadd.s32 $0x3000, s7  }
0x17c: {  	s19 =	sshrl.u32 s19, $0x3  }
0x17d: {  	s20 =	simm.s32 $0x100;
	s19 =	sadd.s32 s4, s19  }
0x17e: {  	[tilespmem:s20], [sflag:$0x9] =	stream.linear.gather [hbm4b:s19+s1], $0x40, $0x38;
	[tilespmem:$0x10200] =	vst v63  }
0x17f: {  	_ =	swait.ge [sflag:s17], $0x40  }
0x180: {  	[sflag:s17] =	ssyncset.done $0x0  }
0x181: {  	[sflag:s17] =	ssyncadd.s32 $0xFFFFFFC0  }
0x182: {  	v3 =	vld [tilespmem:$0x100];
	_ =	sdelay $0x4  }
0x183: {  	v4 =	vshll.u32 v3, $0x1  }
0x184: {  	v3 =	vand.u32 $0x7, v3;
	v4 =	vand.u32 $0xFFFFFFF0, v4  }
0x185: {  	v3 =	vor.u32 v3, v4  }
0x186: {  	v4 =	vperm.xlane v3, v0;
	_ =	sdelay $0x1  }
0x187: {  	v3 =	vperm.xlane v3, v2;
	v4 =	vadd.s32 v1, v4;
	_ =	sdelay $0x1  }
0x188: {  	v3 =	vadd.s32 v1, v3;
	_ =	sdelay $0x1  }
0x189: {  	s21 =	simm.s32 $0x8200  }
0x18a: {  	[tilespmem:s21], [sflag:$0x3] =	stream.indirect_vreg.gather [hbm4b:s3+s1], $0x80, v4, vm0, $0xb8;
	[tilespmem:$0x10200] =	vst v63  }
0x18b: {  	s22 =	simm.s32 $0x8A00  }
0x18c: {  	[tilespmem:s22], [sflag:$0x3] =	stream.indirect_vreg.gather [hbm4b:s3+s1], $0x80, v3, vm0, $0xb8;
	[tilespmem:$0x10200] =	vst v63  }
0x18d: {  	v3 =	vld [tilespmem:$0x110];
	_ =	sdelay $0x4  }
0x18e: {  	v61 =	vshll.u32 v3, $0x1  }
0x18f: {  	v3 =	vand.u32 $0x7, v3;
	v4 =	vand.u32 $0xFFFFFFF0, v61  }
0x190: {  	v3 =	vor.u32 v3, v4  }
0x191: {  	v4 =	vperm.xlane v3, v0;
	_ =	sdelay $0x1  }
0x192: {  	v3 =	vperm.xlane v3, v2;
	v4 =	vadd.s32 v1, v4;
	_ =	sdelay $0x1  }
0x193: {  	v3 =	vadd.s32 v1, v3;
	_ =	sdelay $0x1  }
0x194: {  	s20 =	simm.s32 $0x9200  }
0x195: {  	[tilespmem:s20], [sflag:$0x3] =	stream.indirect_vreg.gather [hbm4b:s3+s1], $0x80, v4, vm0, $0xb8;
	[tilespmem:$0x10200] =	vst v63  }
0x196: {  	s21 =	simm.s32 $0x9A00  }
0x197: {  	[tilespmem:s21], [sflag:$0x3] =	stream.indirect_vreg.gather [hbm4b:s3+s1], $0x80, v3, vm0, $0xb8;
	[tilespmem:$0x10200] =	vst v63  }
0x198: {  	v3 =	vld [tilespmem:$0x120];
	_ =	sdelay $0x4  }
0x199: {  	v62 =	vshll.u32 v3, $0x1  }
0x19a: {  	v3 =	vand.u32 $0x7, v3;
	v4 =	vand.u32 $0xFFFFFFF0, v62  }
0x19b: {  	v3 =	vor.u32 v3, v4  }
0x19c: {  	v4 =	vperm.xlane v3, v0;
	_ =	sdelay $0x1  }
0x19d: {  	v3 =	vperm.xlane v3, v2;
	v4 =	vadd.s32 v1, v4;
	_ =	sdelay $0x1  }
0x19e: {  	v3 =	vadd.s32 v1, v3;
	_ =	sdelay $0x1  }
0x19f: {  	s22 =	simm.s32 $0xA200  }
0x1a0: {  	[tilespmem:s22], [sflag:$0x3] =	stream.indirect_vreg.gather [hbm4b:s3+s1], $0x80, v4, vm0, $0xb8;
	[tilespmem:$0x10200] =	vst v63  }
0x1a1: {  	s20 =	simm.s32 $0xAA00  }
0x1a2: {  	[tilespmem:s20], [sflag:$0x3] =	stream.indirect_vreg.gather [hbm4b:s3+s1], $0x80, v3, vm0, $0xb8;
	[tilespmem:$0x10200] =	vst v63  }
0x1a3: {  	v3 =	vld [tilespmem:$0x130];
	_ =	sdelay $0x4  }
0x1a4: {  	v63 =	vshll.u32 v3, $0x1  }
0x1a5: {  	v3 =	vand.u32 $0x7, v3;
	v4 =	vand.u32 $0xFFFFFFF0, v63  }
0x1a6: {  	v3 =	vor.u32 v3, v4  }
0x1a7: {  	v4 =	vperm.xlane v3, v0;
	_ =	sdelay $0x1  }
0x1a8: {  	v3 =	vperm.xlane v3, v2;
	v4 =	vadd.s32 v1, v4;
	_ =	sdelay $0x1  }
0x1a9: {  	v3 =	vadd.s32 v1, v3;
	_ =	sdelay $0x1  }
0x1aa: {  	s21 =	simm.s32 $0xB200  }
0x1ab: {  	[tilespmem:s21], [sflag:$0x3] =	stream.indirect_vreg.gather [hbm4b:s3+s1], $0x80, v4, vm0, $0xb8;
	[tilespmem:$0x10200] =	vst v63  }
0x1ac: {  	s22 =	simm.s32 $0xBA00  }
0x1ad: {  	[tilespmem:s22], [sflag:$0x3] =	stream.indirect_vreg.gather [hbm4b:s3+s1], $0x80, v3, vm0, $0xb8;
	[tilespmem:$0x10200] =	vst v63  }
.LBB2_8:
0x1ae: {  	p1 =	sge.u32 s10, s6  }
.Ltmp7:
0x1af: {  	_ = 	snop;
	(pc) =	sbr.rel @p1 .LBB2_10-.Ltmp7, $4  }
0x1b0: {  	s19 =	simm.s32 @!p0 $0x8  }
0x1b1: {  	_ =	swait.ge @!p0 [sflag:s19], $0x4000  }
0x1b2: {  	[sflag:s19] =	ssyncset.done @!p0 $0x0  }
0x1b3: {  	[sflag:s19] =	ssyncadd.s32 @!p0 $0xFFFFC000  }
0x1b4: {  	s7 =	sadd.s32 $0x3800, s7  }
0x1b5: {  	s7 =	sshrl.u32 s7, $0x3  }
0x1b6: {  	s19 =	simm.s32 $0x180;
	s7 =	sadd.s32 s4, s7  }
0x1b7: {  	[tilespmem:s19], [sflag:$0x9] =	stream.linear.gather [hbm4b:s7+s1], $0x40, $0x38;
	[tilespmem:$0x10200] =	vst v63  }
0x1b8: {  	_ =	swait.ge [sflag:s17], $0x40  }
0x1b9: {  	[sflag:s17] =	ssyncset.done $0x0  }
0x1ba: {  	[sflag:s17] =	ssyncadd.s32 $0xFFFFFFC0  }
0x1bb: {  	v3 =	vld [tilespmem:$0x180];
	_ =	sdelay $0x4  }
0x1bc: {  	v4 =	vshll.u32 v3, $0x1  }
0x1bd: {  	v3 =	vand.u32 $0x7, v3;
	v4 =	vand.u32 $0xFFFFFFF0, v4  }
0x1be: {  	v3 =	vor.u32 v3, v4  }
0x1bf: {  	v4 =	vperm.xlane v3, v0;
	_ =	sdelay $0x1  }
0x1c0: {  	v3 =	vperm.xlane v3, v2;
	v4 =	vadd.s32 v1, v4;
	_ =	sdelay $0x1  }
0x1c1: {  	v3 =	vadd.s32 v1, v3;
	_ =	sdelay $0x1  }
0x1c2: {  	s20 =	simm.s32 $0xC200  }
0x1c3: {  	[tilespmem:s20], [sflag:$0x4] =	stream.indirect_vreg.gather [hbm4b:s3+s1], $0x80, v4, vm0, $0xb8;
	[tilespmem:$0x10200] =	vst v63  }
0x1c4: {  	s21 =	simm.s32 $0xCA00  }
0x1c5: {  	[tilespmem:s21], [sflag:$0x4] =	stream.indirect_vreg.gather [hbm4b:s3+s1], $0x80, v3, vm0, $0xb8;
	[tilespmem:$0x10200] =	vst v63  }
0x1c6: {  	v3 =	vld [tilespmem:$0x190];
	_ =	sdelay $0x4  }
0x1c7: {  	v61 =	vshll.u32 v3, $0x1  }
0x1c8: {  	v3 =	vand.u32 $0x7, v3;
	v4 =	vand.u32 $0xFFFFFFF0, v61  }
0x1c9: {  	v3 =	vor.u32 v3, v4  }
0x1ca: {  	v4 =	vperm.xlane v3, v0;
	_ =	sdelay $0x1  }
0x1cb: {  	v3 =	vperm.xlane v3, v2;
	v4 =	vadd.s32 v1, v4;
	_ =	sdelay $0x1  }
0x1cc: {  	v3 =	vadd.s32 v1, v3;
	_ =	sdelay $0x1  }
0x1cd: {  	s22 =	simm.s32 $0xD200  }
0x1ce: {  	[tilespmem:s22], [sflag:$0x4] =	stream.indirect_vreg.gather [hbm4b:s3+s1], $0x80, v4, vm0, $0xb8;
	[tilespmem:$0x10200] =	vst v63  }
0x1cf: {  	_ = 	snop  }
0x1d0: {  	[tilespmem:s23], [sflag:$0x4] =	stream.indirect_vreg.gather [hbm4b:s3+s1], $0x80, v3, vm0, $0xb8;
	[tilespmem:$0x10200] =	vst v63  }
0x1d1: {  	v3 =	vld [tilespmem:$0x1A0];
	_ =	sdelay $0x4  }
0x1d2: {  	v62 =	vshll.u32 v3, $0x1  }
0x1d3: {  	v3 =	vand.u32 $0x7, v3;
	v4 =	vand.u32 $0xFFFFFFF0, v62  }
0x1d4: {  	v3 =	vor.u32 v3, v4  }
0x1d5: {  	v4 =	vperm.xlane v3, v0;
	_ =	sdelay $0x1  }
0x1d6: {  	v3 =	vperm.xlane v3, v2;
	v4 =	vadd.s32 v1, v4;
	_ =	sdelay $0x1  }
0x1d7: {  	v3 =	vadd.s32 v1, v3;
	_ =	sdelay $0x2  }
0x1d8: {  	[tilespmem:s24], [sflag:$0x4] =	stream.indirect_vreg.gather [hbm4b:s3+s1], $0x80, v4, vm0, $0xb8;
	[tilespmem:$0x10200] =	vst v63  }
0x1d9: {  	_ = 	snop  }
0x1da: {  	[tilespmem:s25], [sflag:$0x4] =	stream.indirect_vreg.gather [hbm4b:s3+s1], $0x80, v3, vm0, $0xb8;
	[tilespmem:$0x10200] =	vst v63  }
0x1db: {  	v3 =	vld [tilespmem:$0x1B0];
	_ =	sdelay $0x4  }
0x1dc: {  	v63 =	vshll.u32 v3, $0x1  }
0x1dd: {  	v3 =	vand.u32 $0x7, v3;
	v4 =	vand.u32 $0xFFFFFFF0, v63  }
0x1de: {  	v3 =	vor.u32 v3, v4  }
0x1df: {  	v4 =	vperm.xlane v3, v0;
	_ =	sdelay $0x1  }
0x1e0: {  	v3 =	vperm.xlane v3, v2;
	v4 =	vadd.s32 v1, v4;
	_ =	sdelay $0x1  }
0x1e1: {  	v3 =	vadd.s32 v1, v3  }
.Ltmp8:
0x1e2: {  	_ = 	snop;
	(pc) =	sbr.rel .LBB2_10-.Ltmp8, $4  }
0x1e3: {  	_ = 	snop  }
0x1e4: {  	[tilespmem:s26], [sflag:$0x4] =	stream.indirect_vreg.gather [hbm4b:s3+s1], $0x80, v4, vm0, $0xb8;
	[tilespmem:$0x10200] =	vst v63  }
0x1e5: {  	_ = 	snop  }
0x1e6: {  	[tilespmem:s29], [sflag:$0x4] =	stream.indirect_vreg.gather [hbm4b:s3+s1], $0x80, v3, vm0, $0xb8;
	[tilespmem:$0x10200] =	vst v63  }
.LBB2_12:
0x1e7: {  	_ =	sfence.sel $0x180000  }
0x1e8: {  	[bflag:$0x0] =	sbarrier.arrive $0xFFFF  }
0x1e9: {  	_ =	strace $0x9000004A  }
0x1ea: {  	s0 =	stileid.u32;
	[bflag:$0x2] =	sbarrier.arrive $0xFFFF  }
0x1eb: {  	p0 =	sne.s32 s0, $0x0;
	s0 =	rddreg [dreg:$0x1]  }
0x1ec: {  	s0 =	sadd.s32 @!p0 $0x100000, s0  }
0x1ed: {  	[sflag:s0] =	ssyncadd.tile.s32 @!p0 $0x1;
	_ =	shalt  }
.Lfunc_end2:
_tile_overlayer_lowered:
.L_overlay_start_2:
0x1ee: {  	(tag) =	ssettag $0x2  }
0x1ef: {  	s0 =	rddreg [dreg:$0x0];
	s2 =	stileid.u32  }
0x1f0: {  	s1 =	rddreg [dreg:$0x1];
	p0 =	sne.s32 s2, $0x0  }
0x1f1: {  	s3 =	rddreg [dreg:$0x2];
	[bflag:$0x3] =	sbarrier.arrive $0xFFFF;
	s2 =	simm.s32 @!p0 $0x1C09  }
0x1f2: {  	[timem:s3], [sflag:s2] =	dma.local @!p0 [hbm:s0], s1  }
0x1f3: {  	s0 =	simm.s32 @!p0 $0x9  }
0x1f4: {  	_ =	swait.ge @!p0 [sflag:s0], s1  }
0x1f5: {  	s1 =	ssub.s32 @!p0 $0x0, s1;
	[sflag:s0] =	ssyncset.done @!p0 $0x0  }
0x1f6: {  	[sflag:s0] =	ssyncadd.s32 @!p0 s1  }
0x1f7: {  	[bflag:$0x3] =	sbarrier.arrive $0xFFFF  }
0x1f8: {  	_ =	shalt  }

</sc_bundles>
